<compile_context>
chip_gen: v7x
topology: tpu7x:2x2x1
jax: 0.10.2.dev20260603
libtpu: 0.0.44.dev20260713+nightly
codegen_flags: <defaults>
</compile_context>

<pallas_src>
import functools

import jax
import jax.numpy as jnp
from jax import lax
from jax.experimental import pallas as pl
from jax.experimental.pallas import tpu as pltpu
from jax.experimental.pallas import tpu_sc as plsc

N = 10000
E = 320000
DF = 128
DE = 16
TE = 3
TN = 2

NW = 32
CHUNK = 128
NCHUNK = 80
PW = CHUNK * NCHUNK
EP = NW * PW
ROWS = EP * DE // 128
ROWS_REAL = E * DE // 128

def _dot(a, b):
    return lax.dot_general(a, b, (((1,), (0,)), ((), ())),
                           preferred_element_type=jnp.float32)



def _proj_body(nf_ref, w_ref, b_ref, o_ref):
    o_ref[...] = _dot(nf_ref[...], w_ref[...]) + b_ref[0:1, :]


def _proj(nf, wpad, bpad):
    return pl.pallas_call(
        _proj_body,
        grid=(5,),
        in_specs=[pl.BlockSpec((2000, DF), lambda i: (i, 0)),
                  pl.BlockSpec((DF, 96), lambda i: (0, 0)),
                  pl.BlockSpec((8, 96), lambda i: (0, 0))],
        out_specs=pl.BlockSpec((2000, 96), lambda i: (i, 0)),
        out_shape=jax.ShapeDtypeStruct((N, 96), jnp.float32),
    )(nf, wpad, bpad)



MB = 800


def _dot_h(a, b):
    return lax.dot_general(a, b, (((1,), (0,)), ((), ())),
                           preferred_element_type=jnp.float32)


def _msg_body(ef_ref, et_ref, s_ref, wbd_ref, exp_ref, o_ref):
    x = ef_ref[...]
    et8 = et_ref[...]
    acc = s_ref[...]
    for t in range(TE):
        mask = _dot_h((et8 == t).astype(jnp.float32), exp_ref[...])
        acc += mask * _dot_h(x, wbd_ref[t])
    o_ref[...] = jnp.maximum(acc, 0.0)


def _msg(ef_rs, et8, s_rs, wbd, exp8):
    return pl.pallas_call(
        _msg_body,
        grid=(ROWS_REAL // MB,),
        in_specs=[pl.BlockSpec((MB, 128), lambda i: (i, 0)),
                  pl.BlockSpec((MB, 8), lambda i: (i, 0)),
                  pl.BlockSpec((MB, 128), lambda i: (i, 0)),
                  pl.BlockSpec((TE, 128, 128), lambda i: (0, 0, 0)),
                  pl.BlockSpec((8, 128), lambda i: (0, 0))],
        out_specs=pl.BlockSpec((MB, 128), lambda i: (i, 0)),
        out_shape=jax.ShapeDtypeStruct((ROWS_REAL, 128), jnp.float32),
    )(ef_rs, et8, s_rs, wbd, exp8)



G = 4
GROUP = G * CHUNK
NG = PW // GROUP
SROW = GROUP * DE // 128
NCH = E // CHUNK
KMAX = (NCH + NW - 1) // NW


def _sc_edge_body(p_hbm, is_hbm, id_hbm, s_out_hbm,
                  iv, rv, ov, p_sh, sems0, semd0, sems1, semd1):
    semS = (sems0, sems1)
    semD = (semd0, semd1)
    cid = lax.axis_index("c")
    sid = lax.axis_index("s")
    wid = sid * 2 + cid

    if True:
        @pl.when(sid == 0)
        def _():
            pltpu.sync_copy(p_hbm, p_sh)

        plsc.subcore_barrier()

        base = wid * PW
        brow = wid * (PW // CHUNK)

        def load(g, sl):
            pltpu.sync_copy(is_hbm.at[pl.ds(brow + g * G, G)], iv.at[sl, 0])
            pltpu.sync_copy(id_hbm.at[pl.ds(brow + g * G, G)], iv.at[sl, 1])

        def fire(sl):
            for j in range(G):
                pltpu.async_copy(p_sh.at[iv.at[sl, 0, j]],
                                 rv.at[sl, 0, pl.ds(j * CHUNK, CHUNK)],
                                 semS[sl])
                pltpu.async_copy(p_sh.at[iv.at[sl, 1, j]],
                                 rv.at[sl, 1, pl.ds(j * CHUNK, CHUNK)],
                                 semD[sl])

        def wait(sl):
            for j in range(G):
                pltpu.make_async_copy(p_sh.at[iv.at[sl, 0, j]],
                                      rv.at[sl, 0, pl.ds(j * CHUNK, CHUNK)],
                                      semS[sl]).wait()
                pltpu.make_async_copy(p_sh.at[iv.at[sl, 1, j]],
                                      rv.at[sl, 1, pl.ds(j * CHUNK, CHUNK)],
                                      semD[sl]).wait()

        def compute(sl):
            @pl.loop(0, SROW)
            def _(j):
                for k in range(128 // DE):
                    e = j * (128 // DE) + k
                    ov[sl, j, pl.ds(k * DE, DE)] = (rv[sl, 0, e, :]
                                                    + rv[sl, 1, e, :])

        def store(g, sl):
            pltpu.sync_copy(ov.at[sl],
                            s_out_hbm.at[pl.ds(base // 8 + g * SROW, SROW)])

        load(0, 0)
        fire(0)

        @pl.loop(0, NG, step=2)
        def _(g):
            load(g + 1, 1)
            fire(1)
            wait(0)
            compute(0)
            store(g, 0)

            @pl.when(g + 2 < NG)
            def _():
                load(g + 2, 0)
                fire(0)

            wait(1)
            compute(1)
            store(g + 1, 1)


def _sc_scatter_body(uef_hbm, didx_hbm, zero_hbm, part_hbm,
                     vv, vw, iv2, agg_sh, seml0, seml1):
    cid = lax.axis_index("c")
    sid = lax.axis_index("s")
    wid = sid * 2 + cid

    if True:
        @pl.when(sid == 0)
        def _():
            pltpu.sync_copy(zero_hbm, agg_sh)

        plsc.subcore_barrier()

        sems2 = (seml0, seml1)

        def aload(k, sl):
            c = wid + k * NW
            pltpu.async_copy(uef_hbm.at[pl.ds(c * DE, DE)], vv.at[sl],
                             sems2[sl])
            pltpu.async_copy(didx_hbm.at[pl.ds(c * CHUNK, CHUNK)], iv2.at[sl],
                             sems2[sl])

        def wload(k, sl):
            c = wid + k * NW
            pltpu.make_async_copy(uef_hbm.at[pl.ds(c * DE, DE)], vv.at[sl],
                                  sems2[sl]).wait()
            pltpu.make_async_copy(didx_hbm.at[pl.ds(c * CHUNK, CHUNK)],
                                  iv2.at[sl], sems2[sl]).wait()

        def sadd(sl):
            @pl.loop(0, DE)
            def _(j):
                for kk in range(128 // DE):
                    vw[sl, j * (128 // DE) + kk, :] = \
                        vv[sl, j, pl.ds(kk * DE, DE)]
            pltpu.sync_copy(vw.at[sl], agg_sh.at[iv2.at[sl]], add=True)

        nk = 78 + jnp.where(wid + 78 * NW < NCH, 1, 0)

        aload(0, 0)

        @pl.loop(0, KMAX, step=2)
        def _(k):
            @pl.when(k < nk)
            def _():
                @pl.when(k + 1 < nk)
                def _():
                    aload(k + 1, 1)

                wload(k, 0)
                sadd(0)

                @pl.when(k + 2 < nk)
                def _():
                    aload(k + 2, 0)

                @pl.when(k + 1 < nk)
                def _():
                    wload(k + 1, 1)
                    sadd(1)

        plsc.subcore_barrier()
        rows = N // 16
        pltpu.sync_copy(agg_sh.at[pl.ds(sid * rows, rows)],
                        part_hbm.at[cid, pl.ds(sid * rows, rows)])


def _sc_edge(p8, idx_s2, idx_d2):
    mesh = plsc.VectorSubcoreMesh(core_axis_name="c", subcore_axis_name="s")
    f = pl.kernel(
        _sc_edge_body,
        mesh=mesh,
        compiler_params=pltpu.CompilerParams(use_tc_tiling_on_sc=False),
        out_type=jax.ShapeDtypeStruct((ROWS, 128), jnp.float32),
        scratch_types=[pltpu.VMEM((2, 2, G, CHUNK), jnp.int32),
                       pltpu.VMEM((2, 2, GROUP, DE), jnp.float32),
                       pltpu.VMEM((2, SROW, 128), jnp.float32),
                       pltpu.VMEM_SHARED((N * 6, DE), jnp.float32),
                       pltpu.SemaphoreType.DMA,
                       pltpu.SemaphoreType.DMA,
                       pltpu.SemaphoreType.DMA,
                       pltpu.SemaphoreType.DMA],
    )
    return f(p8, idx_s2, idx_d2)


def _sc_scatter(uef, dst, zeros_n):
    mesh = plsc.VectorSubcoreMesh(core_axis_name="c", subcore_axis_name="s")
    f = pl.kernel(
        _sc_scatter_body,
        mesh=mesh,
        compiler_params=pltpu.CompilerParams(use_tc_tiling_on_sc=False),
        out_type=jax.ShapeDtypeStruct((2, N, DE), jnp.float32),
        scratch_types=[pltpu.VMEM((2, DE, 128), jnp.float32),
                       pltpu.VMEM((2, CHUNK, DE), jnp.float32),
                       pltpu.VMEM((2, CHUNK), jnp.int32),
                       pltpu.VMEM_SHARED((N, DE), jnp.float32),
                       pltpu.SemaphoreType.DMA,
                       pltpu.SemaphoreType.DMA],
    )
    return f(uef, dst, zeros_n)



def _node_body(part_ref, nf_ref, nt_ref, wa_ref, wb_ref, bn_ref, o_ref):
    agg = part_ref[0] + part_ref[1]
    x = nf_ref[...]
    nt = nt_ref[...]
    y0 = jnp.maximum(_dot(agg, wa_ref[0]) + _dot(x, wb_ref[0]) + bn_ref[0], 0.0)
    y1 = jnp.maximum(_dot(agg, wa_ref[1]) + _dot(x, wb_ref[1]) + bn_ref[1], 0.0)
    o_ref[...] = jnp.where(nt == 0, y0, y1)


def _node(part, nf, ntype2, wa, wb, bn_pad):
    return pl.pallas_call(
        _node_body,
        grid=(5,),
        in_specs=[pl.BlockSpec((2, 2000, DE), lambda i: (0, i, 0)),
                  pl.BlockSpec((2000, DF), lambda i: (i, 0)),
                  pl.BlockSpec((2000, 1), lambda i: (i, 0)),
                  pl.BlockSpec((TN, DE, DF), lambda i: (0, 0, 0)),
                  pl.BlockSpec((TN, DF, DF), lambda i: (0, 0, 0)),
                  pl.BlockSpec((8, DF), lambda i: (0, 0))],
        out_specs=pl.BlockSpec((2000, DF), lambda i: (i, 0)),
        out_shape=jax.ShapeDtypeStruct((N, DF), jnp.float32),
    )(part, nf, ntype2, wa, wb, bn_pad)



def kernel(nf, ef, edge_index, etype, ntype, We, be, Wn, bn):
    src = edge_index[0]
    dst = edge_index[1]

    ws = jnp.transpose(We[:, DE:DE + DF, :], (1, 0, 2)).reshape(DF, TE * DE)
    wd = jnp.transpose(We[:, DE + DF:, :], (1, 0, 2)).reshape(DF, TE * DE)
    wpad = jnp.concatenate([ws, wd], axis=1)
    eye8 = jnp.eye(8, dtype=jnp.float32)
    wbd = jax.vmap(lambda w: jnp.kron(eye8, w))(We[:, :DE, :])
    bpad = jnp.tile(jnp.concatenate(
        [jnp.zeros((3, DE), jnp.float32), be], axis=0).reshape(1, 96), (8, 1))
    wa = Wn[:, :DE, :]
    wb = Wn[:, DE:, :]
    bn_pad = jnp.concatenate(
        [bn, jnp.zeros((8 - TN, DF), jnp.float32)], axis=0)

    pad = EP - E
    idx_s2 = jnp.pad(src * 6 + etype, (0, pad)).reshape(EP // CHUNK, CHUNK)
    idx_d2 = jnp.pad(dst * 6 + 3 + etype, (0, pad)).reshape(EP // CHUNK, CHUNK)
    ef_rs = ef.reshape(ROWS_REAL, 128)
    et8 = etype.reshape(E // 8, 8)
    exp8 = jnp.kron(jnp.eye(8, dtype=jnp.float32),
                    jnp.ones((1, DE), jnp.float32))
    ntype2 = ntype.reshape(N, 1)
    zeros_n = jnp.zeros((N, DE), jnp.float32)

    p = _proj(nf, wpad, bpad)
    p8 = p.reshape(N * 6, DE)

    s_rs = _sc_edge(p8, idx_s2, idx_d2)

    msg128 = _msg(ef_rs, et8, s_rs, wbd, exp8)

    part = _sc_scatter(msg128, dst, zeros_n)
    updated_nf = _node(part, nf, ntype2, wa, wb, bn_pad)

    return (updated_nf, msg128.reshape(E, DE))

# --- scband reference (transcript-rebuilt; emitter-appended) ---
"""Pipeline reference for scband-relational-message-passing-neural-network-64424509440348 (READ-ONLY COPY).

The authoritative reference and input builder live on the scoring server;
editing this copy changes nothing except your own understanding.
"""

import jax, jax.numpy as jnp
import numpy as np

N = 10000
E = 320000
DF = 128
DE = 16
TE = 3
TN = 2


def setup_inputs(seed: int = 0) -> dict:
    key = jax.random.key(seed)
    ks = jax.random.split(key, 10)
    nf = jax.random.normal(ks[0], (N, DF), dtype=jnp.float32)
    ef = jax.random.normal(ks[1], (E, DE), dtype=jnp.float32)
    edge_index = jax.random.randint(ks[2], (2, E), 0, N, dtype=jnp.int32)
    etype = jax.random.randint(ks[3], (E,), 0, TE, dtype=jnp.int32)
    ntype = jax.random.randint(ks[4], (N,), 0, TN, dtype=jnp.int32)
    # per-type edge experts: Linear(d_edge + 2*d_feat -> d_edge) + ReLU, stacked over types
    We = jax.random.normal(ks[5], (TE, DE + 2 * DF, DE), dtype=jnp.float32) * 0.05
    be = jnp.zeros((TE, DE), dtype=jnp.float32)
    # per-type node experts: Linear(d_edge + d_feat -> d_feat) + ReLU, stacked over types
    Wn = jax.random.normal(ks[6], (TN, DE + DF, DF), dtype=jnp.float32) * 0.05
    bn = jnp.zeros((TN, DF), dtype=jnp.float32)
    return {"nf": nf, "ef": ef, "edge_index": edge_index, "etype": etype,
            "ntype": ntype, "We": We, "be": be, "Wn": Wn, "bn": bn}


def reference(nf, ef, edge_index, etype, ntype, We, be, Wn, bn):
    src = edge_index[0]
    dst = edge_index[1]
    # ---- edge_update: per-edge-type expert applied to [ef, src_nf, dst_nf] ----
    em_input = jnp.concatenate([ef, jnp.take(nf, src, axis=0), jnp.take(nf, dst, axis=0)], axis=-1)
    all_e = jax.nn.relu(jnp.einsum('ed,tdf->tef', em_input, We) + be[:, None, :])
    oh_e = jax.nn.one_hot(etype, TE, dtype=all_e.dtype)
    updated_ef = jnp.einsum('tef,et->ef', all_e, oh_e)
    # ---- message passing: copy_e('h','m') + sum aggregation (g.pull) ----
    agg_m = jax.ops.segment_sum(updated_ef, dst, num_segments=N)
    # ---- node_update: per-node-type expert applied to [agg_m, nf] ----
    nm_input = jnp.concatenate([agg_m, nf], axis=-1)
    all_n = jax.nn.relu(jnp.einsum('nd,tdf->tnf', nm_input, Wn) + bn[:, None, :])
    oh_n = jax.nn.one_hot(ntype, TN, dtype=all_n.dtype)
    updated_nf = jnp.einsum('tnf,nt->nf', all_n, oh_n)
    return (updated_nf, updated_ef)

if __name__ == "__main__":
    import jax
    _d = setup_inputs()
    print(jax.jit(kernel)(*tuple(_d.values())))

</pallas_src>

<mosaic_0001>
#map = affine_map<(d0, d1) -> (0, 0)>
#map1 = affine_map<(d0, d1) -> (0)>
#map2 = affine_map<(d0, d1) -> (0, 0, 0)>
module attributes {stable_mosaic.version = 14 : i64} {
  func.func @_sc_scatter_body(%arg0: i32, %arg1: i32, %arg2: memref<40000x128xf32, #tpu.memory_space<hbm>>, %arg3: memref<320000xi32, #tpu.memory_space<hbm>>, %arg4: memref<10000x16xf32, #tpu.memory_space<hbm>>, %arg5: memref<2x10000x16xf32, #tpu.memory_space<hbm>>, %arg6: memref<2x16x128xf32, #tpu.memory_space<vmem>>, %arg7: memref<2x128x16xf32, #tpu.memory_space<vmem>>, %arg8: memref<2x128xi32, #tpu.memory_space<vmem>>, %arg9: memref<10000x16xf32, #tpu.memory_space<vmem_shared>>, %arg10: memref<!tpu.dma_semaphore, #tpu.memory_space<semaphore_mem>>, %arg11: memref<!tpu.dma_semaphore, #tpu.memory_space<semaphore_mem>>) attributes {dimension_semantics = [#tpu.dimension_semantics<core_parallel>, #tpu.dimension_semantics<subcore_parallel>], iteration_bounds = array<i64: 2, 16>, scalar_prefetch = 0 : i64, scratch_operands = 6 : i64, tpu.core_type = #tpu.core_type<sc_vector_subcore>, window_params = [{transform_indices = #map}, {transform_indices = #map1}, {transform_indices = #map}, {transform_indices = #map2}]} {
    %mul3A = arith.constant 2 : i32
    %mul3A_0 = arith.muli %arg1, %mul3A : i32
    %add3A = arith.addi %mul3A_0, %arg0 : i32
    %eq3A = arith.constant 0 : i32
    %eq3A_1 = arith.cmpi eq, %arg1, %eq3A : i32
    %convert_element_type3A = arith.extui %eq3A_1 : i1 to i32
    %cond3A = arith.constant 0 : i32
    %cond3A_2 = arith.cmpi ne, %convert_element_type3A, %cond3A : i32
    scf.if %cond3A_2 {
      "tpu.region"() ({
        %run_scoped3A = tpu.sem_alloc : memref<!tpu.dma_semaphore, #tpu.memory_space<semaphore_mem>>
        tpu.enqueue_dma source(%arg4 : memref<10000x16xf32, #tpu.memory_space<hbm>>) target(%arg9 : memref<10000x16xf32, #tpu.memory_space<vmem_shared>>) target_semaphore(%run_scoped3A : memref<!tpu.dma_semaphore, #tpu.memory_space<semaphore_mem>>)
        tpu.wait_dma2 semaphore(%run_scoped3A : memref<!tpu.dma_semaphore, #tpu.memory_space<semaphore_mem>>) src(%arg4 : memref<10000x16xf32, #tpu.memory_space<hbm>>) dst(%arg9 : memref<10000x16xf32, #tpu.memory_space<vmem_shared>>)
        tpu.yield
      }) : () -> ()
    } else {
    }
    %barrier3A = arith.constant 0 : index
    tpu.barrier barrier_id(%barrier3A)
    %add3A_3 = arith.constant 2496 : i32
    %add3A_4 = arith.addi %add3A, %add3A_3 : i32
    %lt3A = arith.constant 2500 : i32
    %lt3A_5 = arith.cmpi slt, %add3A_4, %lt3A : i32
    %jit3A = arith.constant 1 : i32
    %jit3A_6 = arith.constant 0 : i32
    %select_n3A = arith.select %lt3A_5, %jit3A, %jit3A_6 : i32
    %add3A_7 = arith.constant 78 : i32
    %add3A_8 = arith.addi %add3A_7, %select_n3A : i32
    %add3A_9 = arith.constant 0 : i32
    %add3A_10 = arith.addi %add3A, %add3A_9 : i32
    %mul3A_11 = arith.constant 16 : i32
    %mul3A_12 = arith.muli %add3A_10, %mul3A_11 : i32
    %dma_start3A = arith.constant 0 : i32
    %dma_start3A_13 = arith.constant 0 : i32
    %dma_start3A_14 = arith.constant 0 : i32
    %dma_start3A_15 = tpu.memref_slice %arg6[%dma_start3A, %dma_start3A_13, %dma_start3A_14] : memref<2x16x128xf32, #tpu.memory_space<vmem>> -> memref<1x16x128xf32, #tpu.memory_space<vmem>>
    %dma_start3A_16 = tpu.memref_squeeze %dma_start3A_15 : memref<1x16x128xf32, #tpu.memory_space<vmem>> -> memref<16x128xf32, #tpu.memory_space<vmem>>
    %dma_start3A_17 = arith.constant 0 : i32
    %dma_start3A_18 = tpu.memref_slice %arg2[%mul3A_12, %dma_start3A_17] : memref<40000x128xf32, #tpu.memory_space<hbm>> -> memref<16x128xf32, #tpu.memory_space<hbm>>
    %dma_start3A_19 = arith.constant 0 : i32
    %dma_start3A_20 = arith.constant 0 : i32
    %dma_start3A_21 = tpu.memref_slice %arg6[%dma_start3A, %dma_start3A_19, %dma_start3A_20] : memref<2x16x128xf32, #tpu.memory_space<vmem>> -> memref<1x16x128xf32, #tpu.memory_space<vmem>>
    %dma_start3A_22 = tpu.memref_squeeze %dma_start3A_21 : memref<1x16x128xf32, #tpu.memory_space<vmem>> -> memref<16x128xf32, #tpu.memory_space<vmem>>
    %dma_start3A_23 = arith.constant 0 : i32
    %dma_start3A_24 = tpu.memref_slice %arg2[%mul3A_12, %dma_start3A_23] : memref<40000x128xf32, #tpu.memory_space<hbm>> -> memref<16x128xf32, #tpu.memory_space<hbm>>
    tpu.enqueue_dma source(%dma_start3A_24 : memref<16x128xf32, #tpu.memory_space<hbm>>) target(%dma_start3A_22 : memref<16x128xf32, #tpu.memory_space<vmem>>) target_semaphore(%arg10 : memref<!tpu.dma_semaphore, #tpu.memory_space<semaphore_mem>>)
    %mul3A_25 = arith.constant 128 : i32
    %mul3A_26 = arith.muli %add3A_10, %mul3A_25 : i32
    %dma_start3A_27 = arith.constant 0 : i32
    %dma_start3A_28 = arith.constant 0 : i32
    %dma_start3A_29 = tpu.memref_slice %arg8[%dma_start3A_27, %dma_start3A_28] : memref<2x128xi32, #tpu.memory_space<vmem>> -> memref<1x128xi32, #tpu.memory_space<vmem>>
    %dma_start3A_30 = tpu.memref_squeeze %dma_start3A_29 : memref<1x128xi32, #tpu.memory_space<vmem>> -> memref<128xi32, #tpu.memory_space<vmem>>
    %dma_start3A_31 = tpu.memref_slice %arg3[%mul3A_26] : memref<320000xi32, #tpu.memory_space<hbm>> -> memref<128xi32, #tpu.memory_space<hbm>>
    %dma_start3A_32 = arith.constant 0 : i32
    %dma_start3A_33 = tpu.memref_slice %arg8[%dma_start3A_27, %dma_start3A_32] : memref<2x128xi32, #tpu.memory_space<vmem>> -> memref<1x128xi32, #tpu.memory_space<vmem>>
    %dma_start3A_34 = tpu.memref_squeeze %dma_start3A_33 : memref<1x128xi32, #tpu.memory_space<vmem>> -> memref<128xi32, #tpu.memory_space<vmem>>
    %dma_start3A_35 = tpu.memref_slice %arg3[%mul3A_26] : memref<320000xi32, #tpu.memory_space<hbm>> -> memref<128xi32, #tpu.memory_space<hbm>>
    tpu.enqueue_dma source(%dma_start3A_35 : memref<128xi32, #tpu.memory_space<hbm>>) target(%dma_start3A_34 : memref<128xi32, #tpu.memory_space<vmem>>) target_semaphore(%arg10 : memref<!tpu.dma_semaphore, #tpu.memory_space<semaphore_mem>>)
    %scan3A = arith.constant 0 : i32
    %scan3A_36 = arith.constant 40 : i32
    %scan3A_37 = arith.addi %scan3A, %scan3A_36 : i32
    %scan3A_38 = arith.constant 1 : i32
    scf.for %scan3A_45 = %scan3A to %scan3A_37 step %scan3A_38  : i32 {
      %mul3A_46 = arith.constant 2 : i32
      %mul3A_47 = arith.muli %scan3A_45, %mul3A_46 : i32
      %add3A_48 = arith.constant 0 : i32
      %add3A_49 = arith.addi %add3A_48, %mul3A_47 : i32
      %lt3A_50 = arith.cmpi slt, %add3A_49, %add3A_8 : i32
      %convert_element_type3A_51 = arith.extui %lt3A_50 : i1 to i32
      %cond3A_52 = arith.constant 0 : i32
      %cond3A_53 = arith.cmpi ne, %convert_element_type3A_51, %cond3A_52 : i32
      scf.if %cond3A_53 {
        %add3A_54 = arith.constant 1 : i32
        %add3A_55 = arith.addi %add3A_49, %add3A_54 : i32
        %lt3A_56 = arith.cmpi slt, %add3A_55, %add3A_8 : i32
        %convert_element_type3A_57 = arith.extui %lt3A_56 : i1 to i32
        %cond3A_58 = arith.constant 0 : i32
        %cond3A_59 = arith.cmpi ne, %convert_element_type3A_57, %cond3A_58 : i32
        scf.if %cond3A_59 {
          %add3A_106 = arith.constant 1 : i32
          %add3A_107 = arith.addi %add3A_49, %add3A_106 : i32
          %mul3A_108 = arith.constant 32 : i32
          %mul3A_109 = arith.muli %add3A_107, %mul3A_108 : i32
          %add3A_110 = arith.addi %add3A, %mul3A_109 : i32
          %mul3A_111 = arith.constant 16 : i32
          %mul3A_112 = arith.muli %add3A_110, %mul3A_111 : i32
          %dma_start3A_113 = arith.constant 1 : i32
          %dma_start3A_114 = arith.constant 0 : i32
          %dma_start3A_115 = arith.constant 0 : i32
          %dma_start3A_116 = tpu.memref_slice %arg6[%dma_start3A_113, %dma_start3A_114, %dma_start3A_115] : memref<2x16x128xf32, #tpu.memory_space<vmem>> -> memref<1x16x128xf32, #tpu.memory_space<vmem>>
          %dma_start3A_117 = tpu.memref_squeeze %dma_start3A_116 : memref<1x16x128xf32, #tpu.memory_space<vmem>> -> memref<16x128xf32, #tpu.memory_space<vmem>>
          %dma_start3A_118 = arith.constant 0 : i32
          %dma_start3A_119 = tpu.memref_slice %arg2[%mul3A_112, %dma_start3A_118] : memref<40000x128xf32, #tpu.memory_space<hbm>> -> memref<16x128xf32, #tpu.memory_space<hbm>>
          %dma_start3A_120 = arith.constant 0 : i32
          %dma_start3A_121 = arith.constant 0 : i32
          %dma_start3A_122 = tpu.memref_slice %arg6[%dma_start3A_113, %dma_start3A_120, %dma_start3A_121] : memref<2x16x128xf32, #tpu.memory_space<vmem>> -> memref<1x16x128xf32, #tpu.memory_space<vmem>>
          %dma_start3A_123 = tpu.memref_squeeze %dma_start3A_122 : memref<1x16x128xf32, #tpu.memory_space<vmem>> -> memref<16x128xf32, #tpu.memory_space<vmem>>
          %dma_start3A_124 = arith.constant 0 : i32
          %dma_start3A_125 = tpu.memref_slice %arg2[%mul3A_112, %dma_start3A_124] : memref<40000x128xf32, #tpu.memory_space<hbm>> -> memref<16x128xf32, #tpu.memory_space<hbm>>
          tpu.enqueue_dma source(%dma_start3A_125 : memref<16x128xf32, #tpu.memory_space<hbm>>) target(%dma_start3A_123 : memref<16x128xf32, #tpu.memory_space<vmem>>) target_semaphore(%arg11 : memref<!tpu.dma_semaphore, #tpu.memory_space<semaphore_mem>>)
          %mul3A_126 = arith.constant 128 : i32
          %mul3A_127 = arith.muli %add3A_110, %mul3A_126 : i32
          %dma_start3A_128 = arith.constant 1 : i32
          %dma_start3A_129 = arith.constant 0 : i32
          %dma_start3A_130 = tpu.memref_slice %arg8[%dma_start3A_128, %dma_start3A_129] : memref<2x128xi32, #tpu.memory_space<vmem>> -> memref<1x128xi32, #tpu.memory_space<vmem>>
          %dma_start3A_131 = tpu.memref_squeeze %dma_start3A_130 : memref<1x128xi32, #tpu.memory_space<vmem>> -> memref<128xi32, #tpu.memory_space<vmem>>
          %dma_start3A_132 = tpu.memref_slice %arg3[%mul3A_127] : memref<320000xi32, #tpu.memory_space<hbm>> -> memref<128xi32, #tpu.memory_space<hbm>>
          %dma_start3A_133 = arith.constant 0 : i32
          %dma_start3A_134 = tpu.memref_slice %arg8[%dma_start3A_128, %dma_start3A_133] : memref<2x128xi32, #tpu.memory_space<vmem>> -> memref<1x128xi32, #tpu.memory_space<vmem>>
          %dma_start3A_135 = tpu.memref_squeeze %dma_start3A_134 : memref<1x128xi32, #tpu.memory_space<vmem>> -> memref<128xi32, #tpu.memory_space<vmem>>
          %dma_start3A_136 = tpu.memref_slice %arg3[%mul3A_127] : memref<320000xi32, #tpu.memory_space<hbm>> -> memref<128xi32, #tpu.memory_space<hbm>>
          tpu.enqueue_dma source(%dma_start3A_136 : memref<128xi32, #tpu.memory_space<hbm>>) target(%dma_start3A_135 : memref<128xi32, #tpu.memory_space<vmem>>) target_semaphore(%arg11 : memref<!tpu.dma_semaphore, #tpu.memory_space<semaphore_mem>>)
        } else {
        }
        %mul3A_60 = arith.constant 32 : i32
        %mul3A_61 = arith.muli %add3A_49, %mul3A_60 : i32
        %add3A_62 = arith.addi %add3A, %mul3A_61 : i32
        %mul3A_63 = arith.constant 16 : i32
        %mul3A_64 = arith.muli %add3A_62, %mul3A_63 : i32
        %dma_wait3A = arith.constant 0 : i32
        %dma_wait3A_65 = arith.constant 0 : i32
        %dma_wait3A_66 = arith.constant 0 : i32
        %dma_wait3A_67 = tpu.memref_slice %arg6[%dma_wait3A, %dma_wait3A_65, %dma_wait3A_66] : memref<2x16x128xf32, #tpu.memory_space<vmem>> -> memref<1x16x128xf32, #tpu.memory_space<vmem>>
        %dma_wait3A_68 = tpu.memref_squeeze %dma_wait3A_67 : memref<1x16x128xf32, #tpu.memory_space<vmem>> -> memref<16x128xf32, #tpu.memory_space<vmem>>
        %dma_wait3A_69 = arith.constant 0 : i32
        %dma_wait3A_70 = tpu.memref_slice %arg2[%mul3A_64, %dma_wait3A_69] : memref<40000x128xf32, #tpu.memory_space<hbm>> -> memref<16x128xf32, #tpu.memory_space<hbm>>
        %dma_wait3A_71 = arith.constant 0 : i32
        %dma_wait3A_72 = arith.constant 0 : i32
        %dma_wait3A_73 = tpu.memref_slice %arg6[%dma_wait3A, %dma_wait3A_71, %dma_wait3A_72] : memref<2x16x128xf32, #tpu.memory_space<vmem>> -> memref<1x16x128xf32, #tpu.memory_space<vmem>>
        %dma_wait3A_74 = tpu.memref_squeeze %dma_wait3A_73 : memref<1x16x128xf32, #tpu.memory_space<vmem>> -> memref<16x128xf32, #tpu.memory_space<vmem>>
        %dma_wait3A_75 = arith.constant 0 : i32
        %dma_wait3A_76 = tpu.memref_slice %arg2[%mul3A_64, %dma_wait3A_75] : memref<40000x128xf32, #tpu.memory_space<hbm>> -> memref<16x128xf32, #tpu.memory_space<hbm>>
        tpu.wait_dma2 semaphore(%arg10 : memref<!tpu.dma_semaphore, #tpu.memory_space<semaphore_mem>>) src(%dma_wait3A_76 : memref<16x128xf32, #tpu.memory_space<hbm>>) dst(%dma_wait3A_74 : memref<16x128xf32, #tpu.memory_space<vmem>>)
        %mul3A_77 = arith.constant 128 : i32
        %mul3A_78 = arith.muli %add3A_62, %mul3A_77 : i32
        %dma_wait3A_79 = arith.constant 0 : i32
        %dma_wait3A_80 = arith.constant 0 : i32
        %dma_wait3A_81 = tpu.memref_slice %arg8[%dma_wait3A_79, %dma_wait3A_80] : memref<2x128xi32, #tpu.memory_space<vmem>> -> memref<1x128xi32, #tpu.memory_space<vmem>>
        %dma_wait3A_82 = tpu.memref_squeeze %dma_wait3A_81 : memref<1x128xi32, #tpu.memory_space<vmem>> -> memref<128xi32, #tpu.memory_space<vmem>>
        %dma_wait3A_83 = tpu.memref_slice %arg3[%mul3A_78] : memref<320000xi32, #tpu.memory_space<hbm>> -> memref<128xi32, #tpu.memory_space<hbm>>
        %dma_wait3A_84 = arith.constant 0 : i32
        %dma_wait3A_85 = tpu.memref_slice %arg8[%dma_wait3A_79, %dma_wait3A_84] : memref<2x128xi32, #tpu.memory_space<vmem>> -> memref<1x128xi32, #tpu.memory_space<vmem>>
        %dma_wait3A_86 = tpu.memref_squeeze %dma_wait3A_85 : memref<1x128xi32, #tpu.memory_space<vmem>> -> memref<128xi32, #tpu.memory_space<vmem>>
        %dma_wait3A_87 = tpu.memref_slice %arg3[%mul3A_78] : memref<320000xi32, #tpu.memory_space<hbm>> -> memref<128xi32, #tpu.memory_space<hbm>>
        tpu.wait_dma2 semaphore(%arg10 : memref<!tpu.dma_semaphore, #tpu.memory_space<semaphore_mem>>) src(%dma_wait3A_87 : memref<128xi32, #tpu.memory_space<hbm>>) dst(%dma_wait3A_86 : memref<128xi32, #tpu.memory_space<vmem>>)
        %scan3A_88 = arith.constant 0 : i32
        %scan3A_89 = arith.constant 16 : i32
        %scan3A_90 = arith.addi %scan3A_88, %scan3A_89 : i32
        %scan3A_91 = arith.constant 1 : i32
        scf.for %scan3A_106 = %scan3A_88 to %scan3A_90 step %scan3A_91  : i32 {
          %mul3A_107 = arith.constant 1 : i32
          %mul3A_108 = arith.muli %scan3A_106, %mul3A_107 : i32
          %add3A_109 = arith.constant 0 : i32
          %add3A_110 = arith.addi %add3A_109, %mul3A_108 : i32
          %get3A = arith.constant 0 : i32
          %get3A_111 = arith.index_cast %get3A : i32 to index
          %get3A_112 = arith.index_cast %add3A_110 : i32 to index
          %get3A_113 = arith.constant 0 : index
          %get3A_114 = tpu.vector_load %arg6[%get3A_111, %get3A_112, %get3A_113] {strides = array<i32>} : memref<2x16x128xf32, #tpu.memory_space<vmem>>, vector<1x1x16xf32>,
          %get3A_115 = vector.shape_cast %get3A_114 : vector<1x1x16xf32> to vector<16xf32>
          %mul3A_116 = arith.constant 8 : i32
          %mul3A_117 = arith.muli %add3A_110, %mul3A_116 : i32
          %add3A_118 = arith.constant 0 : i32
          %add3A_119 = arith.addi %mul3A_117, %add3A_118 : i32
          %swap3A = arith.constant 0 : i32
          %swap3A_120 = arith.index_cast %swap3A : i32 to index
          %swap3A_121 = arith.index_cast %add3A_119 : i32 to index
          %swap3A_122 = arith.constant 0 : index
          %swap3A_123 = tpu.vector_load %arg7[%swap3A_120, %swap3A_121, %swap3A_122] {strides = array<i32>} : memref<2x128x16xf32, #tpu.memory_space<vmem>>, vector<1x1x16xf32>,
          %swap3A_124 = vector.shape_cast %swap3A_123 : vector<1x1x16xf32> to vector<16xf32>
          %swap3A_125 = vector.shape_cast %get3A_115 : vector<16xf32> to vector<1x1x16xf32>
          tpu.vector_store %arg7[%swap3A_120, %swap3A_121, %swap3A_122], %swap3A_125 {strides = array<i32>} : memref<2x128x16xf32, #tpu.memory_space<vmem>>, vector<1x1x16xf32>,
          %get3A_126 = arith.constant 0 : i32
          %get3A_127 = arith.index_cast %get3A_126 : i32 to index
          %get3A_128 = arith.index_cast %add3A_110 : i32 to index
          %get3A_129 = arith.constant 16 : index
          %get3A_130 = tpu.vector_load %arg6[%get3A_127, %get3A_128, %get3A_129] {strides = array<i32>} : memref<2x16x128xf32, #tpu.memory_space<vmem>>, vector<1x1x16xf32>,
          %get3A_131 = vector.shape_cast %get3A_130 : vector<1x1x16xf32> to vector<16xf32>
          %mul3A_132 = arith.constant 8 : i32
          %mul3A_133 = arith.muli %add3A_110, %mul3A_132 : i32
          %add3A_134 = arith.constant 1 : i32
          %add3A_135 = arith.addi %mul3A_133, %add3A_134 : i32
          %swap3A_136 = arith.constant 0 : i32
          %swap3A_137 = arith.index_cast %swap3A_136 : i32 to index
          %swap3A_138 = arith.index_cast %add3A_135 : i32 to index
          %swap3A_139 = arith.constant 0 : index
          %swap3A_140 = tpu.vector_load %arg7[%swap3A_137, %swap3A_138, %swap3A_139] {strides = array<i32>} : memref<2x128x16xf32, #tpu.memory_space<vmem>>, vector<1x1x16xf32>,
          %swap3A_141 = vector.shape_cast %swap3A_140 : vector<1x1x16xf32> to vector<16xf32>
          %swap3A_142 = vector.shape_cast %get3A_131 : vector<16xf32> to vector<1x1x16xf32>
          tpu.vector_store %arg7[%swap3A_137, %swap3A_138, %swap3A_139], %swap3A_142 {strides = array<i32>} : memref<2x128x16xf32, #tpu.memory_space<vmem>>, vector<1x1x16xf32>,
          %get3A_143 = arith.constant 0 : i32
          %get3A_144 = arith.index_cast %get3A_143 : i32 to index
          %get3A_145 = arith.index_cast %add3A_110 : i32 to index
          %get3A_146 = arith.constant 32 : index
          %get3A_147 = tpu.vector_load %arg6[%get3A_144, %get3A_145, %get3A_146] {strides = array<i32>} : memref<2x16x128xf32, #tpu.memory_space<vmem>>, vector<1x1x16xf32>,
          %get3A_148 = vector.shape_cast %get3A_147 : vector<1x1x16xf32> to vector<16xf32>
          %mul3A_149 = arith.constant 8 : i32
          %mul3A_150 = arith.muli %add3A_110, %mul3A_149 : i32
          %add3A_151 = arith.constant 2 : i32
          %add3A_152 = arith.addi %mul3A_150, %add3A_151 : i32
          %swap3A_153 = arith.constant 0 : i32
          %swap3A_154 = arith.index_cast %swap3A_153 : i32 to index
          %swap3A_155 = arith.index_cast %add3A_152 : i32 to index
          %swap3A_156 = arith.constant 0 : index
          %swap3A_157 = tpu.vector_load %arg7[%swap3A_154, %swap3A_155, %swap3A_156] {strides = array<i32>} : memref<2x128x16xf32, #tpu.memory_space<vmem>>, vector<1x1x16xf32>,
          %swap3A_158 = vector.shape_cast %swap3A_157 : vector<1x1x16xf32> to vector<16xf32>
          %swap3A_159 = vector.shape_cast %get3A_148 : vector<16xf32> to vector<1x1x16xf32>
          tpu.vector_store %arg7[%swap3A_154, %swap3A_155, %swap3A_156], %swap3A_159 {strides = array<i32>} : memref<2x128x16xf32, #tpu.memory_space<vmem>>, vector<1x1x16xf32>,
          %get3A_160 = arith.constant 0 : i32
          %get3A_161 = arith.index_cast %get3A_160 : i32 to index
          %get3A_162 = arith.index_cast %add3A_110 : i32 to index
          %get3A_163 = arith.constant 48 : index
          %get3A_164 = tpu.vector_load %arg6[%get3A_161, %get3A_162, %get3A_163] {strides = array<i32>} : memref<2x16x128xf32, #tpu.memory_space<vmem>>, vector<1x1x16xf32>,
          %get3A_165 = vector.shape_cast %get3A_164 : vector<1x1x16xf32> to vector<16xf32>
          %mul3A_166 = arith.constant 8 : i32
          %mul3A_167 = arith.muli %add3A_110, %mul3A_166 : i32
          %add3A_168 = arith.constant 3 : i32
          %add3A_169 = arith.addi %mul3A_167, %add3A_168 : i32
          %swap3A_170 = arith.constant 0 : i32
          %swap3A_171 = arith.index_cast %swap3A_170 : i32 to index
          %swap3A_172 = arith.index_cast %add3A_169 : i32 to index
          %swap3A_173 = arith.constant 0 : index
          %swap3A_174 = tpu.vector_load %arg7[%swap3A_171, %swap3A_172, %swap3A_173] {strides = array<i32>} : memref<2x128x16xf32, #tpu.memory_space<vmem>>, vector<1x1x16xf32>,
          %swap3A_175 = vector.shape_cast %swap3A_174 : vector<1x1x16xf32> to vector<16xf32>
          %swap3A_176 = vector.shape_cast %get3A_165 : vector<16xf32> to vector<1x1x16xf32>
          tpu.vector_store %arg7[%swap3A_171, %swap3A_172, %swap3A_173], %swap3A_176 {strides = array<i32>} : memref<2x128x16xf32, #tpu.memory_space<vmem>>, vector<1x1x16xf32>,
          %get3A_177 = arith.constant 0 : i32
          %get3A_178 = arith.index_cast %get3A_177 : i32 to index
          %get3A_179 = arith.index_cast %add3A_110 : i32 to index
          %get3A_180 = arith.constant 64 : index
          %get3A_181 = tpu.vector_load %arg6[%get3A_178, %get3A_179, %get3A_180] {strides = array<i32>} : memref<2x16x128xf32, #tpu.memory_space<vmem>>, vector<1x1x16xf32>,
          %get3A_182 = vector.shape_cast %get3A_181 : vector<1x1x16xf32> to vector<16xf32>
          %mul3A_183 = arith.constant 8 : i32
          %mul3A_184 = arith.muli %add3A_110, %mul3A_183 : i32
          %add3A_185 = arith.constant 4 : i32
          %add3A_186 = arith.addi %mul3A_184, %add3A_185 : i32
          %swap3A_187 = arith.constant 0 : i32
          %swap3A_188 = arith.index_cast %swap3A_187 : i32 to index
          %swap3A_189 = arith.index_cast %add3A_186 : i32 to index
          %swap3A_190 = arith.constant 0 : index
          %swap3A_191 = tpu.vector_load %arg7[%swap3A_188, %swap3A_189, %swap3A_190] {strides = array<i32>} : memref<2x128x16xf32, #tpu.memory_space<vmem>>, vector<1x1x16xf32>,
          %swap3A_192 = vector.shape_cast %swap3A_191 : vector<1x1x16xf32> to vector<16xf32>
          %swap3A_193 = vector.shape_cast %get3A_182 : vector<16xf32> to vector<1x1x16xf32>
          tpu.vector_store %arg7[%swap3A_188, %swap3A_189, %swap3A_190], %swap3A_193 {strides = array<i32>} : memref<2x128x16xf32, #tpu.memory_space<vmem>>, vector<1x1x16xf32>,
          %get3A_194 = arith.constant 0 : i32
          %get3A_195 = arith.index_cast %get3A_194 : i32 to index
          %get3A_196 = arith.index_cast %add3A_110 : i32 to index
          %get3A_197 = arith.constant 80 : index
          %get3A_198 = tpu.vector_load %arg6[%get3A_195, %get3A_196, %get3A_197] {strides = array<i32>} : memref<2x16x128xf32, #tpu.memory_space<vmem>>, vector<1x1x16xf32>,
          %get3A_199 = vector.shape_cast %get3A_198 : vector<1x1x16xf32> to vector<16xf32>
          %mul3A_200 = arith.constant 8 : i32
          %mul3A_201 = arith.muli %add3A_110, %mul3A_200 : i32
          %add3A_202 = arith.constant 5 : i32
          %add3A_203 = arith.addi %mul3A_201, %add3A_202 : i32
          %swap3A_204 = arith.constant 0 : i32
          %swap3A_205 = arith.index_cast %swap3A_204 : i32 to index
          %swap3A_206 = arith.index_cast %add3A_203 : i32 to index
          %swap3A_207 = arith.constant 0 : index
          %swap3A_208 = tpu.vector_load %arg7[%swap3A_205, %swap3A_206, %swap3A_207] {strides = array<i32>} : memref<2x128x16xf32, #tpu.memory_space<vmem>>, vector<1x1x16xf32>,
          %swap3A_209 = vector.shape_cast %swap3A_208 : vector<1x1x16xf32> to vector<16xf32>
          %swap3A_210 = vector.shape_cast %get3A_199 : vector<16xf32> to vector<1x1x16xf32>
          tpu.vector_store %arg7[%swap3A_205, %swap3A_206, %swap3A_207], %swap3A_210 {strides = array<i32>} : memref<2x128x16xf32, #tpu.memory_space<vmem>>, vector<1x1x16xf32>,
          %get3A_211 = arith.constant 0 : i32
          %get3A_212 = arith.index_cast %get3A_211 : i32 to index
          %get3A_213 = arith.index_cast %add3A_110 : i32 to index
          %get3A_214 = arith.constant 96 : index
          %get3A_215 = tpu.vector_load %arg6[%get3A_212, %get3A_213, %get3A_214] {strides = array<i32>} : memref<2x16x128xf32, #tpu.memory_space<vmem>>, vector<1x1x16xf32>,
          %get3A_216 = vector.shape_cast %get3A_215 : vector<1x1x16xf32> to vector<16xf32>
          %mul3A_217 = arith.constant 8 : i32
          %mul3A_218 = arith.muli %add3A_110, %mul3A_217 : i32
          %add3A_219 = arith.constant 6 : i32
          %add3A_220 = arith.addi %mul3A_218, %add3A_219 : i32
          %swap3A_221 = arith.constant 0 : i32
          %swap3A_222 = arith.index_cast %swap3A_221 : i32 to index
          %swap3A_223 = arith.index_cast %add3A_220 : i32 to index
          %swap3A_224 = arith.constant 0 : index
          %swap3A_225 = tpu.vector_load %arg7[%swap3A_222, %swap3A_223, %swap3A_224] {strides = array<i32>} : memref<2x128x16xf32, #tpu.memory_space<vmem>>, vector<1x1x16xf32>,
          %swap3A_226 = vector.shape_cast %swap3A_225 : vector<1x1x16xf32> to vector<16xf32>
          %swap3A_227 = vector.shape_cast %get3A_216 : vector<16xf32> to vector<1x1x16xf32>
          tpu.vector_store %arg7[%swap3A_222, %swap3A_223, %swap3A_224], %swap3A_227 {strides = array<i32>} : memref<2x128x16xf32, #tpu.memory_space<vmem>>, vector<1x1x16xf32>,
          %get3A_228 = arith.constant 0 : i32
          %get3A_229 = arith.index_cast %get3A_228 : i32 to index
          %get3A_230 = arith.index_cast %add3A_110 : i32 to index
          %get3A_231 = arith.constant 112 : index
          %get3A_232 = tpu.vector_load %arg6[%get3A_229, %get3A_230, %get3A_231] {strides = array<i32>} : memref<2x16x128xf32, #tpu.memory_space<vmem>>, vector<1x1x16xf32>,
          %get3A_233 = vector.shape_cast %get3A_232 : vector<1x1x16xf32> to vector<16xf32>
          %mul3A_234 = arith.constant 8 : i32
          %mul3A_235 = arith.muli %add3A_110, %mul3A_234 : i32
          %add3A_236 = arith.constant 7 : i32
          %add3A_237 = arith.addi %mul3A_235, %add3A_236 : i32
          %swap3A_238 = arith.constant 0 : i32
          %swap3A_239 = arith.index_cast %swap3A_238 : i32 to index
          %swap3A_240 = arith.index_cast %add3A_237 : i32 to index
          %swap3A_241 = arith.constant 0 : index
          %swap3A_242 = tpu.vector_load %arg7[%swap3A_239, %swap3A_240, %swap3A_241] {strides = array<i32>} : memref<2x128x16xf32, #tpu.memory_space<vmem>>, vector<1x1x16xf32>,
          %swap3A_243 = vector.shape_cast %swap3A_242 : vector<1x1x16xf32> to vector<16xf32>
          %swap3A_244 = vector.shape_cast %get3A_233 : vector<16xf32> to vector<1x1x16xf32>
          tpu.vector_store %arg7[%swap3A_239, %swap3A_240, %swap3A_241], %swap3A_244 {strides = array<i32>} : memref<2x128x16xf32, #tpu.memory_space<vmem>>, vector<1x1x16xf32>,
        }
        %scan3A_92 = arith.constant 16 : i32
        %run_scoped3A = arith.constant 0 : i32
        %run_scoped3A_93 = arith.constant 0 : i32
        "tpu.region"() ({
          %run_scoped3A_106 = tpu.sem_alloc : memref<!tpu.dma_semaphore, #tpu.memory_space<semaphore_mem>>
          %dma_start3A_107 = arith.constant 0 : i32
          %dma_start3A_108 = arith.constant 0 : i32
          %dma_start3A_109 = tpu.memref_slice %arg7[%run_scoped3A, %dma_start3A_107, %dma_start3A_108] : memref<2x128x16xf32, #tpu.memory_space<vmem>> -> memref<1x128x16xf32, #tpu.memory_space<vmem>>
          %dma_start3A_110 = tpu.memref_squeeze %dma_start3A_109 : memref<1x128x16xf32, #tpu.memory_space<vmem>> -> memref<128x16xf32, #tpu.memory_space<vmem>>
          %dma_start3A_111 = arith.constant 0 : i32
          %dma_start3A_112 = tpu.memref_slice %arg8[%run_scoped3A_93, %dma_start3A_111] : memref<2x128xi32, #tpu.memory_space<vmem>> -> memref<1x128xi32, #tpu.memory_space<vmem>>
          %dma_start3A_113 = tpu.memref_squeeze %dma_start3A_112 : memref<1x128xi32, #tpu.memory_space<vmem>> -> memref<128xi32, #tpu.memory_space<vmem>>
          %dma_start3A_114 = arith.constant 0 : i32
          %dma_start3A_115 = arith.constant 0 : i32
          %dma_start3A_116 = tpu.memref_slice %arg9[%dma_start3A_114, %dma_start3A_115] : memref<10000x16xf32, #tpu.memory_space<vmem_shared>> -> memref<10000x16xf32, #tpu.memory_space<vmem_shared>>
          tpu.enqueue_indirect_dma source(%dma_start3A_110 : memref<128x16xf32, #tpu.memory_space<vmem>>) target(%dma_start3A_116 : memref<10000x16xf32, #tpu.memory_space<vmem_shared>>) offsets(%dma_start3A_113 : memref<128xi32, #tpu.memory_space<vmem>>) semaphore(%run_scoped3A_106 : memref<!tpu.dma_semaphore, #tpu.memory_space<semaphore_mem>>) {add = true}
          %dma_wait3A_117 = arith.constant 0 : i32
          %dma_wait3A_118 = arith.constant 0 : i32
          %dma_wait3A_119 = tpu.memref_slice %arg7[%run_scoped3A, %dma_wait3A_117, %dma_wait3A_118] : memref<2x128x16xf32, #tpu.memory_space<vmem>> -> memref<1x128x16xf32, #tpu.memory_space<vmem>>
          %dma_wait3A_120 = tpu.memref_squeeze %dma_wait3A_119 : memref<1x128x16xf32, #tpu.memory_space<vmem>> -> memref<128x16xf32, #tpu.memory_space<vmem>>
          %dma_wait3A_121 = arith.constant 0 : i32
          %dma_wait3A_122 = tpu.memref_slice %arg8[%run_scoped3A_93, %dma_wait3A_121] : memref<2x128xi32, #tpu.memory_space<vmem>> -> memref<1x128xi32, #tpu.memory_space<vmem>>
          %dma_wait3A_123 = tpu.memref_squeeze %dma_wait3A_122 : memref<1x128xi32, #tpu.memory_space<vmem>> -> memref<128xi32, #tpu.memory_space<vmem>>
          %dma_wait3A_124 = arith.constant 0 : i32
          %dma_wait3A_125 = arith.constant 0 : i32
          %dma_wait3A_126 = tpu.memref_slice %arg9[%dma_wait3A_124, %dma_wait3A_125] : memref<10000x16xf32, #tpu.memory_space<vmem_shared>> -> memref<10000x16xf32, #tpu.memory_space<vmem_shared>>
          tpu.wait_indirect_dma semaphore(%run_scoped3A_106 : memref<!tpu.dma_semaphore, #tpu.memory_space<semaphore_mem>>) src(%dma_wait3A_120 : memref<128x16xf32, #tpu.memory_space<vmem>>) dst(%dma_wait3A_126 : memref<10000x16xf32, #tpu.memory_space<vmem_shared>>)
          tpu.yield
        }) : () -> ()
        %add3A_94 = arith.constant 2 : i32
        %add3A_95 = arith.addi %add3A_49, %add3A_94 : i32
        %lt3A_96 = arith.cmpi slt, %add3A_95, %add3A_8 : i32
        %convert_element_type3A_97 = arith.extui %lt3A_96 : i1 to i32
        %cond3A_98 = arith.constant 0 : i32
        %cond3A_99 = arith.cmpi ne, %convert_element_type3A_97, %cond3A_98 : i32
        scf.if %cond3A_99 {
          %add3A_106 = arith.constant 2 : i32
          %add3A_107 = arith.addi %add3A_49, %add3A_106 : i32
          %mul3A_108 = arith.constant 32 : i32
          %mul3A_109 = arith.muli %add3A_107, %mul3A_108 : i32
          %add3A_110 = arith.addi %add3A, %mul3A_109 : i32
          %mul3A_111 = arith.constant 16 : i32
          %mul3A_112 = arith.muli %add3A_110, %mul3A_111 : i32
          %dma_start3A_113 = arith.constant 0 : i32
          %dma_start3A_114 = arith.constant 0 : i32
          %dma_start3A_115 = arith.constant 0 : i32
          %dma_start3A_116 = tpu.memref_slice %arg6[%dma_start3A_113, %dma_start3A_114, %dma_start3A_115] : memref<2x16x128xf32, #tpu.memory_space<vmem>> -> memref<1x16x128xf32, #tpu.memory_space<vmem>>
          %dma_start3A_117 = tpu.memref_squeeze %dma_start3A_116 : memref<1x16x128xf32, #tpu.memory_space<vmem>> -> memref<16x128xf32, #tpu.memory_space<vmem>>
          %dma_start3A_118 = arith.constant 0 : i32
          %dma_start3A_119 = tpu.memref_slice %arg2[%mul3A_112, %dma_start3A_118] : memref<40000x128xf32, #tpu.memory_space<hbm>> -> memref<16x128xf32, #tpu.memory_space<hbm>>
          %dma_start3A_120 = arith.constant 0 : i32
          %dma_start3A_121 = arith.constant 0 : i32
          %dma_start3A_122 = tpu.memref_slice %arg6[%dma_start3A_113, %dma_start3A_120, %dma_start3A_121] : memref<2x16x128xf32, #tpu.memory_space<vmem>> -> memref<1x16x128xf32, #tpu.memory_space<vmem>>
          %dma_start3A_123 = tpu.memref_squeeze %dma_start3A_122 : memref<1x16x128xf32, #tpu.memory_space<vmem>> -> memref<16x128xf32, #tpu.memory_space<vmem>>
          %dma_start3A_124 = arith.constant 0 : i32
          %dma_start3A_125 = tpu.memref_slice %arg2[%mul3A_112, %dma_start3A_124] : memref<40000x128xf32, #tpu.memory_space<hbm>> -> memref<16x128xf32, #tpu.memory_space<hbm>>
          tpu.enqueue_dma source(%dma_start3A_125 : memref<16x128xf32, #tpu.memory_space<hbm>>) target(%dma_start3A_123 : memref<16x128xf32, #tpu.memory_space<vmem>>) target_semaphore(%arg10 : memref<!tpu.dma_semaphore, #tpu.memory_space<semaphore_mem>>)
          %mul3A_126 = arith.constant 128 : i32
          %mul3A_127 = arith.muli %add3A_110, %mul3A_126 : i32
          %dma_start3A_128 = arith.constant 0 : i32
          %dma_start3A_129 = arith.constant 0 : i32
          %dma_start3A_130 = tpu.memref_slice %arg8[%dma_start3A_128, %dma_start3A_129] : memref<2x128xi32, #tpu.memory_space<vmem>> -> memref<1x128xi32, #tpu.memory_space<vmem>>
          %dma_start3A_131 = tpu.memref_squeeze %dma_start3A_130 : memref<1x128xi32, #tpu.memory_space<vmem>> -> memref<128xi32, #tpu.memory_space<vmem>>
          %dma_start3A_132 = tpu.memref_slice %arg3[%mul3A_127] : memref<320000xi32, #tpu.memory_space<hbm>> -> memref<128xi32, #tpu.memory_space<hbm>>
          %dma_start3A_133 = arith.constant 0 : i32
          %dma_start3A_134 = tpu.memref_slice %arg8[%dma_start3A_128, %dma_start3A_133] : memref<2x128xi32, #tpu.memory_space<vmem>> -> memref<1x128xi32, #tpu.memory_space<vmem>>
          %dma_start3A_135 = tpu.memref_squeeze %dma_start3A_134 : memref<1x128xi32, #tpu.memory_space<vmem>> -> memref<128xi32, #tpu.memory_space<vmem>>
          %dma_start3A_136 = tpu.memref_slice %arg3[%mul3A_127] : memref<320000xi32, #tpu.memory_space<hbm>> -> memref<128xi32, #tpu.memory_space<hbm>>
          tpu.enqueue_dma source(%dma_start3A_136 : memref<128xi32, #tpu.memory_space<hbm>>) target(%dma_start3A_135 : memref<128xi32, #tpu.memory_space<vmem>>) target_semaphore(%arg10 : memref<!tpu.dma_semaphore, #tpu.memory_space<semaphore_mem>>)
        } else {
        }
        %add3A_100 = arith.constant 1 : i32
        %add3A_101 = arith.addi %add3A_49, %add3A_100 : i32
        %lt3A_102 = arith.cmpi slt, %add3A_101, %add3A_8 : i32
        %convert_element_type3A_103 = arith.extui %lt3A_102 : i1 to i32
        %cond3A_104 = arith.constant 0 : i32
        %cond3A_105 = arith.cmpi ne, %convert_element_type3A_103, %cond3A_104 : i32
        scf.if %cond3A_105 {
          %add3A_106 = arith.constant 1 : i32
          %add3A_107 = arith.addi %add3A_49, %add3A_106 : i32
          %mul3A_108 = arith.constant 32 : i32
          %mul3A_109 = arith.muli %add3A_107, %mul3A_108 : i32
          %add3A_110 = arith.addi %add3A, %mul3A_109 : i32
          %mul3A_111 = arith.constant 16 : i32
          %mul3A_112 = arith.muli %add3A_110, %mul3A_111 : i32
          %dma_wait3A_113 = arith.constant 1 : i32
          %dma_wait3A_114 = arith.constant 0 : i32
          %dma_wait3A_115 = arith.constant 0 : i32
          %dma_wait3A_116 = tpu.memref_slice %arg6[%dma_wait3A_113, %dma_wait3A_114, %dma_wait3A_115] : memref<2x16x128xf32, #tpu.memory_space<vmem>> -> memref<1x16x128xf32, #tpu.memory_space<vmem>>
          %dma_wait3A_117 = tpu.memref_squeeze %dma_wait3A_116 : memref<1x16x128xf32, #tpu.memory_space<vmem>> -> memref<16x128xf32, #tpu.memory_space<vmem>>
          %dma_wait3A_118 = arith.constant 0 : i32
          %dma_wait3A_119 = tpu.memref_slice %arg2[%mul3A_112, %dma_wait3A_118] : memref<40000x128xf32, #tpu.memory_space<hbm>> -> memref<16x128xf32, #tpu.memory_space<hbm>>
          %dma_wait3A_120 = arith.constant 0 : i32
          %dma_wait3A_121 = arith.constant 0 : i32
          %dma_wait3A_122 = tpu.memref_slice %arg6[%dma_wait3A_113, %dma_wait3A_120, %dma_wait3A_121] : memref<2x16x128xf32, #tpu.memory_space<vmem>> -> memref<1x16x128xf32, #tpu.memory_space<vmem>>
          %dma_wait3A_123 = tpu.memref_squeeze %dma_wait3A_122 : memref<1x16x128xf32, #tpu.memory_space<vmem>> -> memref<16x128xf32, #tpu.memory_space<vmem>>
          %dma_wait3A_124 = arith.constant 0 : i32
          %dma_wait3A_125 = tpu.memref_slice %arg2[%mul3A_112, %dma_wait3A_124] : memref<40000x128xf32, #tpu.memory_space<hbm>> -> memref<16x128xf32, #tpu.memory_space<hbm>>
          tpu.wait_dma2 semaphore(%arg11 : memref<!tpu.dma_semaphore, #tpu.memory_space<semaphore_mem>>) src(%dma_wait3A_125 : memref<16x128xf32, #tpu.memory_space<hbm>>) dst(%dma_wait3A_123 : memref<16x128xf32, #tpu.memory_space<vmem>>)
          %mul3A_126 = arith.constant 128 : i32
          %mul3A_127 = arith.muli %add3A_110, %mul3A_126 : i32
          %dma_wait3A_128 = arith.constant 1 : i32
          %dma_wait3A_129 = arith.constant 0 : i32
          %dma_wait3A_130 = tpu.memref_slice %arg8[%dma_wait3A_128, %dma_wait3A_129] : memref<2x128xi32, #tpu.memory_space<vmem>> -> memref<1x128xi32, #tpu.memory_space<vmem>>
          %dma_wait3A_131 = tpu.memref_squeeze %dma_wait3A_130 : memref<1x128xi32, #tpu.memory_space<vmem>> -> memref<128xi32, #tpu.memory_space<vmem>>
          %dma_wait3A_132 = tpu.memref_slice %arg3[%mul3A_127] : memref<320000xi32, #tpu.memory_space<hbm>> -> memref<128xi32, #tpu.memory_space<hbm>>
          %dma_wait3A_133 = arith.constant 0 : i32
          %dma_wait3A_134 = tpu.memref_slice %arg8[%dma_wait3A_128, %dma_wait3A_133] : memref<2x128xi32, #tpu.memory_space<vmem>> -> memref<1x128xi32, #tpu.memory_space<vmem>>
          %dma_wait3A_135 = tpu.memref_squeeze %dma_wait3A_134 : memref<1x128xi32, #tpu.memory_space<vmem>> -> memref<128xi32, #tpu.memory_space<vmem>>
          %dma_wait3A_136 = tpu.memref_slice %arg3[%mul3A_127] : memref<320000xi32, #tpu.memory_space<hbm>> -> memref<128xi32, #tpu.memory_space<hbm>>
          tpu.wait_dma2 semaphore(%arg11 : memref<!tpu.dma_semaphore, #tpu.memory_space<semaphore_mem>>) src(%dma_wait3A_136 : memref<128xi32, #tpu.memory_space<hbm>>) dst(%dma_wait3A_135 : memref<128xi32, #tpu.memory_space<vmem>>)
          %scan3A_137 = arith.constant 0 : i32
          %scan3A_138 = arith.constant 16 : i32
          %scan3A_139 = arith.addi %scan3A_137, %scan3A_138 : i32
          %scan3A_140 = arith.constant 1 : i32
          scf.for %scan3A_144 = %scan3A_137 to %scan3A_139 step %scan3A_140  : i32 {
            %mul3A_145 = arith.constant 1 : i32
            %mul3A_146 = arith.muli %scan3A_144, %mul3A_145 : i32
            %add3A_147 = arith.constant 0 : i32
            %add3A_148 = arith.addi %add3A_147, %mul3A_146 : i32
            %get3A = arith.constant 1 : i32
            %get3A_149 = arith.index_cast %get3A : i32 to index
            %get3A_150 = arith.index_cast %add3A_148 : i32 to index
            %get3A_151 = arith.constant 0 : index
            %get3A_152 = tpu.vector_load %arg6[%get3A_149, %get3A_150, %get3A_151] {strides = array<i32>} : memref<2x16x128xf32, #tpu.memory_space<vmem>>, vector<1x1x16xf32>,
            %get3A_153 = vector.shape_cast %get3A_152 : vector<1x1x16xf32> to vector<16xf32>
            %mul3A_154 = arith.constant 8 : i32
            %mul3A_155 = arith.muli %add3A_148, %mul3A_154 : i32
            %add3A_156 = arith.constant 0 : i32
            %add3A_157 = arith.addi %mul3A_155, %add3A_156 : i32
            %swap3A = arith.constant 1 : i32
            %swap3A_158 = arith.index_cast %swap3A : i32 to index
            %swap3A_159 = arith.index_cast %add3A_157 : i32 to index
            %swap3A_160 = arith.constant 0 : index
            %swap3A_161 = tpu.vector_load %arg7[%swap3A_158, %swap3A_159, %swap3A_160] {strides = array<i32>} : memref<2x128x16xf32, #tpu.memory_space<vmem>>, vector<1x1x16xf32>,
            %swap3A_162 = vector.shape_cast %swap3A_161 : vector<1x1x16xf32> to vector<16xf32>
            %swap3A_163 = vector.shape_cast %get3A_153 : vector<16xf32> to vector<1x1x16xf32>
            tpu.vector_store %arg7[%swap3A_158, %swap3A_159, %swap3A_160], %swap3A_163 {strides = array<i32>} : memref<2x128x16xf32, #tpu.memory_space<vmem>>, vector<1x1x16xf32>,
            %get3A_164 = arith.constant 1 : i32
            %get3A_165 = arith.index_cast %get3A_164 : i32 to index
            %get3A_166 = arith.index_cast %add3A_148 : i32 to index
            %get3A_167 = arith.constant 16 : index
            %get3A_168 = tpu.vector_load %arg6[%get3A_165, %get3A_166, %get3A_167] {strides = array<i32>} : memref<2x16x128xf32, #tpu.memory_space<vmem>>, vector<1x1x16xf32>,
            %get3A_169 = vector.shape_cast %get3A_168 : vector<1x1x16xf32> to vector<16xf32>
            %mul3A_170 = arith.constant 8 : i32
            %mul3A_171 = arith.muli %add3A_148, %mul3A_170 : i32
            %add3A_172 = arith.constant 1 : i32
            %add3A_173 = arith.addi %mul3A_171, %add3A_172 : i32
            %swap3A_174 = arith.constant 1 : i32
            %swap3A_175 = arith.index_cast %swap3A_174 : i32 to index
            %swap3A_176 = arith.index_cast %add3A_173 : i32 to index
            %swap3A_177 = arith.constant 0 : index
            %swap3A_178 = tpu.vector_load %arg7[%swap3A_175, %swap3A_176, %swap3A_177] {strides = array<i32>} : memref<2x128x16xf32, #tpu.memory_space<vmem>>, vector<1x1x16xf32>,
            %swap3A_179 = vector.shape_cast %swap3A_178 : vector<1x1x16xf32> to vector<16xf32>
            %swap3A_180 = vector.shape_cast %get3A_169 : vector<16xf32> to vector<1x1x16xf32>
            tpu.vector_store %arg7[%swap3A_175, %swap3A_176, %swap3A_177], %swap3A_180 {strides = array<i32>} : memref<2x128x16xf32, #tpu.memory_space<vmem>>, vector<1x1x16xf32>,
            %get3A_181 = arith.constant 1 : i32
            %get3A_182 = arith.index_cast %get3A_181 : i32 to index
            %get3A_183 = arith.index_cast %add3A_148 : i32 to index
            %get3A_184 = arith.constant 32 : index
            %get3A_185 = tpu.vector_load %arg6[%get3A_182, %get3A_183, %get3A_184] {strides = array<i32>} : memref<2x16x128xf32, #tpu.memory_space<vmem>>, vector<1x1x16xf32>,
            %get3A_186 = vector.shape_cast %get3A_185 : vector<1x1x16xf32> to vector<16xf32>
            %mul3A_187 = arith.constant 8 : i32
            %mul3A_188 = arith.muli %add3A_148, %mul3A_187 : i32
            %add3A_189 = arith.constant 2 : i32
            %add3A_190 = arith.addi %mul3A_188, %add3A_189 : i32
            %swap3A_191 = arith.constant 1 : i32
            %swap3A_192 = arith.index_cast %swap3A_191 : i32 to index
            %swap3A_193 = arith.index_cast %add3A_190 : i32 to index
            %swap3A_194 = arith.constant 0 : index
            %swap3A_195 = tpu.vector_load %arg7[%swap3A_192, %swap3A_193, %swap3A_194] {strides = array<i32>} : memref<2x128x16xf32, #tpu.memory_space<vmem>>, vector<1x1x16xf32>,
            %swap3A_196 = vector.shape_cast %swap3A_195 : vector<1x1x16xf32> to vector<16xf32>
            %swap3A_197 = vector.shape_cast %get3A_186 : vector<16xf32> to vector<1x1x16xf32>
            tpu.vector_store %arg7[%swap3A_192, %swap3A_193, %swap3A_194], %swap3A_197 {strides = array<i32>} : memref<2x128x16xf32, #tpu.memory_space<vmem>>, vector<1x1x16xf32>,
            %get3A_198 = arith.constant 1 : i32
            %get3A_199 = arith.index_cast %get3A_198 : i32 to index
            %get3A_200 = arith.index_cast %add3A_148 : i32 to index
            %get3A_201 = arith.constant 48 : index
            %get3A_202 = tpu.vector_load %arg6[%get3A_199, %get3A_200, %get3A_201] {strides = array<i32>} : memref<2x16x128xf32, #tpu.memory_space<vmem>>, vector<1x1x16xf32>,
            %get3A_203 = vector.shape_cast %get3A_202 : vector<1x1x16xf32> to vector<16xf32>
            %mul3A_204 = arith.constant 8 : i32
            %mul3A_205 = arith.muli %add3A_148, %mul3A_204 : i32
            %add3A_206 = arith.constant 3 : i32
            %add3A_207 = arith.addi %mul3A_205, %add3A_206 : i32
            %swap3A_208 = arith.constant 1 : i32
            %swap3A_209 = arith.index_cast %swap3A_208 : i32 to index
            %swap3A_210 = arith.index_cast %add3A_207 : i32 to index
            %swap3A_211 = arith.constant 0 : index
            %swap3A_212 = tpu.vector_load %arg7[%swap3A_209, %swap3A_210, %swap3A_211] {strides = array<i32>} : memref<2x128x16xf32, #tpu.memory_space<vmem>>, vector<1x1x16xf32>,
            %swap3A_213 = vector.shape_cast %swap3A_212 : vector<1x1x16xf32> to vector<16xf32>
            %swap3A_214 = vector.shape_cast %get3A_203 : vector<16xf32> to vector<1x1x16xf32>
            tpu.vector_store %arg7[%swap3A_209, %swap3A_210, %swap3A_211], %swap3A_214 {strides = array<i32>} : memref<2x128x16xf32, #tpu.memory_space<vmem>>, vector<1x1x16xf32>,
            %get3A_215 = arith.constant 1 : i32
            %get3A_216 = arith.index_cast %get3A_215 : i32 to index
            %get3A_217 = arith.index_cast %add3A_148 : i32 to index
            %get3A_218 = arith.constant 64 : index
            %get3A_219 = tpu.vector_load %arg6[%get3A_216, %get3A_217, %get3A_218] {strides = array<i32>} : memref<2x16x128xf32, #tpu.memory_space<vmem>>, vector<1x1x16xf32>,
            %get3A_220 = vector.shape_cast %get3A_219 : vector<1x1x16xf32> to vector<16xf32>
            %mul3A_221 = arith.constant 8 : i32
            %mul3A_222 = arith.muli %add3A_148, %mul3A_221 : i32
            %add3A_223 = arith.constant 4 : i32
            %add3A_224 = arith.addi %mul3A_222, %add3A_223 : i32
            %swap3A_225 = arith.constant 1 : i32
            %swap3A_226 = arith.index_cast %swap3A_225 : i32 to index
            %swap3A_227 = arith.index_cast %add3A_224 : i32 to index
            %swap3A_228 = arith.constant 0 : index
            %swap3A_229 = tpu.vector_load %arg7[%swap3A_226, %swap3A_227, %swap3A_228] {strides = array<i32>} : memref<2x128x16xf32, #tpu.memory_space<vmem>>, vector<1x1x16xf32>,
            %swap3A_230 = vector.shape_cast %swap3A_229 : vector<1x1x16xf32> to vector<16xf32>
            %swap3A_231 = vector.shape_cast %get3A_220 : vector<16xf32> to vector<1x1x16xf32>
            tpu.vector_store %arg7[%swap3A_226, %swap3A_227, %swap3A_228], %swap3A_231 {strides = array<i32>} : memref<2x128x16xf32, #tpu.memory_space<vmem>>, vector<1x1x16xf32>,
            %get3A_232 = arith.constant 1 : i32
            %get3A_233 = arith.index_cast %get3A_232 : i32 to index
            %get3A_234 = arith.index_cast %add3A_148 : i32 to index
            %get3A_235 = arith.constant 80 : index
            %get3A_236 = tpu.vector_load %arg6[%get3A_233, %get3A_234, %get3A_235] {strides = array<i32>} : memref<2x16x128xf32, #tpu.memory_space<vmem>>, vector<1x1x16xf32>,
            %get3A_237 = vector.shape_cast %get3A_236 : vector<1x1x16xf32> to vector<16xf32>
            %mul3A_238 = arith.constant 8 : i32
            %mul3A_239 = arith.muli %add3A_148, %mul3A_238 : i32
            %add3A_240 = arith.constant 5 : i32
            %add3A_241 = arith.addi %mul3A_239, %add3A_240 : i32
            %swap3A_242 = arith.constant 1 : i32
            %swap3A_243 = arith.index_cast %swap3A_242 : i32 to index
            %swap3A_244 = arith.index_cast %add3A_241 : i32 to index
            %swap3A_245 = arith.constant 0 : index
            %swap3A_246 = tpu.vector_load %arg7[%swap3A_243, %swap3A_244, %swap3A_245] {strides = array<i32>} : memref<2x128x16xf32, #tpu.memory_space<vmem>>, vector<1x1x16xf32>,
            %swap3A_247 = vector.shape_cast %swap3A_246 : vector<1x1x16xf32> to vector<16xf32>
            %swap3A_248 = vector.shape_cast %get3A_237 : vector<16xf32> to vector<1x1x16xf32>
            tpu.vector_store %arg7[%swap3A_243, %swap3A_244, %swap3A_245], %swap3A_248 {strides = array<i32>} : memref<2x128x16xf32, #tpu.memory_space<vmem>>, vector<1x1x16xf32>,
            %get3A_249 = arith.constant 1 : i32
            %get3A_250 = arith.index_cast %get3A_249 : i32 to index
            %get3A_251 = arith.index_cast %add3A_148 : i32 to index
            %get3A_252 = arith.constant 96 : index
            %get3A_253 = tpu.vector_load %arg6[%get3A_250, %get3A_251, %get3A_252] {strides = array<i32>} : memref<2x16x128xf32, #tpu.memory_space<vmem>>, vector<1x1x16xf32>,
            %get3A_254 = vector.shape_cast %get3A_253 : vector<1x1x16xf32> to vector<16xf32>
            %mul3A_255 = arith.constant 8 : i32
            %mul3A_256 = arith.muli %add3A_148, %mul3A_255 : i32
            %add3A_257 = arith.constant 6 : i32
            %add3A_258 = arith.addi %mul3A_256, %add3A_257 : i32
            %swap3A_259 = arith.constant 1 : i32
            %swap3A_260 = arith.index_cast %swap3A_259 : i32 to index
            %swap3A_261 = arith.index_cast %add3A_258 : i32 to index
            %swap3A_262 = arith.constant 0 : index
            %swap3A_263 = tpu.vector_load %arg7[%swap3A_260, %swap3A_261, %swap3A_262] {strides = array<i32>} : memref<2x128x16xf32, #tpu.memory_space<vmem>>, vector<1x1x16xf32>,
            %swap3A_264 = vector.shape_cast %swap3A_263 : vector<1x1x16xf32> to vector<16xf32>
            %swap3A_265 = vector.shape_cast %get3A_254 : vector<16xf32> to vector<1x1x16xf32>
            tpu.vector_store %arg7[%swap3A_260, %swap3A_261, %swap3A_262], %swap3A_265 {strides = array<i32>} : memref<2x128x16xf32, #tpu.memory_space<vmem>>, vector<1x1x16xf32>,
            %get3A_266 = arith.constant 1 : i32
            %get3A_267 = arith.index_cast %get3A_266 : i32 to index
            %get3A_268 = arith.index_cast %add3A_148 : i32 to index
            %get3A_269 = arith.constant 112 : index
            %get3A_270 = tpu.vector_load %arg6[%get3A_267, %get3A_268, %get3A_269] {strides = array<i32>} : memref<2x16x128xf32, #tpu.memory_space<vmem>>, vector<1x1x16xf32>,
            %get3A_271 = vector.shape_cast %get3A_270 : vector<1x1x16xf32> to vector<16xf32>
            %mul3A_272 = arith.constant 8 : i32
            %mul3A_273 = arith.muli %add3A_148, %mul3A_272 : i32
            %add3A_274 = arith.constant 7 : i32
            %add3A_275 = arith.addi %mul3A_273, %add3A_274 : i32
            %swap3A_276 = arith.constant 1 : i32
            %swap3A_277 = arith.index_cast %swap3A_276 : i32 to index
            %swap3A_278 = arith.index_cast %add3A_275 : i32 to index
            %swap3A_279 = arith.constant 0 : index
            %swap3A_280 = tpu.vector_load %arg7[%swap3A_277, %swap3A_278, %swap3A_279] {strides = array<i32>} : memref<2x128x16xf32, #tpu.memory_space<vmem>>, vector<1x1x16xf32>,
            %swap3A_281 = vector.shape_cast %swap3A_280 : vector<1x1x16xf32> to vector<16xf32>
            %swap3A_282 = vector.shape_cast %get3A_271 : vector<16xf32> to vector<1x1x16xf32>
            tpu.vector_store %arg7[%swap3A_277, %swap3A_278, %swap3A_279], %swap3A_282 {strides = array<i32>} : memref<2x128x16xf32, #tpu.memory_space<vmem>>, vector<1x1x16xf32>,
          }
          %scan3A_141 = arith.constant 16 : i32
          %run_scoped3A_142 = arith.constant 1 : i32
          %run_scoped3A_143 = arith.constant 1 : i32
          "tpu.region"() ({
            %run_scoped3A_144 = tpu.sem_alloc : memref<!tpu.dma_semaphore, #tpu.memory_space<semaphore_mem>>
            %dma_start3A_145 = arith.constant 0 : i32
            %dma_start3A_146 = arith.constant 0 : i32
            %dma_start3A_147 = tpu.memref_slice %arg7[%run_scoped3A_142, %dma_start3A_145, %dma_start3A_146] : memref<2x128x16xf32, #tpu.memory_space<vmem>> -> memref<1x128x16xf32, #tpu.memory_space<vmem>>
            %dma_start3A_148 = tpu.memref_squeeze %dma_start3A_147 : memref<1x128x16xf32, #tpu.memory_space<vmem>> -> memref<128x16xf32, #tpu.memory_space<vmem>>
            %dma_start3A_149 = arith.constant 0 : i32
            %dma_start3A_150 = tpu.memref_slice %arg8[%run_scoped3A_143, %dma_start3A_149] : memref<2x128xi32, #tpu.memory_space<vmem>> -> memref<1x128xi32, #tpu.memory_space<vmem>>
            %dma_start3A_151 = tpu.memref_squeeze %dma_start3A_150 : memref<1x128xi32, #tpu.memory_space<vmem>> -> memref<128xi32, #tpu.memory_space<vmem>>
            %dma_start3A_152 = arith.constant 0 : i32
            %dma_start3A_153 = arith.constant 0 : i32
            %dma_start3A_154 = tpu.memref_slice %arg9[%dma_start3A_152, %dma_start3A_153] : memref<10000x16xf32, #tpu.memory_space<vmem_shared>> -> memref<10000x16xf32, #tpu.memory_space<vmem_shared>>
            tpu.enqueue_indirect_dma source(%dma_start3A_148 : memref<128x16xf32, #tpu.memory_space<vmem>>) target(%dma_start3A_154 : memref<10000x16xf32, #tpu.memory_space<vmem_shared>>) offsets(%dma_start3A_151 : memref<128xi32, #tpu.memory_space<vmem>>) semaphore(%run_scoped3A_144 : memref<!tpu.dma_semaphore, #tpu.memory_space<semaphore_mem>>) {add = true}
            %dma_wait3A_155 = arith.constant 0 : i32
            %dma_wait3A_156 = arith.constant 0 : i32
            %dma_wait3A_157 = tpu.memref_slice %arg7[%run_scoped3A_142, %dma_wait3A_155, %dma_wait3A_156] : memref<2x128x16xf32, #tpu.memory_space<vmem>> -> memref<1x128x16xf32, #tpu.memory_space<vmem>>
            %dma_wait3A_158 = tpu.memref_squeeze %dma_wait3A_157 : memref<1x128x16xf32, #tpu.memory_space<vmem>> -> memref<128x16xf32, #tpu.memory_space<vmem>>
            %dma_wait3A_159 = arith.constant 0 : i32
            %dma_wait3A_160 = tpu.memref_slice %arg8[%run_scoped3A_143, %dma_wait3A_159] : memref<2x128xi32, #tpu.memory_space<vmem>> -> memref<1x128xi32, #tpu.memory_space<vmem>>
            %dma_wait3A_161 = tpu.memref_squeeze %dma_wait3A_160 : memref<1x128xi32, #tpu.memory_space<vmem>> -> memref<128xi32, #tpu.memory_space<vmem>>
            %dma_wait3A_162 = arith.constant 0 : i32
            %dma_wait3A_163 = arith.constant 0 : i32
            %dma_wait3A_164 = tpu.memref_slice %arg9[%dma_wait3A_162, %dma_wait3A_163] : memref<10000x16xf32, #tpu.memory_space<vmem_shared>> -> memref<10000x16xf32, #tpu.memory_space<vmem_shared>>
            tpu.wait_indirect_dma semaphore(%run_scoped3A_144 : memref<!tpu.dma_semaphore, #tpu.memory_space<semaphore_mem>>) src(%dma_wait3A_158 : memref<128x16xf32, #tpu.memory_space<vmem>>) dst(%dma_wait3A_164 : memref<10000x16xf32, #tpu.memory_space<vmem_shared>>)
            tpu.yield
          }) : () -> ()
        } else {
        }
      } else {
      }
    }
    %scan3A_39 = arith.constant 40 : i32
    %barrier3A_40 = arith.constant 0 : index
    tpu.barrier barrier_id(%barrier3A_40)
    %mul3A_41 = arith.constant 625 : i32
    %mul3A_42 = arith.muli %arg1, %mul3A_41 : i32
    %mul3A_43 = arith.constant 625 : i32
    %mul3A_44 = arith.muli %arg1, %mul3A_43 : i32
    "tpu.region"() ({
      %run_scoped3A = tpu.sem_alloc : memref<!tpu.dma_semaphore, #tpu.memory_space<semaphore_mem>>
      %dma_start3A_45 = arith.constant 0 : i32
      %dma_start3A_46 = tpu.memref_slice %arg5[%arg0, %mul3A_44, %dma_start3A_45] : memref<2x10000x16xf32, #tpu.memory_space<hbm>> -> memref<1x625x16xf32, #tpu.memory_space<hbm>>
      %dma_start3A_47 = tpu.memref_squeeze %dma_start3A_46 : memref<1x625x16xf32, #tpu.memory_space<hbm>> -> memref<625x16xf32, #tpu.memory_space<hbm>>
      %dma_start3A_48 = arith.constant 0 : i32
      %dma_start3A_49 = tpu.memref_slice %arg9[%mul3A_42, %dma_start3A_48] : memref<10000x16xf32, #tpu.memory_space<vmem_shared>> -> memref<625x16xf32, #tpu.memory_space<vmem_shared>>
      tpu.enqueue_dma source(%dma_start3A_49 : memref<625x16xf32, #tpu.memory_space<vmem_shared>>) target(%dma_start3A_47 : memref<625x16xf32, #tpu.memory_space<hbm>>) target_semaphore(%run_scoped3A : memref<!tpu.dma_semaphore, #tpu.memory_space<semaphore_mem>>)
      %dma_wait3A = arith.constant 0 : i32
      %dma_wait3A_50 = tpu.memref_slice %arg5[%arg0, %mul3A_44, %dma_wait3A] : memref<2x10000x16xf32, #tpu.memory_space<hbm>> -> memref<1x625x16xf32, #tpu.memory_space<hbm>>
      %dma_wait3A_51 = tpu.memref_squeeze %dma_wait3A_50 : memref<1x625x16xf32, #tpu.memory_space<hbm>> -> memref<625x16xf32, #tpu.memory_space<hbm>>
      %dma_wait3A_52 = arith.constant 0 : i32
      %dma_wait3A_53 = tpu.memref_slice %arg9[%mul3A_42, %dma_wait3A_52] : memref<10000x16xf32, #tpu.memory_space<vmem_shared>> -> memref<625x16xf32, #tpu.memory_space<vmem_shared>>
      tpu.wait_dma2 semaphore(%run_scoped3A : memref<!tpu.dma_semaphore, #tpu.memory_space<semaphore_mem>>) src(%dma_wait3A_53 : memref<625x16xf32, #tpu.memory_space<vmem_shared>>) dst(%dma_wait3A_51 : memref<625x16xf32, #tpu.memory_space<hbm>>)
      tpu.yield
    }) : () -> ()
    return
  }
}

#map = affine_map<(d0, d1) -> (0, 0)>
module attributes {stable_mosaic.version = 14 : i64} {
  func.func @_sc_edge_body(%arg0: i32, %arg1: i32, %arg2: memref<60000x16xf32, #tpu.memory_space<hbm>>, %arg3: memref<2560x128xi32, #tpu.memory_space<hbm>>, %arg4: memref<2560x128xi32, #tpu.memory_space<hbm>>, %arg5: memref<40960x128xf32, #tpu.memory_space<hbm>>, %arg6: memref<2x2x4x128xi32, #tpu.memory_space<vmem>>, %arg7: memref<2x2x512x16xf32, #tpu.memory_space<vmem>>, %arg8: memref<2x64x128xf32, #tpu.memory_space<vmem>>, %arg9: memref<60000x16xf32, #tpu.memory_space<vmem_shared>>, %arg10: memref<!tpu.dma_semaphore, #tpu.memory_space<semaphore_mem>>, %arg11: memref<!tpu.dma_semaphore, #tpu.memory_space<semaphore_mem>>, %arg12: memref<!tpu.dma_semaphore, #tpu.memory_space<semaphore_mem>>, %arg13: memref<!tpu.dma_semaphore, #tpu.memory_space<semaphore_mem>>) attributes {dimension_semantics = [#tpu.dimension_semantics<core_parallel>, #tpu.dimension_semantics<subcore_parallel>], iteration_bounds = array<i64: 2, 16>, scalar_prefetch = 0 : i64, scratch_operands = 8 : i64, tpu.core_type = #tpu.core_type<sc_vector_subcore>, window_params = [{transform_indices = #map}, {transform_indices = #map}, {transform_indices = #map}, {transform_indices = #map}]} {
    %mul3A = arith.constant 2 : i32
    %mul3A_0 = arith.muli %arg1, %mul3A : i32
    %add3A = arith.addi %mul3A_0, %arg0 : i32
    %eq3A = arith.constant 0 : i32
    %eq3A_1 = arith.cmpi eq, %arg1, %eq3A : i32
    %convert_element_type3A = arith.extui %eq3A_1 : i1 to i32
    %cond3A = arith.constant 0 : i32
    %cond3A_2 = arith.cmpi ne, %convert_element_type3A, %cond3A : i32
    scf.if %cond3A_2 {
      "tpu.region"() ({
        %run_scoped3A_137 = tpu.sem_alloc : memref<!tpu.dma_semaphore, #tpu.memory_space<semaphore_mem>>
        tpu.enqueue_dma source(%arg2 : memref<60000x16xf32, #tpu.memory_space<hbm>>) target(%arg9 : memref<60000x16xf32, #tpu.memory_space<vmem_shared>>) target_semaphore(%run_scoped3A_137 : memref<!tpu.dma_semaphore, #tpu.memory_space<semaphore_mem>>)
        tpu.wait_dma2 semaphore(%run_scoped3A_137 : memref<!tpu.dma_semaphore, #tpu.memory_space<semaphore_mem>>) src(%arg2 : memref<60000x16xf32, #tpu.memory_space<hbm>>) dst(%arg9 : memref<60000x16xf32, #tpu.memory_space<vmem_shared>>)
        tpu.yield
      }) : () -> ()
    } else {
    }
    %barrier3A = arith.constant 0 : index
    tpu.barrier barrier_id(%barrier3A)
    %mul3A_3 = arith.constant 10240 : i32
    %mul3A_4 = arith.muli %add3A, %mul3A_3 : i32
    %mul3A_5 = arith.constant 80 : i32
    %mul3A_6 = arith.muli %add3A, %mul3A_5 : i32
    %add3A_7 = arith.constant 0 : i32
    %add3A_8 = arith.addi %mul3A_6, %add3A_7 : i32
    %run_scoped3A = arith.constant 0 : i32
    %run_scoped3A_9 = arith.constant 0 : i32
    "tpu.region"() ({
      %run_scoped3A_137 = tpu.sem_alloc : memref<!tpu.dma_semaphore, #tpu.memory_space<semaphore_mem>>
      %dma_start3A_138 = arith.constant 0 : i32
      %dma_start3A_139 = arith.constant 0 : i32
      %dma_start3A_140 = tpu.memref_slice %arg6[%run_scoped3A, %run_scoped3A_9, %dma_start3A_138, %dma_start3A_139] : memref<2x2x4x128xi32, #tpu.memory_space<vmem>> -> memref<1x1x4x128xi32, #tpu.memory_space<vmem>>
      %dma_start3A_141 = tpu.memref_squeeze %dma_start3A_140 : memref<1x1x4x128xi32, #tpu.memory_space<vmem>> -> memref<4x128xi32, #tpu.memory_space<vmem>>
      %dma_start3A_142 = arith.constant 0 : i32
      %dma_start3A_143 = tpu.memref_slice %arg3[%add3A_8, %dma_start3A_142] : memref<2560x128xi32, #tpu.memory_space<hbm>> -> memref<4x128xi32, #tpu.memory_space<hbm>>
      %dma_start3A_144 = arith.constant 0 : i32
      %dma_start3A_145 = arith.constant 0 : i32
      %dma_start3A_146 = tpu.memref_slice %arg6[%run_scoped3A, %run_scoped3A_9, %dma_start3A_144, %dma_start3A_145] : memref<2x2x4x128xi32, #tpu.memory_space<vmem>> -> memref<1x1x4x128xi32, #tpu.memory_space<vmem>>
      %dma_start3A_147 = tpu.memref_squeeze %dma_start3A_146 : memref<1x1x4x128xi32, #tpu.memory_space<vmem>> -> memref<4x128xi32, #tpu.memory_space<vmem>>
      %dma_start3A_148 = arith.constant 0 : i32
      %dma_start3A_149 = tpu.memref_slice %arg3[%add3A_8, %dma_start3A_148] : memref<2560x128xi32, #tpu.memory_space<hbm>> -> memref<4x128xi32, #tpu.memory_space<hbm>>
      tpu.enqueue_dma source(%dma_start3A_149 : memref<4x128xi32, #tpu.memory_space<hbm>>) target(%dma_start3A_147 : memref<4x128xi32, #tpu.memory_space<vmem>>) target_semaphore(%run_scoped3A_137 : memref<!tpu.dma_semaphore, #tpu.memory_space<semaphore_mem>>)
      %dma_wait3A = arith.constant 0 : i32
      %dma_wait3A_150 = arith.constant 0 : i32
      %dma_wait3A_151 = tpu.memref_slice %arg6[%run_scoped3A, %run_scoped3A_9, %dma_wait3A, %dma_wait3A_150] : memref<2x2x4x128xi32, #tpu.memory_space<vmem>> -> memref<1x1x4x128xi32, #tpu.memory_space<vmem>>
      %dma_wait3A_152 = tpu.memref_squeeze %dma_wait3A_151 : memref<1x1x4x128xi32, #tpu.memory_space<vmem>> -> memref<4x128xi32, #tpu.memory_space<vmem>>
      %dma_wait3A_153 = arith.constant 0 : i32
      %dma_wait3A_154 = tpu.memref_slice %arg3[%add3A_8, %dma_wait3A_153] : memref<2560x128xi32, #tpu.memory_space<hbm>> -> memref<4x128xi32, #tpu.memory_space<hbm>>
      %dma_wait3A_155 = arith.constant 0 : i32
      %dma_wait3A_156 = arith.constant 0 : i32
      %dma_wait3A_157 = tpu.memref_slice %arg6[%run_scoped3A, %run_scoped3A_9, %dma_wait3A_155, %dma_wait3A_156] : memref<2x2x4x128xi32, #tpu.memory_space<vmem>> -> memref<1x1x4x128xi32, #tpu.memory_space<vmem>>
      %dma_wait3A_158 = tpu.memref_squeeze %dma_wait3A_157 : memref<1x1x4x128xi32, #tpu.memory_space<vmem>> -> memref<4x128xi32, #tpu.memory_space<vmem>>
      %dma_wait3A_159 = arith.constant 0 : i32
      %dma_wait3A_160 = tpu.memref_slice %arg3[%add3A_8, %dma_wait3A_159] : memref<2560x128xi32, #tpu.memory_space<hbm>> -> memref<4x128xi32, #tpu.memory_space<hbm>>
      tpu.wait_dma2 semaphore(%run_scoped3A_137 : memref<!tpu.dma_semaphore, #tpu.memory_space<semaphore_mem>>) src(%dma_wait3A_160 : memref<4x128xi32, #tpu.memory_space<hbm>>) dst(%dma_wait3A_158 : memref<4x128xi32, #tpu.memory_space<vmem>>)
      tpu.yield
    }) : () -> ()
    %add3A_10 = arith.constant 0 : i32
    %add3A_11 = arith.addi %mul3A_6, %add3A_10 : i32
    %run_scoped3A_12 = arith.constant 0 : i32
    %run_scoped3A_13 = arith.constant 1 : i32
    "tpu.region"() ({
      %run_scoped3A_137 = tpu.sem_alloc : memref<!tpu.dma_semaphore, #tpu.memory_space<semaphore_mem>>
      %dma_start3A_138 = arith.constant 0 : i32
      %dma_start3A_139 = arith.constant 0 : i32
      %dma_start3A_140 = tpu.memref_slice %arg6[%run_scoped3A_12, %run_scoped3A_13, %dma_start3A_138, %dma_start3A_139] : memref<2x2x4x128xi32, #tpu.memory_space<vmem>> -> memref<1x1x4x128xi32, #tpu.memory_space<vmem>>
      %dma_start3A_141 = tpu.memref_squeeze %dma_start3A_140 : memref<1x1x4x128xi32, #tpu.memory_space<vmem>> -> memref<4x128xi32, #tpu.memory_space<vmem>>
      %dma_start3A_142 = arith.constant 0 : i32
      %dma_start3A_143 = tpu.memref_slice %arg4[%add3A_11, %dma_start3A_142] : memref<2560x128xi32, #tpu.memory_space<hbm>> -> memref<4x128xi32, #tpu.memory_space<hbm>>
      %dma_start3A_144 = arith.constant 0 : i32
      %dma_start3A_145 = arith.constant 0 : i32
      %dma_start3A_146 = tpu.memref_slice %arg6[%run_scoped3A_12, %run_scoped3A_13, %dma_start3A_144, %dma_start3A_145] : memref<2x2x4x128xi32, #tpu.memory_space<vmem>> -> memref<1x1x4x128xi32, #tpu.memory_space<vmem>>
      %dma_start3A_147 = tpu.memref_squeeze %dma_start3A_146 : memref<1x1x4x128xi32, #tpu.memory_space<vmem>> -> memref<4x128xi32, #tpu.memory_space<vmem>>
      %dma_start3A_148 = arith.constant 0 : i32
      %dma_start3A_149 = tpu.memref_slice %arg4[%add3A_11, %dma_start3A_148] : memref<2560x128xi32, #tpu.memory_space<hbm>> -> memref<4x128xi32, #tpu.memory_space<hbm>>
      tpu.enqueue_dma source(%dma_start3A_149 : memref<4x128xi32, #tpu.memory_space<hbm>>) target(%dma_start3A_147 : memref<4x128xi32, #tpu.memory_space<vmem>>) target_semaphore(%run_scoped3A_137 : memref<!tpu.dma_semaphore, #tpu.memory_space<semaphore_mem>>)
      %dma_wait3A = arith.constant 0 : i32
      %dma_wait3A_150 = arith.constant 0 : i32
      %dma_wait3A_151 = tpu.memref_slice %arg6[%run_scoped3A_12, %run_scoped3A_13, %dma_wait3A, %dma_wait3A_150] : memref<2x2x4x128xi32, #tpu.memory_space<vmem>> -> memref<1x1x4x128xi32, #tpu.memory_space<vmem>>
      %dma_wait3A_152 = tpu.memref_squeeze %dma_wait3A_151 : memref<1x1x4x128xi32, #tpu.memory_space<vmem>> -> memref<4x128xi32, #tpu.memory_space<vmem>>
      %dma_wait3A_153 = arith.constant 0 : i32
      %dma_wait3A_154 = tpu.memref_slice %arg4[%add3A_11, %dma_wait3A_153] : memref<2560x128xi32, #tpu.memory_space<hbm>> -> memref<4x128xi32, #tpu.memory_space<hbm>>
      %dma_wait3A_155 = arith.constant 0 : i32
      %dma_wait3A_156 = arith.constant 0 : i32
      %dma_wait3A_157 = tpu.memref_slice %arg6[%run_scoped3A_12, %run_scoped3A_13, %dma_wait3A_155, %dma_wait3A_156] : memref<2x2x4x128xi32, #tpu.memory_space<vmem>> -> memref<1x1x4x128xi32, #tpu.memory_space<vmem>>
      %dma_wait3A_158 = tpu.memref_squeeze %dma_wait3A_157 : memref<1x1x4x128xi32, #tpu.memory_space<vmem>> -> memref<4x128xi32, #tpu.memory_space<vmem>>
      %dma_wait3A_159 = arith.constant 0 : i32
      %dma_wait3A_160 = tpu.memref_slice %arg4[%add3A_11, %dma_wait3A_159] : memref<2560x128xi32, #tpu.memory_space<hbm>> -> memref<4x128xi32, #tpu.memory_space<hbm>>
      tpu.wait_dma2 semaphore(%run_scoped3A_137 : memref<!tpu.dma_semaphore, #tpu.memory_space<semaphore_mem>>) src(%dma_wait3A_160 : memref<4x128xi32, #tpu.memory_space<hbm>>) dst(%dma_wait3A_158 : memref<4x128xi32, #tpu.memory_space<vmem>>)
      tpu.yield
    }) : () -> ()
    %dma_start3A = arith.constant 0 : i32
    %dma_start3A_14 = arith.constant 0 : i32
    %dma_start3A_15 = arith.constant 0 : i32
    %dma_start3A_16 = arith.constant 0 : i32
    %dma_start3A_17 = arith.constant 0 : i32
    %dma_start3A_18 = arith.constant 0 : i32
    %dma_start3A_19 = arith.constant 0 : i32
    %dma_start3A_20 = tpu.memref_slice %arg7[%dma_start3A_16, %dma_start3A_17, %dma_start3A_18, %dma_start3A_19] : memref<2x2x512x16xf32, #tpu.memory_space<vmem>> -> memref<1x1x128x16xf32, #tpu.memory_space<vmem>>
    %dma_start3A_21 = tpu.memref_squeeze %dma_start3A_20 : memref<1x1x128x16xf32, #tpu.memory_space<vmem>> -> memref<128x16xf32, #tpu.memory_space<vmem>>
    %dma_start3A_22 = arith.constant 0 : i32
    %dma_start3A_23 = tpu.memref_slice %arg6[%dma_start3A, %dma_start3A_14, %dma_start3A_15, %dma_start3A_22] : memref<2x2x4x128xi32, #tpu.memory_space<vmem>> -> memref<1x1x1x128xi32, #tpu.memory_space<vmem>>
    %dma_start3A_24 = tpu.memref_squeeze %dma_start3A_23 : memref<1x1x1x128xi32, #tpu.memory_space<vmem>> -> memref<128xi32, #tpu.memory_space<vmem>>
    %dma_start3A_25 = arith.constant 0 : i32
    %dma_start3A_26 = arith.constant 0 : i32
    %dma_start3A_27 = tpu.memref_slice %arg9[%dma_start3A_25, %dma_start3A_26] : memref<60000x16xf32, #tpu.memory_space<vmem_shared>> -> memref<60000x16xf32, #tpu.memory_space<vmem_shared>>
    tpu.enqueue_indirect_dma source(%dma_start3A_27 : memref<60000x16xf32, #tpu.memory_space<vmem_shared>>) target(%dma_start3A_21 : memref<128x16xf32, #tpu.memory_space<vmem>>) offsets(%dma_start3A_24 : memref<128xi32, #tpu.memory_space<vmem>>) semaphore(%arg10 : memref<!tpu.dma_semaphore, #tpu.memory_space<semaphore_mem>>)
    %dma_start3A_28 = arith.constant 0 : i32
    %dma_start3A_29 = arith.constant 1 : i32
    %dma_start3A_30 = arith.constant 0 : i32
    %dma_start3A_31 = arith.constant 0 : i32
    %dma_start3A_32 = arith.constant 1 : i32
    %dma_start3A_33 = arith.constant 0 : i32
    %dma_start3A_34 = arith.constant 0 : i32
    %dma_start3A_35 = tpu.memref_slice %arg7[%dma_start3A_31, %dma_start3A_32, %dma_start3A_33, %dma_start3A_34] : memref<2x2x512x16xf32, #tpu.memory_space<vmem>> -> memref<1x1x128x16xf32, #tpu.memory_space<vmem>>
    %dma_start3A_36 = tpu.memref_squeeze %dma_start3A_35 : memref<1x1x128x16xf32, #tpu.memory_space<vmem>> -> memref<128x16xf32, #tpu.memory_space<vmem>>
    %dma_start3A_37 = arith.constant 0 : i32
    %dma_start3A_38 = tpu.memref_slice %arg6[%dma_start3A_28, %dma_start3A_29, %dma_start3A_30, %dma_start3A_37] : memref<2x2x4x128xi32, #tpu.memory_space<vmem>> -> memref<1x1x1x128xi32, #tpu.memory_space<vmem>>
    %dma_start3A_39 = tpu.memref_squeeze %dma_start3A_38 : memref<1x1x1x128xi32, #tpu.memory_space<vmem>> -> memref<128xi32, #tpu.memory_space<vmem>>
    %dma_start3A_40 = arith.constant 0 : i32
    %dma_start3A_41 = arith.constant 0 : i32
    %dma_start3A_42 = tpu.memref_slice %arg9[%dma_start3A_40, %dma_start3A_41] : memref<60000x16xf32, #tpu.memory_space<vmem_shared>> -> memref<60000x16xf32, #tpu.memory_space<vmem_shared>>
    tpu.enqueue_indirect_dma source(%dma_start3A_42 : memref<60000x16xf32, #tpu.memory_space<vmem_shared>>) target(%dma_start3A_36 : memref<128x16xf32, #tpu.memory_space<vmem>>) offsets(%dma_start3A_39 : memref<128xi32, #tpu.memory_space<vmem>>) semaphore(%arg11 : memref<!tpu.dma_semaphore, #tpu.memory_space<semaphore_mem>>)
    %dma_start3A_43 = arith.constant 0 : i32
    %dma_start3A_44 = arith.constant 0 : i32
    %dma_start3A_45 = arith.constant 1 : i32
    %dma_start3A_46 = arith.constant 0 : i32
    %dma_start3A_47 = arith.constant 0 : i32
    %dma_start3A_48 = arith.constant 128 : i32
    %dma_start3A_49 = arith.constant 0 : i32
    %dma_start3A_50 = tpu.memref_slice %arg7[%dma_start3A_46, %dma_start3A_47, %dma_start3A_48, %dma_start3A_49] : memref<2x2x512x16xf32, #tpu.memory_space<vmem>> -> memref<1x1x128x16xf32, #tpu.memory_space<vmem>>
    %dma_start3A_51 = tpu.memref_squeeze %dma_start3A_50 : memref<1x1x128x16xf32, #tpu.memory_space<vmem>> -> memref<128x16xf32, #tpu.memory_space<vmem>>
    %dma_start3A_52 = arith.constant 0 : i32
    %dma_start3A_53 = tpu.memref_slice %arg6[%dma_start3A_43, %dma_start3A_44, %dma_start3A_45, %dma_start3A_52] : memref<2x2x4x128xi32, #tpu.memory_space<vmem>> -> memref<1x1x1x128xi32, #tpu.memory_space<vmem>>
    %dma_start3A_54 = tpu.memref_squeeze %dma_start3A_53 : memref<1x1x1x128xi32, #tpu.memory_space<vmem>> -> memref<128xi32, #tpu.memory_space<vmem>>
    %dma_start3A_55 = arith.constant 0 : i32
    %dma_start3A_56 = arith.constant 0 : i32
    %dma_start3A_57 = tpu.memref_slice %arg9[%dma_start3A_55, %dma_start3A_56] : memref<60000x16xf32, #tpu.memory_space<vmem_shared>> -> memref<60000x16xf32, #tpu.memory_space<vmem_shared>>
    tpu.enqueue_indirect_dma source(%dma_start3A_57 : memref<60000x16xf32, #tpu.memory_space<vmem_shared>>) target(%dma_start3A_51 : memref<128x16xf32, #tpu.memory_space<vmem>>) offsets(%dma_start3A_54 : memref<128xi32, #tpu.memory_space<vmem>>) semaphore(%arg10 : memref<!tpu.dma_semaphore, #tpu.memory_space<semaphore_mem>>)
    %dma_start3A_58 = arith.constant 0 : i32
    %dma_start3A_59 = arith.constant 1 : i32
    %dma_start3A_60 = arith.constant 1 : i32
    %dma_start3A_61 = arith.constant 0 : i32
    %dma_start3A_62 = arith.constant 1 : i32
    %dma_start3A_63 = arith.constant 128 : i32
    %dma_start3A_64 = arith.constant 0 : i32
    %dma_start3A_65 = tpu.memref_slice %arg7[%dma_start3A_61, %dma_start3A_62, %dma_start3A_63, %dma_start3A_64] : memref<2x2x512x16xf32, #tpu.memory_space<vmem>> -> memref<1x1x128x16xf32, #tpu.memory_space<vmem>>
    %dma_start3A_66 = tpu.memref_squeeze %dma_start3A_65 : memref<1x1x128x16xf32, #tpu.memory_space<vmem>> -> memref<128x16xf32, #tpu.memory_space<vmem>>
    %dma_start3A_67 = arith.constant 0 : i32
    %dma_start3A_68 = tpu.memref_slice %arg6[%dma_start3A_58, %dma_start3A_59, %dma_start3A_60, %dma_start3A_67] : memref<2x2x4x128xi32, #tpu.memory_space<vmem>> -> memref<1x1x1x128xi32, #tpu.memory_space<vmem>>
    %dma_start3A_69 = tpu.memref_squeeze %dma_start3A_68 : memref<1x1x1x128xi32, #tpu.memory_space<vmem>> -> memref<128xi32, #tpu.memory_space<vmem>>
    %dma_start3A_70 = arith.constant 0 : i32
    %dma_start3A_71 = arith.constant 0 : i32
    %dma_start3A_72 = tpu.memref_slice %arg9[%dma_start3A_70, %dma_start3A_71] : memref<60000x16xf32, #tpu.memory_space<vmem_shared>> -> memref<60000x16xf32, #tpu.memory_space<vmem_shared>>
    tpu.enqueue_indirect_dma source(%dma_start3A_72 : memref<60000x16xf32, #tpu.memory_space<vmem_shared>>) target(%dma_start3A_66 : memref<128x16xf32, #tpu.memory_space<vmem>>) offsets(%dma_start3A_69 : memref<128xi32, #tpu.memory_space<vmem>>) semaphore(%arg11 : memref<!tpu.dma_semaphore, #tpu.memory_space<semaphore_mem>>)
    %dma_start3A_73 = arith.constant 0 : i32
    %dma_start3A_74 = arith.constant 0 : i32
    %dma_start3A_75 = arith.constant 2 : i32
    %dma_start3A_76 = arith.constant 0 : i32
    %dma_start3A_77 = arith.constant 0 : i32
    %dma_start3A_78 = arith.constant 256 : i32
    %dma_start3A_79 = arith.constant 0 : i32
    %dma_start3A_80 = tpu.memref_slice %arg7[%dma_start3A_76, %dma_start3A_77, %dma_start3A_78, %dma_start3A_79] : memref<2x2x512x16xf32, #tpu.memory_space<vmem>> -> memref<1x1x128x16xf32, #tpu.memory_space<vmem>>
    %dma_start3A_81 = tpu.memref_squeeze %dma_start3A_80 : memref<1x1x128x16xf32, #tpu.memory_space<vmem>> -> memref<128x16xf32, #tpu.memory_space<vmem>>
    %dma_start3A_82 = arith.constant 0 : i32
    %dma_start3A_83 = tpu.memref_slice %arg6[%dma_start3A_73, %dma_start3A_74, %dma_start3A_75, %dma_start3A_82] : memref<2x2x4x128xi32, #tpu.memory_space<vmem>> -> memref<1x1x1x128xi32, #tpu.memory_space<vmem>>
    %dma_start3A_84 = tpu.memref_squeeze %dma_start3A_83 : memref<1x1x1x128xi32, #tpu.memory_space<vmem>> -> memref<128xi32, #tpu.memory_space<vmem>>
    %dma_start3A_85 = arith.constant 0 : i32
    %dma_start3A_86 = arith.constant 0 : i32
    %dma_start3A_87 = tpu.memref_slice %arg9[%dma_start3A_85, %dma_start3A_86] : memref<60000x16xf32, #tpu.memory_space<vmem_shared>> -> memref<60000x16xf32, #tpu.memory_space<vmem_shared>>
    tpu.enqueue_indirect_dma source(%dma_start3A_87 : memref<60000x16xf32, #tpu.memory_space<vmem_shared>>) target(%dma_start3A_81 : memref<128x16xf32, #tpu.memory_space<vmem>>) offsets(%dma_start3A_84 : memref<128xi32, #tpu.memory_space<vmem>>) semaphore(%arg10 : memref<!tpu.dma_semaphore, #tpu.memory_space<semaphore_mem>>)
    %dma_start3A_88 = arith.constant 0 : i32
    %dma_start3A_89 = arith.constant 1 : i32
    %dma_start3A_90 = arith.constant 2 : i32
    %dma_start3A_91 = arith.constant 0 : i32
    %dma_start3A_92 = arith.constant 1 : i32
    %dma_start3A_93 = arith.constant 256 : i32
    %dma_start3A_94 = arith.constant 0 : i32
    %dma_start3A_95 = tpu.memref_slice %arg7[%dma_start3A_91, %dma_start3A_92, %dma_start3A_93, %dma_start3A_94] : memref<2x2x512x16xf32, #tpu.memory_space<vmem>> -> memref<1x1x128x16xf32, #tpu.memory_space<vmem>>
    %dma_start3A_96 = tpu.memref_squeeze %dma_start3A_95 : memref<1x1x128x16xf32, #tpu.memory_space<vmem>> -> memref<128x16xf32, #tpu.memory_space<vmem>>
    %dma_start3A_97 = arith.constant 0 : i32
    %dma_start3A_98 = tpu.memref_slice %arg6[%dma_start3A_88, %dma_start3A_89, %dma_start3A_90, %dma_start3A_97] : memref<2x2x4x128xi32, #tpu.memory_space<vmem>> -> memref<1x1x1x128xi32, #tpu.memory_space<vmem>>
    %dma_start3A_99 = tpu.memref_squeeze %dma_start3A_98 : memref<1x1x1x128xi32, #tpu.memory_space<vmem>> -> memref<128xi32, #tpu.memory_space<vmem>>
    %dma_start3A_100 = arith.constant 0 : i32
    %dma_start3A_101 = arith.constant 0 : i32
    %dma_start3A_102 = tpu.memref_slice %arg9[%dma_start3A_100, %dma_start3A_101] : memref<60000x16xf32, #tpu.memory_space<vmem_shared>> -> memref<60000x16xf32, #tpu.memory_space<vmem_shared>>
    tpu.enqueue_indirect_dma source(%dma_start3A_102 : memref<60000x16xf32, #tpu.memory_space<vmem_shared>>) target(%dma_start3A_96 : memref<128x16xf32, #tpu.memory_space<vmem>>) offsets(%dma_start3A_99 : memref<128xi32, #tpu.memory_space<vmem>>) semaphore(%arg11 : memref<!tpu.dma_semaphore, #tpu.memory_space<semaphore_mem>>)
    %dma_start3A_103 = arith.constant 0 : i32
    %dma_start3A_104 = arith.constant 0 : i32
    %dma_start3A_105 = arith.constant 3 : i32
    %dma_start3A_106 = arith.constant 0 : i32
    %dma_start3A_107 = arith.constant 0 : i32
    %dma_start3A_108 = arith.constant 384 : i32
    %dma_start3A_109 = arith.constant 0 : i32
    %dma_start3A_110 = tpu.memref_slice %arg7[%dma_start3A_106, %dma_start3A_107, %dma_start3A_108, %dma_start3A_109] : memref<2x2x512x16xf32, #tpu.memory_space<vmem>> -> memref<1x1x128x16xf32, #tpu.memory_space<vmem>>
    %dma_start3A_111 = tpu.memref_squeeze %dma_start3A_110 : memref<1x1x128x16xf32, #tpu.memory_space<vmem>> -> memref<128x16xf32, #tpu.memory_space<vmem>>
    %dma_start3A_112 = arith.constant 0 : i32
    %dma_start3A_113 = tpu.memref_slice %arg6[%dma_start3A_103, %dma_start3A_104, %dma_start3A_105, %dma_start3A_112] : memref<2x2x4x128xi32, #tpu.memory_space<vmem>> -> memref<1x1x1x128xi32, #tpu.memory_space<vmem>>
    %dma_start3A_114 = tpu.memref_squeeze %dma_start3A_113 : memref<1x1x1x128xi32, #tpu.memory_space<vmem>> -> memref<128xi32, #tpu.memory_space<vmem>>
    %dma_start3A_115 = arith.constant 0 : i32
    %dma_start3A_116 = arith.constant 0 : i32
    %dma_start3A_117 = tpu.memref_slice %arg9[%dma_start3A_115, %dma_start3A_116] : memref<60000x16xf32, #tpu.memory_space<vmem_shared>> -> memref<60000x16xf32, #tpu.memory_space<vmem_shared>>
    tpu.enqueue_indirect_dma source(%dma_start3A_117 : memref<60000x16xf32, #tpu.memory_space<vmem_shared>>) target(%dma_start3A_111 : memref<128x16xf32, #tpu.memory_space<vmem>>) offsets(%dma_start3A_114 : memref<128xi32, #tpu.memory_space<vmem>>) semaphore(%arg10 : memref<!tpu.dma_semaphore, #tpu.memory_space<semaphore_mem>>)
    %dma_start3A_118 = arith.constant 0 : i32
    %dma_start3A_119 = arith.constant 1 : i32
    %dma_start3A_120 = arith.constant 3 : i32
    %dma_start3A_121 = arith.constant 0 : i32
    %dma_start3A_122 = arith.constant 1 : i32
    %dma_start3A_123 = arith.constant 384 : i32
    %dma_start3A_124 = arith.constant 0 : i32
    %dma_start3A_125 = tpu.memref_slice %arg7[%dma_start3A_121, %dma_start3A_122, %dma_start3A_123, %dma_start3A_124] : memref<2x2x512x16xf32, #tpu.memory_space<vmem>> -> memref<1x1x128x16xf32, #tpu.memory_space<vmem>>
    %dma_start3A_126 = tpu.memref_squeeze %dma_start3A_125 : memref<1x1x128x16xf32, #tpu.memory_space<vmem>> -> memref<128x16xf32, #tpu.memory_space<vmem>>
    %dma_start3A_127 = arith.constant 0 : i32
    %dma_start3A_128 = tpu.memref_slice %arg6[%dma_start3A_118, %dma_start3A_119, %dma_start3A_120, %dma_start3A_127] : memref<2x2x4x128xi32, #tpu.memory_space<vmem>> -> memref<1x1x1x128xi32, #tpu.memory_space<vmem>>
    %dma_start3A_129 = tpu.memref_squeeze %dma_start3A_128 : memref<1x1x1x128xi32, #tpu.memory_space<vmem>> -> memref<128xi32, #tpu.memory_space<vmem>>
    %dma_start3A_130 = arith.constant 0 : i32
    %dma_start3A_131 = arith.constant 0 : i32
    %dma_start3A_132 = tpu.memref_slice %arg9[%dma_start3A_130, %dma_start3A_131] : memref<60000x16xf32, #tpu.memory_space<vmem_shared>> -> memref<60000x16xf32, #tpu.memory_space<vmem_shared>>
    tpu.enqueue_indirect_dma source(%dma_start3A_132 : memref<60000x16xf32, #tpu.memory_space<vmem_shared>>) target(%dma_start3A_126 : memref<128x16xf32, #tpu.memory_space<vmem>>) offsets(%dma_start3A_129 : memref<128xi32, #tpu.memory_space<vmem>>) semaphore(%arg11 : memref<!tpu.dma_semaphore, #tpu.memory_space<semaphore_mem>>)
    %scan3A = arith.constant 0 : i32
    %scan3A_133 = arith.constant 10 : i32
    %scan3A_134 = arith.addi %scan3A, %scan3A_133 : i32
    %scan3A_135 = arith.constant 1 : i32
    scf.for %scan3A_137 = %scan3A to %scan3A_134 step %scan3A_135  : i32 {
      %mul3A_138 = arith.constant 2 : i32
      %mul3A_139 = arith.muli %scan3A_137, %mul3A_138 : i32
      %add3A_140 = arith.constant 0 : i32
      %add3A_141 = arith.addi %add3A_140, %mul3A_139 : i32
      %add3A_142 = arith.constant 1 : i32
      %add3A_143 = arith.addi %add3A_141, %add3A_142 : i32
      %mul3A_144 = arith.constant 4 : i32
      %mul3A_145 = arith.muli %add3A_143, %mul3A_144 : i32
      %add3A_146 = arith.addi %mul3A_6, %mul3A_145 : i32
      %run_scoped3A_147 = arith.constant 1 : i32
      %run_scoped3A_148 = arith.constant 0 : i32
      "tpu.region"() ({
        %run_scoped3A_579 = tpu.sem_alloc : memref<!tpu.dma_semaphore, #tpu.memory_space<semaphore_mem>>
        %dma_start3A_580 = arith.constant 0 : i32
        %dma_start3A_581 = arith.constant 0 : i32
        %dma_start3A_582 = tpu.memref_slice %arg6[%run_scoped3A_147, %run_scoped3A_148, %dma_start3A_580, %dma_start3A_581] : memref<2x2x4x128xi32, #tpu.memory_space<vmem>> -> memref<1x1x4x128xi32, #tpu.memory_space<vmem>>
        %dma_start3A_583 = tpu.memref_squeeze %dma_start3A_582 : memref<1x1x4x128xi32, #tpu.memory_space<vmem>> -> memref<4x128xi32, #tpu.memory_space<vmem>>
        %dma_start3A_584 = arith.constant 0 : i32
        %dma_start3A_585 = tpu.memref_slice %arg3[%add3A_146, %dma_start3A_584] : memref<2560x128xi32, #tpu.memory_space<hbm>> -> memref<4x128xi32, #tpu.memory_space<hbm>>
        %dma_start3A_586 = arith.constant 0 : i32
        %dma_start3A_587 = arith.constant 0 : i32
        %dma_start3A_588 = tpu.memref_slice %arg6[%run_scoped3A_147, %run_scoped3A_148, %dma_start3A_586, %dma_start3A_587] : memref<2x2x4x128xi32, #tpu.memory_space<vmem>> -> memref<1x1x4x128xi32, #tpu.memory_space<vmem>>
        %dma_start3A_589 = tpu.memref_squeeze %dma_start3A_588 : memref<1x1x4x128xi32, #tpu.memory_space<vmem>> -> memref<4x128xi32, #tpu.memory_space<vmem>>
        %dma_start3A_590 = arith.constant 0 : i32
        %dma_start3A_591 = tpu.memref_slice %arg3[%add3A_146, %dma_start3A_590] : memref<2560x128xi32, #tpu.memory_space<hbm>> -> memref<4x128xi32, #tpu.memory_space<hbm>>
        tpu.enqueue_dma source(%dma_start3A_591 : memref<4x128xi32, #tpu.memory_space<hbm>>) target(%dma_start3A_589 : memref<4x128xi32, #tpu.memory_space<vmem>>) target_semaphore(%run_scoped3A_579 : memref<!tpu.dma_semaphore, #tpu.memory_space<semaphore_mem>>)
        %dma_wait3A_592 = arith.constant 0 : i32
        %dma_wait3A_593 = arith.constant 0 : i32
        %dma_wait3A_594 = tpu.memref_slice %arg6[%run_scoped3A_147, %run_scoped3A_148, %dma_wait3A_592, %dma_wait3A_593] : memref<2x2x4x128xi32, #tpu.memory_space<vmem>> -> memref<1x1x4x128xi32, #tpu.memory_space<vmem>>
        %dma_wait3A_595 = tpu.memref_squeeze %dma_wait3A_594 : memref<1x1x4x128xi32, #tpu.memory_space<vmem>> -> memref<4x128xi32, #tpu.memory_space<vmem>>
        %dma_wait3A_596 = arith.constant 0 : i32
        %dma_wait3A_597 = tpu.memref_slice %arg3[%add3A_146, %dma_wait3A_596] : memref<2560x128xi32, #tpu.memory_space<hbm>> -> memref<4x128xi32, #tpu.memory_space<hbm>>
        %dma_wait3A_598 = arith.constant 0 : i32
        %dma_wait3A_599 = arith.constant 0 : i32
        %dma_wait3A_600 = tpu.memref_slice %arg6[%run_scoped3A_147, %run_scoped3A_148, %dma_wait3A_598, %dma_wait3A_599] : memref<2x2x4x128xi32, #tpu.memory_space<vmem>> -> memref<1x1x4x128xi32, #tpu.memory_space<vmem>>
        %dma_wait3A_601 = tpu.memref_squeeze %dma_wait3A_600 : memref<1x1x4x128xi32, #tpu.memory_space<vmem>> -> memref<4x128xi32, #tpu.memory_space<vmem>>
        %dma_wait3A_602 = arith.constant 0 : i32
        %dma_wait3A_603 = tpu.memref_slice %arg3[%add3A_146, %dma_wait3A_602] : memref<2560x128xi32, #tpu.memory_space<hbm>> -> memref<4x128xi32, #tpu.memory_space<hbm>>
        tpu.wait_dma2 semaphore(%run_scoped3A_579 : memref<!tpu.dma_semaphore, #tpu.memory_space<semaphore_mem>>) src(%dma_wait3A_603 : memref<4x128xi32, #tpu.memory_space<hbm>>) dst(%dma_wait3A_601 : memref<4x128xi32, #tpu.memory_space<vmem>>)
        tpu.yield
      }) : () -> ()
      %mul3A_149 = arith.constant 4 : i32
      %mul3A_150 = arith.muli %add3A_143, %mul3A_149 : i32
      %add3A_151 = arith.addi %mul3A_6, %mul3A_150 : i32
      %run_scoped3A_152 = arith.constant 1 : i32
      %run_scoped3A_153 = arith.constant 1 : i32
      "tpu.region"() ({
        %run_scoped3A_579 = tpu.sem_alloc : memref<!tpu.dma_semaphore, #tpu.memory_space<semaphore_mem>>
        %dma_start3A_580 = arith.constant 0 : i32
        %dma_start3A_581 = arith.constant 0 : i32
        %dma_start3A_582 = tpu.memref_slice %arg6[%run_scoped3A_152, %run_scoped3A_153, %dma_start3A_580, %dma_start3A_581] : memref<2x2x4x128xi32, #tpu.memory_space<vmem>> -> memref<1x1x4x128xi32, #tpu.memory_space<vmem>>
        %dma_start3A_583 = tpu.memref_squeeze %dma_start3A_582 : memref<1x1x4x128xi32, #tpu.memory_space<vmem>> -> memref<4x128xi32, #tpu.memory_space<vmem>>
        %dma_start3A_584 = arith.constant 0 : i32
        %dma_start3A_585 = tpu.memref_slice %arg4[%add3A_151, %dma_start3A_584] : memref<2560x128xi32, #tpu.memory_space<hbm>> -> memref<4x128xi32, #tpu.memory_space<hbm>>
        %dma_start3A_586 = arith.constant 0 : i32
        %dma_start3A_587 = arith.constant 0 : i32
        %dma_start3A_588 = tpu.memref_slice %arg6[%run_scoped3A_152, %run_scoped3A_153, %dma_start3A_586, %dma_start3A_587] : memref<2x2x4x128xi32, #tpu.memory_space<vmem>> -> memref<1x1x4x128xi32, #tpu.memory_space<vmem>>
        %dma_start3A_589 = tpu.memref_squeeze %dma_start3A_588 : memref<1x1x4x128xi32, #tpu.memory_space<vmem>> -> memref<4x128xi32, #tpu.memory_space<vmem>>
        %dma_start3A_590 = arith.constant 0 : i32
        %dma_start3A_591 = tpu.memref_slice %arg4[%add3A_151, %dma_start3A_590] : memref<2560x128xi32, #tpu.memory_space<hbm>> -> memref<4x128xi32, #tpu.memory_space<hbm>>
        tpu.enqueue_dma source(%dma_start3A_591 : memref<4x128xi32, #tpu.memory_space<hbm>>) target(%dma_start3A_589 : memref<4x128xi32, #tpu.memory_space<vmem>>) target_semaphore(%run_scoped3A_579 : memref<!tpu.dma_semaphore, #tpu.memory_space<semaphore_mem>>)
        %dma_wait3A_592 = arith.constant 0 : i32
        %dma_wait3A_593 = arith.constant 0 : i32
        %dma_wait3A_594 = tpu.memref_slice %arg6[%run_scoped3A_152, %run_scoped3A_153, %dma_wait3A_592, %dma_wait3A_593] : memref<2x2x4x128xi32, #tpu.memory_space<vmem>> -> memref<1x1x4x128xi32, #tpu.memory_space<vmem>>
        %dma_wait3A_595 = tpu.memref_squeeze %dma_wait3A_594 : memref<1x1x4x128xi32, #tpu.memory_space<vmem>> -> memref<4x128xi32, #tpu.memory_space<vmem>>
        %dma_wait3A_596 = arith.constant 0 : i32
        %dma_wait3A_597 = tpu.memref_slice %arg4[%add3A_151, %dma_wait3A_596] : memref<2560x128xi32, #tpu.memory_space<hbm>> -> memref<4x128xi32, #tpu.memory_space<hbm>>
        %dma_wait3A_598 = arith.constant 0 : i32
        %dma_wait3A_599 = arith.constant 0 : i32
        %dma_wait3A_600 = tpu.memref_slice %arg6[%run_scoped3A_152, %run_scoped3A_153, %dma_wait3A_598, %dma_wait3A_599] : memref<2x2x4x128xi32, #tpu.memory_space<vmem>> -> memref<1x1x4x128xi32, #tpu.memory_space<vmem>>
        %dma_wait3A_601 = tpu.memref_squeeze %dma_wait3A_600 : memref<1x1x4x128xi32, #tpu.memory_space<vmem>> -> memref<4x128xi32, #tpu.memory_space<vmem>>
        %dma_wait3A_602 = arith.constant 0 : i32
        %dma_wait3A_603 = tpu.memref_slice %arg4[%add3A_151, %dma_wait3A_602] : memref<2560x128xi32, #tpu.memory_space<hbm>> -> memref<4x128xi32, #tpu.memory_space<hbm>>
        tpu.wait_dma2 semaphore(%run_scoped3A_579 : memref<!tpu.dma_semaphore, #tpu.memory_space<semaphore_mem>>) src(%dma_wait3A_603 : memref<4x128xi32, #tpu.memory_space<hbm>>) dst(%dma_wait3A_601 : memref<4x128xi32, #tpu.memory_space<vmem>>)
        tpu.yield
      }) : () -> ()
      %dma_start3A_154 = arith.constant 1 : i32
      %dma_start3A_155 = arith.constant 0 : i32
      %dma_start3A_156 = arith.constant 0 : i32
      %dma_start3A_157 = arith.constant 1 : i32
      %dma_start3A_158 = arith.constant 0 : i32
      %dma_start3A_159 = arith.constant 0 : i32
      %dma_start3A_160 = arith.constant 0 : i32
      %dma_start3A_161 = tpu.memref_slice %arg7[%dma_start3A_157, %dma_start3A_158, %dma_start3A_159, %dma_start3A_160] : memref<2x2x512x16xf32, #tpu.memory_space<vmem>> -> memref<1x1x128x16xf32, #tpu.memory_space<vmem>>
      %dma_start3A_162 = tpu.memref_squeeze %dma_start3A_161 : memref<1x1x128x16xf32, #tpu.memory_space<vmem>> -> memref<128x16xf32, #tpu.memory_space<vmem>>
      %dma_start3A_163 = arith.constant 0 : i32
      %dma_start3A_164 = tpu.memref_slice %arg6[%dma_start3A_154, %dma_start3A_155, %dma_start3A_156, %dma_start3A_163] : memref<2x2x4x128xi32, #tpu.memory_space<vmem>> -> memref<1x1x1x128xi32, #tpu.memory_space<vmem>>
      %dma_start3A_165 = tpu.memref_squeeze %dma_start3A_164 : memref<1x1x1x128xi32, #tpu.memory_space<vmem>> -> memref<128xi32, #tpu.memory_space<vmem>>
      %dma_start3A_166 = arith.constant 0 : i32
      %dma_start3A_167 = arith.constant 0 : i32
      %dma_start3A_168 = tpu.memref_slice %arg9[%dma_start3A_166, %dma_start3A_167] : memref<60000x16xf32, #tpu.memory_space<vmem_shared>> -> memref<60000x16xf32, #tpu.memory_space<vmem_shared>>
      tpu.enqueue_indirect_dma source(%dma_start3A_168 : memref<60000x16xf32, #tpu.memory_space<vmem_shared>>) target(%dma_start3A_162 : memref<128x16xf32, #tpu.memory_space<vmem>>) offsets(%dma_start3A_165 : memref<128xi32, #tpu.memory_space<vmem>>) semaphore(%arg12 : memref<!tpu.dma_semaphore, #tpu.memory_space<semaphore_mem>>)
      %dma_start3A_169 = arith.constant 1 : i32
      %dma_start3A_170 = arith.constant 1 : i32
      %dma_start3A_171 = arith.constant 0 : i32
      %dma_start3A_172 = arith.constant 1 : i32
      %dma_start3A_173 = arith.constant 1 : i32
      %dma_start3A_174 = arith.constant 0 : i32
      %dma_start3A_175 = arith.constant 0 : i32
      %dma_start3A_176 = tpu.memref_slice %arg7[%dma_start3A_172, %dma_start3A_173, %dma_start3A_174, %dma_start3A_175] : memref<2x2x512x16xf32, #tpu.memory_space<vmem>> -> memref<1x1x128x16xf32, #tpu.memory_space<vmem>>
      %dma_start3A_177 = tpu.memref_squeeze %dma_start3A_176 : memref<1x1x128x16xf32, #tpu.memory_space<vmem>> -> memref<128x16xf32, #tpu.memory_space<vmem>>
      %dma_start3A_178 = arith.constant 0 : i32
      %dma_start3A_179 = tpu.memref_slice %arg6[%dma_start3A_169, %dma_start3A_170, %dma_start3A_171, %dma_start3A_178] : memref<2x2x4x128xi32, #tpu.memory_space<vmem>> -> memref<1x1x1x128xi32, #tpu.memory_space<vmem>>
      %dma_start3A_180 = tpu.memref_squeeze %dma_start3A_179 : memref<1x1x1x128xi32, #tpu.memory_space<vmem>> -> memref<128xi32, #tpu.memory_space<vmem>>
      %dma_start3A_181 = arith.constant 0 : i32
      %dma_start3A_182 = arith.constant 0 : i32
      %dma_start3A_183 = tpu.memref_slice %arg9[%dma_start3A_181, %dma_start3A_182] : memref<60000x16xf32, #tpu.memory_space<vmem_shared>> -> memref<60000x16xf32, #tpu.memory_space<vmem_shared>>
      tpu.enqueue_indirect_dma source(%dma_start3A_183 : memref<60000x16xf32, #tpu.memory_space<vmem_shared>>) target(%dma_start3A_177 : memref<128x16xf32, #tpu.memory_space<vmem>>) offsets(%dma_start3A_180 : memref<128xi32, #tpu.memory_space<vmem>>) semaphore(%arg13 : memref<!tpu.dma_semaphore, #tpu.memory_space<semaphore_mem>>)
      %dma_start3A_184 = arith.constant 1 : i32
      %dma_start3A_185 = arith.constant 0 : i32
      %dma_start3A_186 = arith.constant 1 : i32
      %dma_start3A_187 = arith.constant 1 : i32
      %dma_start3A_188 = arith.constant 0 : i32
      %dma_start3A_189 = arith.constant 128 : i32
      %dma_start3A_190 = arith.constant 0 : i32
      %dma_start3A_191 = tpu.memref_slice %arg7[%dma_start3A_187, %dma_start3A_188, %dma_start3A_189, %dma_start3A_190] : memref<2x2x512x16xf32, #tpu.memory_space<vmem>> -> memref<1x1x128x16xf32, #tpu.memory_space<vmem>>
      %dma_start3A_192 = tpu.memref_squeeze %dma_start3A_191 : memref<1x1x128x16xf32, #tpu.memory_space<vmem>> -> memref<128x16xf32, #tpu.memory_space<vmem>>
      %dma_start3A_193 = arith.constant 0 : i32
      %dma_start3A_194 = tpu.memref_slice %arg6[%dma_start3A_184, %dma_start3A_185, %dma_start3A_186, %dma_start3A_193] : memref<2x2x4x128xi32, #tpu.memory_space<vmem>> -> memref<1x1x1x128xi32, #tpu.memory_space<vmem>>
      %dma_start3A_195 = tpu.memref_squeeze %dma_start3A_194 : memref<1x1x1x128xi32, #tpu.memory_space<vmem>> -> memref<128xi32, #tpu.memory_space<vmem>>
      %dma_start3A_196 = arith.constant 0 : i32
      %dma_start3A_197 = arith.constant 0 : i32
      %dma_start3A_198 = tpu.memref_slice %arg9[%dma_start3A_196, %dma_start3A_197] : memref<60000x16xf32, #tpu.memory_space<vmem_shared>> -> memref<60000x16xf32, #tpu.memory_space<vmem_shared>>
      tpu.enqueue_indirect_dma source(%dma_start3A_198 : memref<60000x16xf32, #tpu.memory_space<vmem_shared>>) target(%dma_start3A_192 : memref<128x16xf32, #tpu.memory_space<vmem>>) offsets(%dma_start3A_195 : memref<128xi32, #tpu.memory_space<vmem>>) semaphore(%arg12 : memref<!tpu.dma_semaphore, #tpu.memory_space<semaphore_mem>>)
      %dma_start3A_199 = arith.constant 1 : i32
      %dma_start3A_200 = arith.constant 1 : i32
      %dma_start3A_201 = arith.constant 1 : i32
      %dma_start3A_202 = arith.constant 1 : i32
      %dma_start3A_203 = arith.constant 1 : i32
      %dma_start3A_204 = arith.constant 128 : i32
      %dma_start3A_205 = arith.constant 0 : i32
      %dma_start3A_206 = tpu.memref_slice %arg7[%dma_start3A_202, %dma_start3A_203, %dma_start3A_204, %dma_start3A_205] : memref<2x2x512x16xf32, #tpu.memory_space<vmem>> -> memref<1x1x128x16xf32, #tpu.memory_space<vmem>>
      %dma_start3A_207 = tpu.memref_squeeze %dma_start3A_206 : memref<1x1x128x16xf32, #tpu.memory_space<vmem>> -> memref<128x16xf32, #tpu.memory_space<vmem>>
      %dma_start3A_208 = arith.constant 0 : i32
      %dma_start3A_209 = tpu.memref_slice %arg6[%dma_start3A_199, %dma_start3A_200, %dma_start3A_201, %dma_start3A_208] : memref<2x2x4x128xi32, #tpu.memory_space<vmem>> -> memref<1x1x1x128xi32, #tpu.memory_space<vmem>>
      %dma_start3A_210 = tpu.memref_squeeze %dma_start3A_209 : memref<1x1x1x128xi32, #tpu.memory_space<vmem>> -> memref<128xi32, #tpu.memory_space<vmem>>
      %dma_start3A_211 = arith.constant 0 : i32
      %dma_start3A_212 = arith.constant 0 : i32
      %dma_start3A_213 = tpu.memref_slice %arg9[%dma_start3A_211, %dma_start3A_212] : memref<60000x16xf32, #tpu.memory_space<vmem_shared>> -> memref<60000x16xf32, #tpu.memory_space<vmem_shared>>
      tpu.enqueue_indirect_dma source(%dma_start3A_213 : memref<60000x16xf32, #tpu.memory_space<vmem_shared>>) target(%dma_start3A_207 : memref<128x16xf32, #tpu.memory_space<vmem>>) offsets(%dma_start3A_210 : memref<128xi32, #tpu.memory_space<vmem>>) semaphore(%arg13 : memref<!tpu.dma_semaphore, #tpu.memory_space<semaphore_mem>>)
      %dma_start3A_214 = arith.constant 1 : i32
      %dma_start3A_215 = arith.constant 0 : i32
      %dma_start3A_216 = arith.constant 2 : i32
      %dma_start3A_217 = arith.constant 1 : i32
      %dma_start3A_218 = arith.constant 0 : i32
      %dma_start3A_219 = arith.constant 256 : i32
      %dma_start3A_220 = arith.constant 0 : i32
      %dma_start3A_221 = tpu.memref_slice %arg7[%dma_start3A_217, %dma_start3A_218, %dma_start3A_219, %dma_start3A_220] : memref<2x2x512x16xf32, #tpu.memory_space<vmem>> -> memref<1x1x128x16xf32, #tpu.memory_space<vmem>>
      %dma_start3A_222 = tpu.memref_squeeze %dma_start3A_221 : memref<1x1x128x16xf32, #tpu.memory_space<vmem>> -> memref<128x16xf32, #tpu.memory_space<vmem>>
      %dma_start3A_223 = arith.constant 0 : i32
      %dma_start3A_224 = tpu.memref_slice %arg6[%dma_start3A_214, %dma_start3A_215, %dma_start3A_216, %dma_start3A_223] : memref<2x2x4x128xi32, #tpu.memory_space<vmem>> -> memref<1x1x1x128xi32, #tpu.memory_space<vmem>>
      %dma_start3A_225 = tpu.memref_squeeze %dma_start3A_224 : memref<1x1x1x128xi32, #tpu.memory_space<vmem>> -> memref<128xi32, #tpu.memory_space<vmem>>
      %dma_start3A_226 = arith.constant 0 : i32
      %dma_start3A_227 = arith.constant 0 : i32
      %dma_start3A_228 = tpu.memref_slice %arg9[%dma_start3A_226, %dma_start3A_227] : memref<60000x16xf32, #tpu.memory_space<vmem_shared>> -> memref<60000x16xf32, #tpu.memory_space<vmem_shared>>
      tpu.enqueue_indirect_dma source(%dma_start3A_228 : memref<60000x16xf32, #tpu.memory_space<vmem_shared>>) target(%dma_start3A_222 : memref<128x16xf32, #tpu.memory_space<vmem>>) offsets(%dma_start3A_225 : memref<128xi32, #tpu.memory_space<vmem>>) semaphore(%arg12 : memref<!tpu.dma_semaphore, #tpu.memory_space<semaphore_mem>>)
      %dma_start3A_229 = arith.constant 1 : i32
      %dma_start3A_230 = arith.constant 1 : i32
      %dma_start3A_231 = arith.constant 2 : i32
      %dma_start3A_232 = arith.constant 1 : i32
      %dma_start3A_233 = arith.constant 1 : i32
      %dma_start3A_234 = arith.constant 256 : i32
      %dma_start3A_235 = arith.constant 0 : i32
      %dma_start3A_236 = tpu.memref_slice %arg7[%dma_start3A_232, %dma_start3A_233, %dma_start3A_234, %dma_start3A_235] : memref<2x2x512x16xf32, #tpu.memory_space<vmem>> -> memref<1x1x128x16xf32, #tpu.memory_space<vmem>>
      %dma_start3A_237 = tpu.memref_squeeze %dma_start3A_236 : memref<1x1x128x16xf32, #tpu.memory_space<vmem>> -> memref<128x16xf32, #tpu.memory_space<vmem>>
      %dma_start3A_238 = arith.constant 0 : i32
      %dma_start3A_239 = tpu.memref_slice %arg6[%dma_start3A_229, %dma_start3A_230, %dma_start3A_231, %dma_start3A_238] : memref<2x2x4x128xi32, #tpu.memory_space<vmem>> -> memref<1x1x1x128xi32, #tpu.memory_space<vmem>>
      %dma_start3A_240 = tpu.memref_squeeze %dma_start3A_239 : memref<1x1x1x128xi32, #tpu.memory_space<vmem>> -> memref<128xi32, #tpu.memory_space<vmem>>
      %dma_start3A_241 = arith.constant 0 : i32
      %dma_start3A_242 = arith.constant 0 : i32
      %dma_start3A_243 = tpu.memref_slice %arg9[%dma_start3A_241, %dma_start3A_242] : memref<60000x16xf32, #tpu.memory_space<vmem_shared>> -> memref<60000x16xf32, #tpu.memory_space<vmem_shared>>
      tpu.enqueue_indirect_dma source(%dma_start3A_243 : memref<60000x16xf32, #tpu.memory_space<vmem_shared>>) target(%dma_start3A_237 : memref<128x16xf32, #tpu.memory_space<vmem>>) offsets(%dma_start3A_240 : memref<128xi32, #tpu.memory_space<vmem>>) semaphore(%arg13 : memref<!tpu.dma_semaphore, #tpu.memory_space<semaphore_mem>>)
      %dma_start3A_244 = arith.constant 1 : i32
      %dma_start3A_245 = arith.constant 0 : i32
      %dma_start3A_246 = arith.constant 3 : i32
      %dma_start3A_247 = arith.constant 1 : i32
      %dma_start3A_248 = arith.constant 0 : i32
      %dma_start3A_249 = arith.constant 384 : i32
      %dma_start3A_250 = arith.constant 0 : i32
      %dma_start3A_251 = tpu.memref_slice %arg7[%dma_start3A_247, %dma_start3A_248, %dma_start3A_249, %dma_start3A_250] : memref<2x2x512x16xf32, #tpu.memory_space<vmem>> -> memref<1x1x128x16xf32, #tpu.memory_space<vmem>>
      %dma_start3A_252 = tpu.memref_squeeze %dma_start3A_251 : memref<1x1x128x16xf32, #tpu.memory_space<vmem>> -> memref<128x16xf32, #tpu.memory_space<vmem>>
      %dma_start3A_253 = arith.constant 0 : i32
      %dma_start3A_254 = tpu.memref_slice %arg6[%dma_start3A_244, %dma_start3A_245, %dma_start3A_246, %dma_start3A_253] : memref<2x2x4x128xi32, #tpu.memory_space<vmem>> -> memref<1x1x1x128xi32, #tpu.memory_space<vmem>>
      %dma_start3A_255 = tpu.memref_squeeze %dma_start3A_254 : memref<1x1x1x128xi32, #tpu.memory_space<vmem>> -> memref<128xi32, #tpu.memory_space<vmem>>
      %dma_start3A_256 = arith.constant 0 : i32
      %dma_start3A_257 = arith.constant 0 : i32
      %dma_start3A_258 = tpu.memref_slice %arg9[%dma_start3A_256, %dma_start3A_257] : memref<60000x16xf32, #tpu.memory_space<vmem_shared>> -> memref<60000x16xf32, #tpu.memory_space<vmem_shared>>
      tpu.enqueue_indirect_dma source(%dma_start3A_258 : memref<60000x16xf32, #tpu.memory_space<vmem_shared>>) target(%dma_start3A_252 : memref<128x16xf32, #tpu.memory_space<vmem>>) offsets(%dma_start3A_255 : memref<128xi32, #tpu.memory_space<vmem>>) semaphore(%arg12 : memref<!tpu.dma_semaphore, #tpu.memory_space<semaphore_mem>>)
      %dma_start3A_259 = arith.constant 1 : i32
      %dma_start3A_260 = arith.constant 1 : i32
      %dma_start3A_261 = arith.constant 3 : i32
      %dma_start3A_262 = arith.constant 1 : i32
      %dma_start3A_263 = arith.constant 1 : i32
      %dma_start3A_264 = arith.constant 384 : i32
      %dma_start3A_265 = arith.constant 0 : i32
      %dma_start3A_266 = tpu.memref_slice %arg7[%dma_start3A_262, %dma_start3A_263, %dma_start3A_264, %dma_start3A_265] : memref<2x2x512x16xf32, #tpu.memory_space<vmem>> -> memref<1x1x128x16xf32, #tpu.memory_space<vmem>>
      %dma_start3A_267 = tpu.memref_squeeze %dma_start3A_266 : memref<1x1x128x16xf32, #tpu.memory_space<vmem>> -> memref<128x16xf32, #tpu.memory_space<vmem>>
      %dma_start3A_268 = arith.constant 0 : i32
      %dma_start3A_269 = tpu.memref_slice %arg6[%dma_start3A_259, %dma_start3A_260, %dma_start3A_261, %dma_start3A_268] : memref<2x2x4x128xi32, #tpu.memory_space<vmem>> -> memref<1x1x1x128xi32, #tpu.memory_space<vmem>>
      %dma_start3A_270 = tpu.memref_squeeze %dma_start3A_269 : memref<1x1x1x128xi32, #tpu.memory_space<vmem>> -> memref<128xi32, #tpu.memory_space<vmem>>
      %dma_start3A_271 = arith.constant 0 : i32
      %dma_start3A_272 = arith.constant 0 : i32
      %dma_start3A_273 = tpu.memref_slice %arg9[%dma_start3A_271, %dma_start3A_272] : memref<60000x16xf32, #tpu.memory_space<vmem_shared>> -> memref<60000x16xf32, #tpu.memory_space<vmem_shared>>
      tpu.enqueue_indirect_dma source(%dma_start3A_273 : memref<60000x16xf32, #tpu.memory_space<vmem_shared>>) target(%dma_start3A_267 : memref<128x16xf32, #tpu.memory_space<vmem>>) offsets(%dma_start3A_270 : memref<128xi32, #tpu.memory_space<vmem>>) semaphore(%arg13 : memref<!tpu.dma_semaphore, #tpu.memory_space<semaphore_mem>>)
      %dma_wait3A = arith.constant 0 : i32
      %dma_wait3A_274 = arith.constant 0 : i32
      %dma_wait3A_275 = arith.constant 0 : i32
      %dma_wait3A_276 = arith.constant 0 : i32
      %dma_wait3A_277 = arith.constant 0 : i32
      %dma_wait3A_278 = arith.constant 0 : i32
      %dma_wait3A_279 = arith.constant 0 : i32
      %dma_wait3A_280 = tpu.memref_slice %arg7[%dma_wait3A_276, %dma_wait3A_277, %dma_wait3A_278, %dma_wait3A_279] : memref<2x2x512x16xf32, #tpu.memory_space<vmem>> -> memref<1x1x128x16xf32, #tpu.memory_space<vmem>>
      %dma_wait3A_281 = tpu.memref_squeeze %dma_wait3A_280 : memref<1x1x128x16xf32, #tpu.memory_space<vmem>> -> memref<128x16xf32, #tpu.memory_space<vmem>>
      %dma_wait3A_282 = arith.constant 0 : i32
      %dma_wait3A_283 = tpu.memref_slice %arg6[%dma_wait3A, %dma_wait3A_274, %dma_wait3A_275, %dma_wait3A_282] : memref<2x2x4x128xi32, #tpu.memory_space<vmem>> -> memref<1x1x1x128xi32, #tpu.memory_space<vmem>>
      %dma_wait3A_284 = tpu.memref_squeeze %dma_wait3A_283 : memref<1x1x1x128xi32, #tpu.memory_space<vmem>> -> memref<128xi32, #tpu.memory_space<vmem>>
      %dma_wait3A_285 = arith.constant 0 : i32
      %dma_wait3A_286 = arith.constant 0 : i32
      %dma_wait3A_287 = tpu.memref_slice %arg9[%dma_wait3A_285, %dma_wait3A_286] : memref<60000x16xf32, #tpu.memory_space<vmem_shared>> -> memref<60000x16xf32, #tpu.memory_space<vmem_shared>>
      tpu.wait_indirect_dma semaphore(%arg10 : memref<!tpu.dma_semaphore, #tpu.memory_space<semaphore_mem>>) src(%dma_wait3A_287 : memref<60000x16xf32, #tpu.memory_space<vmem_shared>>) dst(%dma_wait3A_281 : memref<128x16xf32, #tpu.memory_space<vmem>>)
      %dma_wait3A_288 = arith.constant 0 : i32
      %dma_wait3A_289 = arith.constant 1 : i32
      %dma_wait3A_290 = arith.constant 0 : i32
      %dma_wait3A_291 = arith.constant 0 : i32
      %dma_wait3A_292 = arith.constant 1 : i32
      %dma_wait3A_293 = arith.constant 0 : i32
      %dma_wait3A_294 = arith.constant 0 : i32
      %dma_wait3A_295 = tpu.memref_slice %arg7[%dma_wait3A_291, %dma_wait3A_292, %dma_wait3A_293, %dma_wait3A_294] : memref<2x2x512x16xf32, #tpu.memory_space<vmem>> -> memref<1x1x128x16xf32, #tpu.memory_space<vmem>>
      %dma_wait3A_296 = tpu.memref_squeeze %dma_wait3A_295 : memref<1x1x128x16xf32, #tpu.memory_space<vmem>> -> memref<128x16xf32, #tpu.memory_space<vmem>>
      %dma_wait3A_297 = arith.constant 0 : i32
      %dma_wait3A_298 = tpu.memref_slice %arg6[%dma_wait3A_288, %dma_wait3A_289, %dma_wait3A_290, %dma_wait3A_297] : memref<2x2x4x128xi32, #tpu.memory_space<vmem>> -> memref<1x1x1x128xi32, #tpu.memory_space<vmem>>
      %dma_wait3A_299 = tpu.memref_squeeze %dma_wait3A_298 : memref<1x1x1x128xi32, #tpu.memory_space<vmem>> -> memref<128xi32, #tpu.memory_space<vmem>>
      %dma_wait3A_300 = arith.constant 0 : i32
      %dma_wait3A_301 = arith.constant 0 : i32
      %dma_wait3A_302 = tpu.memref_slice %arg9[%dma_wait3A_300, %dma_wait3A_301] : memref<60000x16xf32, #tpu.memory_space<vmem_shared>> -> memref<60000x16xf32, #tpu.memory_space<vmem_shared>>
      tpu.wait_indirect_dma semaphore(%arg11 : memref<!tpu.dma_semaphore, #tpu.memory_space<semaphore_mem>>) src(%dma_wait3A_302 : memref<60000x16xf32, #tpu.memory_space<vmem_shared>>) dst(%dma_wait3A_296 : memref<128x16xf32, #tpu.memory_space<vmem>>)
      %dma_wait3A_303 = arith.constant 0 : i32
      %dma_wait3A_304 = arith.constant 0 : i32
      %dma_wait3A_305 = arith.constant 1 : i32
      %dma_wait3A_306 = arith.constant 0 : i32
      %dma_wait3A_307 = arith.constant 0 : i32
      %dma_wait3A_308 = arith.constant 128 : i32
      %dma_wait3A_309 = arith.constant 0 : i32
      %dma_wait3A_310 = tpu.memref_slice %arg7[%dma_wait3A_306, %dma_wait3A_307, %dma_wait3A_308, %dma_wait3A_309] : memref<2x2x512x16xf32, #tpu.memory_space<vmem>> -> memref<1x1x128x16xf32, #tpu.memory_space<vmem>>
      %dma_wait3A_311 = tpu.memref_squeeze %dma_wait3A_310 : memref<1x1x128x16xf32, #tpu.memory_space<vmem>> -> memref<128x16xf32, #tpu.memory_space<vmem>>
      %dma_wait3A_312 = arith.constant 0 : i32
      %dma_wait3A_313 = tpu.memref_slice %arg6[%dma_wait3A_303, %dma_wait3A_304, %dma_wait3A_305, %dma_wait3A_312] : memref<2x2x4x128xi32, #tpu.memory_space<vmem>> -> memref<1x1x1x128xi32, #tpu.memory_space<vmem>>
      %dma_wait3A_314 = tpu.memref_squeeze %dma_wait3A_313 : memref<1x1x1x128xi32, #tpu.memory_space<vmem>> -> memref<128xi32, #tpu.memory_space<vmem>>
      %dma_wait3A_315 = arith.constant 0 : i32
      %dma_wait3A_316 = arith.constant 0 : i32
      %dma_wait3A_317 = tpu.memref_slice %arg9[%dma_wait3A_315, %dma_wait3A_316] : memref<60000x16xf32, #tpu.memory_space<vmem_shared>> -> memref<60000x16xf32, #tpu.memory_space<vmem_shared>>
      tpu.wait_indirect_dma semaphore(%arg10 : memref<!tpu.dma_semaphore, #tpu.memory_space<semaphore_mem>>) src(%dma_wait3A_317 : memref<60000x16xf32, #tpu.memory_space<vmem_shared>>) dst(%dma_wait3A_311 : memref<128x16xf32, #tpu.memory_space<vmem>>)
      %dma_wait3A_318 = arith.constant 0 : i32
      %dma_wait3A_319 = arith.constant 1 : i32
      %dma_wait3A_320 = arith.constant 1 : i32
      %dma_wait3A_321 = arith.constant 0 : i32
      %dma_wait3A_322 = arith.constant 1 : i32
      %dma_wait3A_323 = arith.constant 128 : i32
      %dma_wait3A_324 = arith.constant 0 : i32
      %dma_wait3A_325 = tpu.memref_slice %arg7[%dma_wait3A_321, %dma_wait3A_322, %dma_wait3A_323, %dma_wait3A_324] : memref<2x2x512x16xf32, #tpu.memory_space<vmem>> -> memref<1x1x128x16xf32, #tpu.memory_space<vmem>>
      %dma_wait3A_326 = tpu.memref_squeeze %dma_wait3A_325 : memref<1x1x128x16xf32, #tpu.memory_space<vmem>> -> memref<128x16xf32, #tpu.memory_space<vmem>>
      %dma_wait3A_327 = arith.constant 0 : i32
      %dma_wait3A_328 = tpu.memref_slice %arg6[%dma_wait3A_318, %dma_wait3A_319, %dma_wait3A_320, %dma_wait3A_327] : memref<2x2x4x128xi32, #tpu.memory_space<vmem>> -> memref<1x1x1x128xi32, #tpu.memory_space<vmem>>
      %dma_wait3A_329 = tpu.memref_squeeze %dma_wait3A_328 : memref<1x1x1x128xi32, #tpu.memory_space<vmem>> -> memref<128xi32, #tpu.memory_space<vmem>>
      %dma_wait3A_330 = arith.constant 0 : i32
      %dma_wait3A_331 = arith.constant 0 : i32
      %dma_wait3A_332 = tpu.memref_slice %arg9[%dma_wait3A_330, %dma_wait3A_331] : memref<60000x16xf32, #tpu.memory_space<vmem_shared>> -> memref<60000x16xf32, #tpu.memory_space<vmem_shared>>
      tpu.wait_indirect_dma semaphore(%arg11 : memref<!tpu.dma_semaphore, #tpu.memory_space<semaphore_mem>>) src(%dma_wait3A_332 : memref<60000x16xf32, #tpu.memory_space<vmem_shared>>) dst(%dma_wait3A_326 : memref<128x16xf32, #tpu.memory_space<vmem>>)
      %dma_wait3A_333 = arith.constant 0 : i32
      %dma_wait3A_334 = arith.constant 0 : i32
      %dma_wait3A_335 = arith.constant 2 : i32
      %dma_wait3A_336 = arith.constant 0 : i32
      %dma_wait3A_337 = arith.constant 0 : i32
      %dma_wait3A_338 = arith.constant 256 : i32
      %dma_wait3A_339 = arith.constant 0 : i32
      %dma_wait3A_340 = tpu.memref_slice %arg7[%dma_wait3A_336, %dma_wait3A_337, %dma_wait3A_338, %dma_wait3A_339] : memref<2x2x512x16xf32, #tpu.memory_space<vmem>> -> memref<1x1x128x16xf32, #tpu.memory_space<vmem>>
      %dma_wait3A_341 = tpu.memref_squeeze %dma_wait3A_340 : memref<1x1x128x16xf32, #tpu.memory_space<vmem>> -> memref<128x16xf32, #tpu.memory_space<vmem>>
      %dma_wait3A_342 = arith.constant 0 : i32
      %dma_wait3A_343 = tpu.memref_slice %arg6[%dma_wait3A_333, %dma_wait3A_334, %dma_wait3A_335, %dma_wait3A_342] : memref<2x2x4x128xi32, #tpu.memory_space<vmem>> -> memref<1x1x1x128xi32, #tpu.memory_space<vmem>>
      %dma_wait3A_344 = tpu.memref_squeeze %dma_wait3A_343 : memref<1x1x1x128xi32, #tpu.memory_space<vmem>> -> memref<128xi32, #tpu.memory_space<vmem>>
      %dma_wait3A_345 = arith.constant 0 : i32
      %dma_wait3A_346 = arith.constant 0 : i32
      %dma_wait3A_347 = tpu.memref_slice %arg9[%dma_wait3A_345, %dma_wait3A_346] : memref<60000x16xf32, #tpu.memory_space<vmem_shared>> -> memref<60000x16xf32, #tpu.memory_space<vmem_shared>>
      tpu.wait_indirect_dma semaphore(%arg10 : memref<!tpu.dma_semaphore, #tpu.memory_space<semaphore_mem>>) src(%dma_wait3A_347 : memref<60000x16xf32, #tpu.memory_space<vmem_shared>>) dst(%dma_wait3A_341 : memref<128x16xf32, #tpu.memory_space<vmem>>)
      %dma_wait3A_348 = arith.constant 0 : i32
      %dma_wait3A_349 = arith.constant 1 : i32
      %dma_wait3A_350 = arith.constant 2 : i32
      %dma_wait3A_351 = arith.constant 0 : i32
      %dma_wait3A_352 = arith.constant 1 : i32
      %dma_wait3A_353 = arith.constant 256 : i32
      %dma_wait3A_354 = arith.constant 0 : i32
      %dma_wait3A_355 = tpu.memref_slice %arg7[%dma_wait3A_351, %dma_wait3A_352, %dma_wait3A_353, %dma_wait3A_354] : memref<2x2x512x16xf32, #tpu.memory_space<vmem>> -> memref<1x1x128x16xf32, #tpu.memory_space<vmem>>
      %dma_wait3A_356 = tpu.memref_squeeze %dma_wait3A_355 : memref<1x1x128x16xf32, #tpu.memory_space<vmem>> -> memref<128x16xf32, #tpu.memory_space<vmem>>
      %dma_wait3A_357 = arith.constant 0 : i32
      %dma_wait3A_358 = tpu.memref_slice %arg6[%dma_wait3A_348, %dma_wait3A_349, %dma_wait3A_350, %dma_wait3A_357] : memref<2x2x4x128xi32, #tpu.memory_space<vmem>> -> memref<1x1x1x128xi32, #tpu.memory_space<vmem>>
      %dma_wait3A_359 = tpu.memref_squeeze %dma_wait3A_358 : memref<1x1x1x128xi32, #tpu.memory_space<vmem>> -> memref<128xi32, #tpu.memory_space<vmem>>
      %dma_wait3A_360 = arith.constant 0 : i32
      %dma_wait3A_361 = arith.constant 0 : i32
      %dma_wait3A_362 = tpu.memref_slice %arg9[%dma_wait3A_360, %dma_wait3A_361] : memref<60000x16xf32, #tpu.memory_space<vmem_shared>> -> memref<60000x16xf32, #tpu.memory_space<vmem_shared>>
      tpu.wait_indirect_dma semaphore(%arg11 : memref<!tpu.dma_semaphore, #tpu.memory_space<semaphore_mem>>) src(%dma_wait3A_362 : memref<60000x16xf32, #tpu.memory_space<vmem_shared>>) dst(%dma_wait3A_356 : memref<128x16xf32, #tpu.memory_space<vmem>>)
      %dma_wait3A_363 = arith.constant 0 : i32
      %dma_wait3A_364 = arith.constant 0 : i32
      %dma_wait3A_365 = arith.constant 3 : i32
      %dma_wait3A_366 = arith.constant 0 : i32
      %dma_wait3A_367 = arith.constant 0 : i32
      %dma_wait3A_368 = arith.constant 384 : i32
      %dma_wait3A_369 = arith.constant 0 : i32
      %dma_wait3A_370 = tpu.memref_slice %arg7[%dma_wait3A_366, %dma_wait3A_367, %dma_wait3A_368, %dma_wait3A_369] : memref<2x2x512x16xf32, #tpu.memory_space<vmem>> -> memref<1x1x128x16xf32, #tpu.memory_space<vmem>>
      %dma_wait3A_371 = tpu.memref_squeeze %dma_wait3A_370 : memref<1x1x128x16xf32, #tpu.memory_space<vmem>> -> memref<128x16xf32, #tpu.memory_space<vmem>>
      %dma_wait3A_372 = arith.constant 0 : i32
      %dma_wait3A_373 = tpu.memref_slice %arg6[%dma_wait3A_363, %dma_wait3A_364, %dma_wait3A_365, %dma_wait3A_372] : memref<2x2x4x128xi32, #tpu.memory_space<vmem>> -> memref<1x1x1x128xi32, #tpu.memory_space<vmem>>
      %dma_wait3A_374 = tpu.memref_squeeze %dma_wait3A_373 : memref<1x1x1x128xi32, #tpu.memory_space<vmem>> -> memref<128xi32, #tpu.memory_space<vmem>>
      %dma_wait3A_375 = arith.constant 0 : i32
      %dma_wait3A_376 = arith.constant 0 : i32
      %dma_wait3A_377 = tpu.memref_slice %arg9[%dma_wait3A_375, %dma_wait3A_376] : memref<60000x16xf32, #tpu.memory_space<vmem_shared>> -> memref<60000x16xf32, #tpu.memory_space<vmem_shared>>
      tpu.wait_indirect_dma semaphore(%arg10 : memref<!tpu.dma_semaphore, #tpu.memory_space<semaphore_mem>>) src(%dma_wait3A_377 : memref<60000x16xf32, #tpu.memory_space<vmem_shared>>) dst(%dma_wait3A_371 : memref<128x16xf32, #tpu.memory_space<vmem>>)
      %dma_wait3A_378 = arith.constant 0 : i32
      %dma_wait3A_379 = arith.constant 1 : i32
      %dma_wait3A_380 = arith.constant 3 : i32
      %dma_wait3A_381 = arith.constant 0 : i32
      %dma_wait3A_382 = arith.constant 1 : i32
      %dma_wait3A_383 = arith.constant 384 : i32
      %dma_wait3A_384 = arith.constant 0 : i32
      %dma_wait3A_385 = tpu.memref_slice %arg7[%dma_wait3A_381, %dma_wait3A_382, %dma_wait3A_383, %dma_wait3A_384] : memref<2x2x512x16xf32, #tpu.memory_space<vmem>> -> memref<1x1x128x16xf32, #tpu.memory_space<vmem>>
      %dma_wait3A_386 = tpu.memref_squeeze %dma_wait3A_385 : memref<1x1x128x16xf32, #tpu.memory_space<vmem>> -> memref<128x16xf32, #tpu.memory_space<vmem>>
      %dma_wait3A_387 = arith.constant 0 : i32
      %dma_wait3A_388 = tpu.memref_slice %arg6[%dma_wait3A_378, %dma_wait3A_379, %dma_wait3A_380, %dma_wait3A_387] : memref<2x2x4x128xi32, #tpu.memory_space<vmem>> -> memref<1x1x1x128xi32, #tpu.memory_space<vmem>>
      %dma_wait3A_389 = tpu.memref_squeeze %dma_wait3A_388 : memref<1x1x1x128xi32, #tpu.memory_space<vmem>> -> memref<128xi32, #tpu.memory_space<vmem>>
      %dma_wait3A_390 = arith.constant 0 : i32
      %dma_wait3A_391 = arith.constant 0 : i32
      %dma_wait3A_392 = tpu.memref_slice %arg9[%dma_wait3A_390, %dma_wait3A_391] : memref<60000x16xf32, #tpu.memory_space<vmem_shared>> -> memref<60000x16xf32, #tpu.memory_space<vmem_shared>>
      tpu.wait_indirect_dma semaphore(%arg11 : memref<!tpu.dma_semaphore, #tpu.memory_space<semaphore_mem>>) src(%dma_wait3A_392 : memref<60000x16xf32, #tpu.memory_space<vmem_shared>>) dst(%dma_wait3A_386 : memref<128x16xf32, #tpu.memory_space<vmem>>)
      %scan3A_393 = arith.constant 0 : i32
      %scan3A_394 = arith.constant 64 : i32
      %scan3A_395 = arith.addi %scan3A_393, %scan3A_394 : i32
      %scan3A_396 = arith.constant 1 : i32
      scf.for %scan3A_579 = %scan3A_393 to %scan3A_395 step %scan3A_396  : i32 {
        %mul3A_580 = arith.constant 1 : i32
        %mul3A_581 = arith.muli %scan3A_579, %mul3A_580 : i32
        %add3A_582 = arith.constant 0 : i32
        %add3A_583 = arith.addi %add3A_582, %mul3A_581 : i32
        %mul3A_584 = arith.constant 8 : i32
        %mul3A_585 = arith.muli %add3A_583, %mul3A_584 : i32
        %add3A_586 = arith.constant 0 : i32
        %add3A_587 = arith.addi %mul3A_585, %add3A_586 : i32
        %get3A = arith.constant 0 : i32
        %get3A_588 = arith.constant 0 : i32
        %get3A_589 = arith.index_cast %get3A : i32 to index
        %get3A_590 = arith.index_cast %get3A_588 : i32 to index
        %get3A_591 = arith.index_cast %add3A_587 : i32 to index
        %get3A_592 = arith.constant 0 : index
        %get3A_593 = tpu.vector_load %arg7[%get3A_589, %get3A_590, %get3A_591, %get3A_592] {strides = array<i32>} : memref<2x2x512x16xf32, #tpu.memory_space<vmem>>, vector<1x1x1x16xf32>,
        %get3A_594 = vector.shape_cast %get3A_593 : vector<1x1x1x16xf32> to vector<16xf32>
        %get3A_595 = arith.constant 0 : i32
        %get3A_596 = arith.constant 1 : i32
        %get3A_597 = arith.index_cast %get3A_595 : i32 to index
        %get3A_598 = arith.index_cast %get3A_596 : i32 to index
        %get3A_599 = arith.index_cast %add3A_587 : i32 to index
        %get3A_600 = arith.constant 0 : index
        %get3A_601 = tpu.vector_load %arg7[%get3A_597, %get3A_598, %get3A_599, %get3A_600] {strides = array<i32>} : memref<2x2x512x16xf32, #tpu.memory_space<vmem>>, vector<1x1x1x16xf32>,
        %get3A_602 = vector.shape_cast %get3A_601 : vector<1x1x1x16xf32> to vector<16xf32>
        %add3A_603 = arith.addf %get3A_594, %get3A_602 : vector<16xf32>
        %swap3A = arith.constant 0 : i32
        %swap3A_604 = arith.index_cast %swap3A : i32 to index
        %swap3A_605 = arith.index_cast %add3A_583 : i32 to index
        %swap3A_606 = arith.constant 0 : index
        %swap3A_607 = tpu.vector_load %arg8[%swap3A_604, %swap3A_605, %swap3A_606] {strides = array<i32>} : memref<2x64x128xf32, #tpu.memory_space<vmem>>, vector<1x1x16xf32>,
        %swap3A_608 = vector.shape_cast %swap3A_607 : vector<1x1x16xf32> to vector<16xf32>
        %swap3A_609 = vector.shape_cast %add3A_603 : vector<16xf32> to vector<1x1x16xf32>
        tpu.vector_store %arg8[%swap3A_604, %swap3A_605, %swap3A_606], %swap3A_609 {strides = array<i32>} : memref<2x64x128xf32, #tpu.memory_space<vmem>>, vector<1x1x16xf32>,
        %mul3A_610 = arith.constant 8 : i32
        %mul3A_611 = arith.muli %add3A_583, %mul3A_610 : i32
        %add3A_612 = arith.constant 1 : i32
        %add3A_613 = arith.addi %mul3A_611, %add3A_612 : i32
        %get3A_614 = arith.constant 0 : i32
        %get3A_615 = arith.constant 0 : i32
        %get3A_616 = arith.index_cast %get3A_614 : i32 to index
        %get3A_617 = arith.index_cast %get3A_615 : i32 to index
        %get3A_618 = arith.index_cast %add3A_613 : i32 to index
        %get3A_619 = arith.constant 0 : index
        %get3A_620 = tpu.vector_load %arg7[%get3A_616, %get3A_617, %get3A_618, %get3A_619] {strides = array<i32>} : memref<2x2x512x16xf32, #tpu.memory_space<vmem>>, vector<1x1x1x16xf32>,
        %get3A_621 = vector.shape_cast %get3A_620 : vector<1x1x1x16xf32> to vector<16xf32>
        %get3A_622 = arith.constant 0 : i32
        %get3A_623 = arith.constant 1 : i32
        %get3A_624 = arith.index_cast %get3A_622 : i32 to index
        %get3A_625 = arith.index_cast %get3A_623 : i32 to index
        %get3A_626 = arith.index_cast %add3A_613 : i32 to index
        %get3A_627 = arith.constant 0 : index
        %get3A_628 = tpu.vector_load %arg7[%get3A_624, %get3A_625, %get3A_626, %get3A_627] {strides = array<i32>} : memref<2x2x512x16xf32, #tpu.memory_space<vmem>>, vector<1x1x1x16xf32>,
        %get3A_629 = vector.shape_cast %get3A_628 : vector<1x1x1x16xf32> to vector<16xf32>
        %add3A_630 = arith.addf %get3A_621, %get3A_629 : vector<16xf32>
        %swap3A_631 = arith.constant 0 : i32
        %swap3A_632 = arith.index_cast %swap3A_631 : i32 to index
        %swap3A_633 = arith.index_cast %add3A_583 : i32 to index
        %swap3A_634 = arith.constant 16 : index
        %swap3A_635 = tpu.vector_load %arg8[%swap3A_632, %swap3A_633, %swap3A_634] {strides = array<i32>} : memref<2x64x128xf32, #tpu.memory_space<vmem>>, vector<1x1x16xf32>,
        %swap3A_636 = vector.shape_cast %swap3A_635 : vector<1x1x16xf32> to vector<16xf32>
        %swap3A_637 = vector.shape_cast %add3A_630 : vector<16xf32> to vector<1x1x16xf32>
        tpu.vector_store %arg8[%swap3A_632, %swap3A_633, %swap3A_634], %swap3A_637 {strides = array<i32>} : memref<2x64x128xf32, #tpu.memory_space<vmem>>, vector<1x1x16xf32>,
        %mul3A_638 = arith.constant 8 : i32
        %mul3A_639 = arith.muli %add3A_583, %mul3A_638 : i32
        %add3A_640 = arith.constant 2 : i32
        %add3A_641 = arith.addi %mul3A_639, %add3A_640 : i32
        %get3A_642 = arith.constant 0 : i32
        %get3A_643 = arith.constant 0 : i32
        %get3A_644 = arith.index_cast %get3A_642 : i32 to index
        %get3A_645 = arith.index_cast %get3A_643 : i32 to index
        %get3A_646 = arith.index_cast %add3A_641 : i32 to index
        %get3A_647 = arith.constant 0 : index
        %get3A_648 = tpu.vector_load %arg7[%get3A_644, %get3A_645, %get3A_646, %get3A_647] {strides = array<i32>} : memref<2x2x512x16xf32, #tpu.memory_space<vmem>>, vector<1x1x1x16xf32>,
        %get3A_649 = vector.shape_cast %get3A_648 : vector<1x1x1x16xf32> to vector<16xf32>
        %get3A_650 = arith.constant 0 : i32
        %get3A_651 = arith.constant 1 : i32
        %get3A_652 = arith.index_cast %get3A_650 : i32 to index
        %get3A_653 = arith.index_cast %get3A_651 : i32 to index
        %get3A_654 = arith.index_cast %add3A_641 : i32 to index
        %get3A_655 = arith.constant 0 : index
        %get3A_656 = tpu.vector_load %arg7[%get3A_652, %get3A_653, %get3A_654, %get3A_655] {strides = array<i32>} : memref<2x2x512x16xf32, #tpu.memory_space<vmem>>, vector<1x1x1x16xf32>,
        %get3A_657 = vector.shape_cast %get3A_656 : vector<1x1x1x16xf32> to vector<16xf32>
        %add3A_658 = arith.addf %get3A_649, %get3A_657 : vector<16xf32>
        %swap3A_659 = arith.constant 0 : i32
        %swap3A_660 = arith.index_cast %swap3A_659 : i32 to index
        %swap3A_661 = arith.index_cast %add3A_583 : i32 to index
        %swap3A_662 = arith.constant 32 : index
        %swap3A_663 = tpu.vector_load %arg8[%swap3A_660, %swap3A_661, %swap3A_662] {strides = array<i32>} : memref<2x64x128xf32, #tpu.memory_space<vmem>>, vector<1x1x16xf32>,
        %swap3A_664 = vector.shape_cast %swap3A_663 : vector<1x1x16xf32> to vector<16xf32>
        %swap3A_665 = vector.shape_cast %add3A_658 : vector<16xf32> to vector<1x1x16xf32>
        tpu.vector_store %arg8[%swap3A_660, %swap3A_661, %swap3A_662], %swap3A_665 {strides = array<i32>} : memref<2x64x128xf32, #tpu.memory_space<vmem>>, vector<1x1x16xf32>,
        %mul3A_666 = arith.constant 8 : i32
        %mul3A_667 = arith.muli %add3A_583, %mul3A_666 : i32
        %add3A_668 = arith.constant 3 : i32
        %add3A_669 = arith.addi %mul3A_667, %add3A_668 : i32
        %get3A_670 = arith.constant 0 : i32
        %get3A_671 = arith.constant 0 : i32
        %get3A_672 = arith.index_cast %get3A_670 : i32 to index
        %get3A_673 = arith.index_cast %get3A_671 : i32 to index
        %get3A_674 = arith.index_cast %add3A_669 : i32 to index
        %get3A_675 = arith.constant 0 : index
        %get3A_676 = tpu.vector_load %arg7[%get3A_672, %get3A_673, %get3A_674, %get3A_675] {strides = array<i32>} : memref<2x2x512x16xf32, #tpu.memory_space<vmem>>, vector<1x1x1x16xf32>,
        %get3A_677 = vector.shape_cast %get3A_676 : vector<1x1x1x16xf32> to vector<16xf32>
        %get3A_678 = arith.constant 0 : i32
        %get3A_679 = arith.constant 1 : i32
        %get3A_680 = arith.index_cast %get3A_678 : i32 to index
        %get3A_681 = arith.index_cast %get3A_679 : i32 to index
        %get3A_682 = arith.index_cast %add3A_669 : i32 to index
        %get3A_683 = arith.constant 0 : index
        %get3A_684 = tpu.vector_load %arg7[%get3A_680, %get3A_681, %get3A_682, %get3A_683] {strides = array<i32>} : memref<2x2x512x16xf32, #tpu.memory_space<vmem>>, vector<1x1x1x16xf32>,
        %get3A_685 = vector.shape_cast %get3A_684 : vector<1x1x1x16xf32> to vector<16xf32>
        %add3A_686 = arith.addf %get3A_677, %get3A_685 : vector<16xf32>
        %swap3A_687 = arith.constant 0 : i32
        %swap3A_688 = arith.index_cast %swap3A_687 : i32 to index
        %swap3A_689 = arith.index_cast %add3A_583 : i32 to index
        %swap3A_690 = arith.constant 48 : index
        %swap3A_691 = tpu.vector_load %arg8[%swap3A_688, %swap3A_689, %swap3A_690] {strides = array<i32>} : memref<2x64x128xf32, #tpu.memory_space<vmem>>, vector<1x1x16xf32>,
        %swap3A_692 = vector.shape_cast %swap3A_691 : vector<1x1x16xf32> to vector<16xf32>
        %swap3A_693 = vector.shape_cast %add3A_686 : vector<16xf32> to vector<1x1x16xf32>
        tpu.vector_store %arg8[%swap3A_688, %swap3A_689, %swap3A_690], %swap3A_693 {strides = array<i32>} : memref<2x64x128xf32, #tpu.memory_space<vmem>>, vector<1x1x16xf32>,
        %mul3A_694 = arith.constant 8 : i32
        %mul3A_695 = arith.muli %add3A_583, %mul3A_694 : i32
        %add3A_696 = arith.constant 4 : i32
        %add3A_697 = arith.addi %mul3A_695, %add3A_696 : i32
        %get3A_698 = arith.constant 0 : i32
        %get3A_699 = arith.constant 0 : i32
        %get3A_700 = arith.index_cast %get3A_698 : i32 to index
        %get3A_701 = arith.index_cast %get3A_699 : i32 to index
        %get3A_702 = arith.index_cast %add3A_697 : i32 to index
        %get3A_703 = arith.constant 0 : index
        %get3A_704 = tpu.vector_load %arg7[%get3A_700, %get3A_701, %get3A_702, %get3A_703] {strides = array<i32>} : memref<2x2x512x16xf32, #tpu.memory_space<vmem>>, vector<1x1x1x16xf32>,
        %get3A_705 = vector.shape_cast %get3A_704 : vector<1x1x1x16xf32> to vector<16xf32>
        %get3A_706 = arith.constant 0 : i32
        %get3A_707 = arith.constant 1 : i32
        %get3A_708 = arith.index_cast %get3A_706 : i32 to index
        %get3A_709 = arith.index_cast %get3A_707 : i32 to index
        %get3A_710 = arith.index_cast %add3A_697 : i32 to index
        %get3A_711 = arith.constant 0 : index
        %get3A_712 = tpu.vector_load %arg7[%get3A_708, %get3A_709, %get3A_710, %get3A_711] {strides = array<i32>} : memref<2x2x512x16xf32, #tpu.memory_space<vmem>>, vector<1x1x1x16xf32>,
        %get3A_713 = vector.shape_cast %get3A_712 : vector<1x1x1x16xf32> to vector<16xf32>
        %add3A_714 = arith.addf %get3A_705, %get3A_713 : vector<16xf32>
        %swap3A_715 = arith.constant 0 : i32
        %swap3A_716 = arith.index_cast %swap3A_715 : i32 to index
        %swap3A_717 = arith.index_cast %add3A_583 : i32 to index
        %swap3A_718 = arith.constant 64 : index
        %swap3A_719 = tpu.vector_load %arg8[%swap3A_716, %swap3A_717, %swap3A_718] {strides = array<i32>} : memref<2x64x128xf32, #tpu.memory_space<vmem>>, vector<1x1x16xf32>,
        %swap3A_720 = vector.shape_cast %swap3A_719 : vector<1x1x16xf32> to vector<16xf32>
        %swap3A_721 = vector.shape_cast %add3A_714 : vector<16xf32> to vector<1x1x16xf32>
        tpu.vector_store %arg8[%swap3A_716, %swap3A_717, %swap3A_718], %swap3A_721 {strides = array<i32>} : memref<2x64x128xf32, #tpu.memory_space<vmem>>, vector<1x1x16xf32>,
        %mul3A_722 = arith.constant 8 : i32
        %mul3A_723 = arith.muli %add3A_583, %mul3A_722 : i32
        %add3A_724 = arith.constant 5 : i32
        %add3A_725 = arith.addi %mul3A_723, %add3A_724 : i32
        %get3A_726 = arith.constant 0 : i32
        %get3A_727 = arith.constant 0 : i32
        %get3A_728 = arith.index_cast %get3A_726 : i32 to index
        %get3A_729 = arith.index_cast %get3A_727 : i32 to index
        %get3A_730 = arith.index_cast %add3A_725 : i32 to index
        %get3A_731 = arith.constant 0 : index
        %get3A_732 = tpu.vector_load %arg7[%get3A_728, %get3A_729, %get3A_730, %get3A_731] {strides = array<i32>} : memref<2x2x512x16xf32, #tpu.memory_space<vmem>>, vector<1x1x1x16xf32>,
        %get3A_733 = vector.shape_cast %get3A_732 : vector<1x1x1x16xf32> to vector<16xf32>
        %get3A_734 = arith.constant 0 : i32
        %get3A_735 = arith.constant 1 : i32
        %get3A_736 = arith.index_cast %get3A_734 : i32 to index
        %get3A_737 = arith.index_cast %get3A_735 : i32 to index
        %get3A_738 = arith.index_cast %add3A_725 : i32 to index
        %get3A_739 = arith.constant 0 : index
        %get3A_740 = tpu.vector_load %arg7[%get3A_736, %get3A_737, %get3A_738, %get3A_739] {strides = array<i32>} : memref<2x2x512x16xf32, #tpu.memory_space<vmem>>, vector<1x1x1x16xf32>,
        %get3A_741 = vector.shape_cast %get3A_740 : vector<1x1x1x16xf32> to vector<16xf32>
        %add3A_742 = arith.addf %get3A_733, %get3A_741 : vector<16xf32>
        %swap3A_743 = arith.constant 0 : i32
        %swap3A_744 = arith.index_cast %swap3A_743 : i32 to index
        %swap3A_745 = arith.index_cast %add3A_583 : i32 to index
        %swap3A_746 = arith.constant 80 : index
        %swap3A_747 = tpu.vector_load %arg8[%swap3A_744, %swap3A_745, %swap3A_746] {strides = array<i32>} : memref<2x64x128xf32, #tpu.memory_space<vmem>>, vector<1x1x16xf32>,
        %swap3A_748 = vector.shape_cast %swap3A_747 : vector<1x1x16xf32> to vector<16xf32>
        %swap3A_749 = vector.shape_cast %add3A_742 : vector<16xf32> to vector<1x1x16xf32>
        tpu.vector_store %arg8[%swap3A_744, %swap3A_745, %swap3A_746], %swap3A_749 {strides = array<i32>} : memref<2x64x128xf32, #tpu.memory_space<vmem>>, vector<1x1x16xf32>,
        %mul3A_750 = arith.constant 8 : i32
        %mul3A_751 = arith.muli %add3A_583, %mul3A_750 : i32
        %add3A_752 = arith.constant 6 : i32
        %add3A_753 = arith.addi %mul3A_751, %add3A_752 : i32
        %get3A_754 = arith.constant 0 : i32
        %get3A_755 = arith.constant 0 : i32
        %get3A_756 = arith.index_cast %get3A_754 : i32 to index
        %get3A_757 = arith.index_cast %get3A_755 : i32 to index
        %get3A_758 = arith.index_cast %add3A_753 : i32 to index
        %get3A_759 = arith.constant 0 : index
        %get3A_760 = tpu.vector_load %arg7[%get3A_756, %get3A_757, %get3A_758, %get3A_759] {strides = array<i32>} : memref<2x2x512x16xf32, #tpu.memory_space<vmem>>, vector<1x1x1x16xf32>,
        %get3A_761 = vector.shape_cast %get3A_760 : vector<1x1x1x16xf32> to vector<16xf32>
        %get3A_762 = arith.constant 0 : i32
        %get3A_763 = arith.constant 1 : i32
        %get3A_764 = arith.index_cast %get3A_762 : i32 to index
        %get3A_765 = arith.index_cast %get3A_763 : i32 to index
        %get3A_766 = arith.index_cast %add3A_753 : i32 to index
        %get3A_767 = arith.constant 0 : index
        %get3A_768 = tpu.vector_load %arg7[%get3A_764, %get3A_765, %get3A_766, %get3A_767] {strides = array<i32>} : memref<2x2x512x16xf32, #tpu.memory_space<vmem>>, vector<1x1x1x16xf32>,
        %get3A_769 = vector.shape_cast %get3A_768 : vector<1x1x1x16xf32> to vector<16xf32>
        %add3A_770 = arith.addf %get3A_761, %get3A_769 : vector<16xf32>
        %swap3A_771 = arith.constant 0 : i32
        %swap3A_772 = arith.index_cast %swap3A_771 : i32 to index
        %swap3A_773 = arith.index_cast %add3A_583 : i32 to index
        %swap3A_774 = arith.constant 96 : index
        %swap3A_775 = tpu.vector_load %arg8[%swap3A_772, %swap3A_773, %swap3A_774] {strides = array<i32>} : memref<2x64x128xf32, #tpu.memory_space<vmem>>, vector<1x1x16xf32>,
        %swap3A_776 = vector.shape_cast %swap3A_775 : vector<1x1x16xf32> to vector<16xf32>
        %swap3A_777 = vector.shape_cast %add3A_770 : vector<16xf32> to vector<1x1x16xf32>
        tpu.vector_store %arg8[%swap3A_772, %swap3A_773, %swap3A_774], %swap3A_777 {strides = array<i32>} : memref<2x64x128xf32, #tpu.memory_space<vmem>>, vector<1x1x16xf32>,
        %mul3A_778 = arith.constant 8 : i32
        %mul3A_779 = arith.muli %add3A_583, %mul3A_778 : i32
        %add3A_780 = arith.constant 7 : i32
        %add3A_781 = arith.addi %mul3A_779, %add3A_780 : i32
        %get3A_782 = arith.constant 0 : i32
        %get3A_783 = arith.constant 0 : i32
        %get3A_784 = arith.index_cast %get3A_782 : i32 to index
        %get3A_785 = arith.index_cast %get3A_783 : i32 to index
        %get3A_786 = arith.index_cast %add3A_781 : i32 to index
        %get3A_787 = arith.constant 0 : index
        %get3A_788 = tpu.vector_load %arg7[%get3A_784, %get3A_785, %get3A_786, %get3A_787] {strides = array<i32>} : memref<2x2x512x16xf32, #tpu.memory_space<vmem>>, vector<1x1x1x16xf32>,
        %get3A_789 = vector.shape_cast %get3A_788 : vector<1x1x1x16xf32> to vector<16xf32>
        %get3A_790 = arith.constant 0 : i32
        %get3A_791 = arith.constant 1 : i32
        %get3A_792 = arith.index_cast %get3A_790 : i32 to index
        %get3A_793 = arith.index_cast %get3A_791 : i32 to index
        %get3A_794 = arith.index_cast %add3A_781 : i32 to index
        %get3A_795 = arith.constant 0 : index
        %get3A_796 = tpu.vector_load %arg7[%get3A_792, %get3A_793, %get3A_794, %get3A_795] {strides = array<i32>} : memref<2x2x512x16xf32, #tpu.memory_space<vmem>>, vector<1x1x1x16xf32>,
        %get3A_797 = vector.shape_cast %get3A_796 : vector<1x1x1x16xf32> to vector<16xf32>
        %add3A_798 = arith.addf %get3A_789, %get3A_797 : vector<16xf32>
        %swap3A_799 = arith.constant 0 : i32
        %swap3A_800 = arith.index_cast %swap3A_799 : i32 to index
        %swap3A_801 = arith.index_cast %add3A_583 : i32 to index
        %swap3A_802 = arith.constant 112 : index
        %swap3A_803 = tpu.vector_load %arg8[%swap3A_800, %swap3A_801, %swap3A_802] {strides = array<i32>} : memref<2x64x128xf32, #tpu.memory_space<vmem>>, vector<1x1x16xf32>,
        %swap3A_804 = vector.shape_cast %swap3A_803 : vector<1x1x16xf32> to vector<16xf32>
        %swap3A_805 = vector.shape_cast %add3A_798 : vector<16xf32> to vector<1x1x16xf32>
        tpu.vector_store %arg8[%swap3A_800, %swap3A_801, %swap3A_802], %swap3A_805 {strides = array<i32>} : memref<2x64x128xf32, #tpu.memory_space<vmem>>, vector<1x1x16xf32>,
      }
      %scan3A_397 = arith.constant 64 : i32
      %jit3A = arith.constant 8 : i32
      %div3A = arith.divsi %mul3A_4, %jit3A : i32
      %sign3A = arith.constant 0 : i32
      %sign3A_398 = arith.cmpi sgt, %mul3A_4, %sign3A : i32
      %sign3A_399 = arith.extui %sign3A_398 : i1 to i32
      %sign3A_400 = arith.constant 0 : i32
      %sign3A_401 = arith.cmpi slt, %mul3A_4, %sign3A_400 : i32
      %sign3A_402 = arith.extui %sign3A_401 : i1 to i32
      %sign3A_403 = arith.subi %sign3A_399, %sign3A_402 : i32
      %sign3A_404 = arith.constant 0 : i32
      %sign3A_405 = arith.cmpi sgt, %jit3A, %sign3A_404 : i32
      %sign3A_406 = arith.extui %sign3A_405 : i1 to i32
      %sign3A_407 = arith.constant 0 : i32
      %sign3A_408 = arith.cmpi slt, %jit3A, %sign3A_407 : i32
      %sign3A_409 = arith.extui %sign3A_408 : i1 to i32
      %sign3A_410 = arith.subi %sign3A_406, %sign3A_409 : i32
      %ne3A = arith.cmpi ne, %sign3A_403, %sign3A_410 : i32
      %rem3A = arith.remsi %mul3A_4, %jit3A : i32
      %ne3A_411 = arith.constant 0 : i32
      %ne3A_412 = arith.cmpi ne, %rem3A, %ne3A_411 : i32
      %and3A = arith.andi %ne3A, %ne3A_412 : i1
      %sub3A = arith.constant 1 : i32
      %sub3A_413 = arith.subi %div3A, %sub3A : i32
      %select_n3A = arith.select %and3A, %sub3A_413, %div3A : i32
      %mul3A_414 = arith.constant 64 : i32
      %mul3A_415 = arith.muli %add3A_141, %mul3A_414 : i32
      %add3A_416 = arith.addi %select_n3A, %mul3A_415 : i32
      %run_scoped3A_417 = arith.constant 0 : i32
      "tpu.region"() ({
        %run_scoped3A_579 = tpu.sem_alloc : memref<!tpu.dma_semaphore, #tpu.memory_space<semaphore_mem>>
        %dma_start3A_580 = arith.constant 0 : i32
        %dma_start3A_581 = arith.constant 0 : i32
        %dma_start3A_582 = tpu.memref_slice %arg8[%run_scoped3A_417, %dma_start3A_580, %dma_start3A_581] : memref<2x64x128xf32, #tpu.memory_space<vmem>> -> memref<1x64x128xf32, #tpu.memory_space<vmem>>
        %dma_start3A_583 = tpu.memref_squeeze %dma_start3A_582 : memref<1x64x128xf32, #tpu.memory_space<vmem>> -> memref<64x128xf32, #tpu.memory_space<vmem>>
        %dma_start3A_584 = arith.constant 0 : i32
        %dma_start3A_585 = tpu.memref_slice %arg5[%add3A_416, %dma_start3A_584] : memref<40960x128xf32, #tpu.memory_space<hbm>> -> memref<64x128xf32, #tpu.memory_space<hbm>>
        %dma_start3A_586 = arith.constant 0 : i32
        %dma_start3A_587 = tpu.memref_slice %arg5[%add3A_416, %dma_start3A_586] : memref<40960x128xf32, #tpu.memory_space<hbm>> -> memref<64x128xf32, #tpu.memory_space<hbm>>
        %dma_start3A_588 = arith.constant 0 : i32
        %dma_start3A_589 = arith.constant 0 : i32
        %dma_start3A_590 = tpu.memref_slice %arg8[%run_scoped3A_417, %dma_start3A_588, %dma_start3A_589] : memref<2x64x128xf32, #tpu.memory_space<vmem>> -> memref<1x64x128xf32, #tpu.memory_space<vmem>>
        %dma_start3A_591 = tpu.memref_squeeze %dma_start3A_590 : memref<1x64x128xf32, #tpu.memory_space<vmem>> -> memref<64x128xf32, #tpu.memory_space<vmem>>
        tpu.enqueue_dma source(%dma_start3A_591 : memref<64x128xf32, #tpu.memory_space<vmem>>) target(%dma_start3A_587 : memref<64x128xf32, #tpu.memory_space<hbm>>) target_semaphore(%run_scoped3A_579 : memref<!tpu.dma_semaphore, #tpu.memory_space<semaphore_mem>>)
        %dma_wait3A_592 = arith.constant 0 : i32
        %dma_wait3A_593 = arith.constant 0 : i32
        %dma_wait3A_594 = tpu.memref_slice %arg8[%run_scoped3A_417, %dma_wait3A_592, %dma_wait3A_593] : memref<2x64x128xf32, #tpu.memory_space<vmem>> -> memref<1x64x128xf32, #tpu.memory_space<vmem>>
        %dma_wait3A_595 = tpu.memref_squeeze %dma_wait3A_594 : memref<1x64x128xf32, #tpu.memory_space<vmem>> -> memref<64x128xf32, #tpu.memory_space<vmem>>
        %dma_wait3A_596 = arith.constant 0 : i32
        %dma_wait3A_597 = tpu.memref_slice %arg5[%add3A_416, %dma_wait3A_596] : memref<40960x128xf32, #tpu.memory_space<hbm>> -> memref<64x128xf32, #tpu.memory_space<hbm>>
        %dma_wait3A_598 = arith.constant 0 : i32
        %dma_wait3A_599 = tpu.memref_slice %arg5[%add3A_416, %dma_wait3A_598] : memref<40960x128xf32, #tpu.memory_space<hbm>> -> memref<64x128xf32, #tpu.memory_space<hbm>>
        %dma_wait3A_600 = arith.constant 0 : i32
        %dma_wait3A_601 = arith.constant 0 : i32
        %dma_wait3A_602 = tpu.memref_slice %arg8[%run_scoped3A_417, %dma_wait3A_600, %dma_wait3A_601] : memref<2x64x128xf32, #tpu.memory_space<vmem>> -> memref<1x64x128xf32, #tpu.memory_space<vmem>>
        %dma_wait3A_603 = tpu.memref_squeeze %dma_wait3A_602 : memref<1x64x128xf32, #tpu.memory_space<vmem>> -> memref<64x128xf32, #tpu.memory_space<vmem>>
        tpu.wait_dma2 semaphore(%run_scoped3A_579 : memref<!tpu.dma_semaphore, #tpu.memory_space<semaphore_mem>>) src(%dma_wait3A_603 : memref<64x128xf32, #tpu.memory_space<vmem>>) dst(%dma_wait3A_599 : memref<64x128xf32, #tpu.memory_space<hbm>>)
        tpu.yield
      }) : () -> ()
      %add3A_418 = arith.constant 2 : i32
      %add3A_419 = arith.addi %add3A_141, %add3A_418 : i32
      %lt3A = arith.constant 20 : i32
      %lt3A_420 = arith.cmpi slt, %add3A_419, %lt3A : i32
      %convert_element_type3A_421 = arith.extui %lt3A_420 : i1 to i32
      %cond3A_422 = arith.constant 0 : i32
      %cond3A_423 = arith.cmpi ne, %convert_element_type3A_421, %cond3A_422 : i32
      scf.if %cond3A_423 {
        %add3A_579 = arith.constant 2 : i32
        %add3A_580 = arith.addi %add3A_141, %add3A_579 : i32
        %mul3A_581 = arith.constant 4 : i32
        %mul3A_582 = arith.muli %add3A_580, %mul3A_581 : i32
        %add3A_583 = arith.addi %mul3A_6, %mul3A_582 : i32
        %run_scoped3A_584 = arith.constant 0 : i32
        %run_scoped3A_585 = arith.constant 0 : i32
        "tpu.region"() ({
          %run_scoped3A_711 = tpu.sem_alloc : memref<!tpu.dma_semaphore, #tpu.memory_space<semaphore_mem>>
          %dma_start3A_712 = arith.constant 0 : i32
          %dma_start3A_713 = arith.constant 0 : i32
          %dma_start3A_714 = tpu.memref_slice %arg6[%run_scoped3A_584, %run_scoped3A_585, %dma_start3A_712, %dma_start3A_713] : memref<2x2x4x128xi32, #tpu.memory_space<vmem>> -> memref<1x1x4x128xi32, #tpu.memory_space<vmem>>
          %dma_start3A_715 = tpu.memref_squeeze %dma_start3A_714 : memref<1x1x4x128xi32, #tpu.memory_space<vmem>> -> memref<4x128xi32, #tpu.memory_space<vmem>>
          %dma_start3A_716 = arith.constant 0 : i32
          %dma_start3A_717 = tpu.memref_slice %arg3[%add3A_583, %dma_start3A_716] : memref<2560x128xi32, #tpu.memory_space<hbm>> -> memref<4x128xi32, #tpu.memory_space<hbm>>
          %dma_start3A_718 = arith.constant 0 : i32
          %dma_start3A_719 = arith.constant 0 : i32
          %dma_start3A_720 = tpu.memref_slice %arg6[%run_scoped3A_584, %run_scoped3A_585, %dma_start3A_718, %dma_start3A_719] : memref<2x2x4x128xi32, #tpu.memory_space<vmem>> -> memref<1x1x4x128xi32, #tpu.memory_space<vmem>>
          %dma_start3A_721 = tpu.memref_squeeze %dma_start3A_720 : memref<1x1x4x128xi32, #tpu.memory_space<vmem>> -> memref<4x128xi32, #tpu.memory_space<vmem>>
          %dma_start3A_722 = arith.constant 0 : i32
          %dma_start3A_723 = tpu.memref_slice %arg3[%add3A_583, %dma_start3A_722] : memref<2560x128xi32, #tpu.memory_space<hbm>> -> memref<4x128xi32, #tpu.memory_space<hbm>>
          tpu.enqueue_dma source(%dma_start3A_723 : memref<4x128xi32, #tpu.memory_space<hbm>>) target(%dma_start3A_721 : memref<4x128xi32, #tpu.memory_space<vmem>>) target_semaphore(%run_scoped3A_711 : memref<!tpu.dma_semaphore, #tpu.memory_space<semaphore_mem>>)
          %dma_wait3A_724 = arith.constant 0 : i32
          %dma_wait3A_725 = arith.constant 0 : i32
          %dma_wait3A_726 = tpu.memref_slice %arg6[%run_scoped3A_584, %run_scoped3A_585, %dma_wait3A_724, %dma_wait3A_725] : memref<2x2x4x128xi32, #tpu.memory_space<vmem>> -> memref<1x1x4x128xi32, #tpu.memory_space<vmem>>
          %dma_wait3A_727 = tpu.memref_squeeze %dma_wait3A_726 : memref<1x1x4x128xi32, #tpu.memory_space<vmem>> -> memref<4x128xi32, #tpu.memory_space<vmem>>
          %dma_wait3A_728 = arith.constant 0 : i32
          %dma_wait3A_729 = tpu.memref_slice %arg3[%add3A_583, %dma_wait3A_728] : memref<2560x128xi32, #tpu.memory_space<hbm>> -> memref<4x128xi32, #tpu.memory_space<hbm>>
          %dma_wait3A_730 = arith.constant 0 : i32
          %dma_wait3A_731 = arith.constant 0 : i32
          %dma_wait3A_732 = tpu.memref_slice %arg6[%run_scoped3A_584, %run_scoped3A_585, %dma_wait3A_730, %dma_wait3A_731] : memref<2x2x4x128xi32, #tpu.memory_space<vmem>> -> memref<1x1x4x128xi32, #tpu.memory_space<vmem>>
          %dma_wait3A_733 = tpu.memref_squeeze %dma_wait3A_732 : memref<1x1x4x128xi32, #tpu.memory_space<vmem>> -> memref<4x128xi32, #tpu.memory_space<vmem>>
          %dma_wait3A_734 = arith.constant 0 : i32
          %dma_wait3A_735 = tpu.memref_slice %arg3[%add3A_583, %dma_wait3A_734] : memref<2560x128xi32, #tpu.memory_space<hbm>> -> memref<4x128xi32, #tpu.memory_space<hbm>>
          tpu.wait_dma2 semaphore(%run_scoped3A_711 : memref<!tpu.dma_semaphore, #tpu.memory_space<semaphore_mem>>) src(%dma_wait3A_735 : memref<4x128xi32, #tpu.memory_space<hbm>>) dst(%dma_wait3A_733 : memref<4x128xi32, #tpu.memory_space<vmem>>)
          tpu.yield
        }) : () -> ()
        %mul3A_586 = arith.constant 4 : i32
        %mul3A_587 = arith.muli %add3A_580, %mul3A_586 : i32
        %add3A_588 = arith.addi %mul3A_6, %mul3A_587 : i32
        %run_scoped3A_589 = arith.constant 0 : i32
        %run_scoped3A_590 = arith.constant 1 : i32
        "tpu.region"() ({
          %run_scoped3A_711 = tpu.sem_alloc : memref<!tpu.dma_semaphore, #tpu.memory_space<semaphore_mem>>
          %dma_start3A_712 = arith.constant 0 : i32
          %dma_start3A_713 = arith.constant 0 : i32
          %dma_start3A_714 = tpu.memref_slice %arg6[%run_scoped3A_589, %run_scoped3A_590, %dma_start3A_712, %dma_start3A_713] : memref<2x2x4x128xi32, #tpu.memory_space<vmem>> -> memref<1x1x4x128xi32, #tpu.memory_space<vmem>>
          %dma_start3A_715 = tpu.memref_squeeze %dma_start3A_714 : memref<1x1x4x128xi32, #tpu.memory_space<vmem>> -> memref<4x128xi32, #tpu.memory_space<vmem>>
          %dma_start3A_716 = arith.constant 0 : i32
          %dma_start3A_717 = tpu.memref_slice %arg4[%add3A_588, %dma_start3A_716] : memref<2560x128xi32, #tpu.memory_space<hbm>> -> memref<4x128xi32, #tpu.memory_space<hbm>>
          %dma_start3A_718 = arith.constant 0 : i32
          %dma_start3A_719 = arith.constant 0 : i32
          %dma_start3A_720 = tpu.memref_slice %arg6[%run_scoped3A_589, %run_scoped3A_590, %dma_start3A_718, %dma_start3A_719] : memref<2x2x4x128xi32, #tpu.memory_space<vmem>> -> memref<1x1x4x128xi32, #tpu.memory_space<vmem>>
          %dma_start3A_721 = tpu.memref_squeeze %dma_start3A_720 : memref<1x1x4x128xi32, #tpu.memory_space<vmem>> -> memref<4x128xi32, #tpu.memory_space<vmem>>
          %dma_start3A_722 = arith.constant 0 : i32
          %dma_start3A_723 = tpu.memref_slice %arg4[%add3A_588, %dma_start3A_722] : memref<2560x128xi32, #tpu.memory_space<hbm>> -> memref<4x128xi32, #tpu.memory_space<hbm>>
          tpu.enqueue_dma source(%dma_start3A_723 : memref<4x128xi32, #tpu.memory_space<hbm>>) target(%dma_start3A_721 : memref<4x128xi32, #tpu.memory_space<vmem>>) target_semaphore(%run_scoped3A_711 : memref<!tpu.dma_semaphore, #tpu.memory_space<semaphore_mem>>)
          %dma_wait3A_724 = arith.constant 0 : i32
          %dma_wait3A_725 = arith.constant 0 : i32
          %dma_wait3A_726 = tpu.memref_slice %arg6[%run_scoped3A_589, %run_scoped3A_590, %dma_wait3A_724, %dma_wait3A_725] : memref<2x2x4x128xi32, #tpu.memory_space<vmem>> -> memref<1x1x4x128xi32, #tpu.memory_space<vmem>>
          %dma_wait3A_727 = tpu.memref_squeeze %dma_wait3A_726 : memref<1x1x4x128xi32, #tpu.memory_space<vmem>> -> memref<4x128xi32, #tpu.memory_space<vmem>>
          %dma_wait3A_728 = arith.constant 0 : i32
          %dma_wait3A_729 = tpu.memref_slice %arg4[%add3A_588, %dma_wait3A_728] : memref<2560x128xi32, #tpu.memory_space<hbm>> -> memref<4x128xi32, #tpu.memory_space<hbm>>
          %dma_wait3A_730 = arith.constant 0 : i32
          %dma_wait3A_731 = arith.constant 0 : i32
          %dma_wait3A_732 = tpu.memref_slice %arg6[%run_scoped3A_589, %run_scoped3A_590, %dma_wait3A_730, %dma_wait3A_731] : memref<2x2x4x128xi32, #tpu.memory_space<vmem>> -> memref<1x1x4x128xi32, #tpu.memory_space<vmem>>
          %dma_wait3A_733 = tpu.memref_squeeze %dma_wait3A_732 : memref<1x1x4x128xi32, #tpu.memory_space<vmem>> -> memref<4x128xi32, #tpu.memory_space<vmem>>
          %dma_wait3A_734 = arith.constant 0 : i32
          %dma_wait3A_735 = tpu.memref_slice %arg4[%add3A_588, %dma_wait3A_734] : memref<2560x128xi32, #tpu.memory_space<hbm>> -> memref<4x128xi32, #tpu.memory_space<hbm>>
          tpu.wait_dma2 semaphore(%run_scoped3A_711 : memref<!tpu.dma_semaphore, #tpu.memory_space<semaphore_mem>>) src(%dma_wait3A_735 : memref<4x128xi32, #tpu.memory_space<hbm>>) dst(%dma_wait3A_733 : memref<4x128xi32, #tpu.memory_space<vmem>>)
          tpu.yield
        }) : () -> ()
        %dma_start3A_591 = arith.constant 0 : i32
        %dma_start3A_592 = arith.constant 0 : i32
        %dma_start3A_593 = arith.constant 0 : i32
        %dma_start3A_594 = arith.constant 0 : i32
        %dma_start3A_595 = arith.constant 0 : i32
        %dma_start3A_596 = arith.constant 0 : i32
        %dma_start3A_597 = arith.constant 0 : i32
        %dma_start3A_598 = tpu.memref_slice %arg7[%dma_start3A_594, %dma_start3A_595, %dma_start3A_596, %dma_start3A_597] : memref<2x2x512x16xf32, #tpu.memory_space<vmem>> -> memref<1x1x128x16xf32, #tpu.memory_space<vmem>>
        %dma_start3A_599 = tpu.memref_squeeze %dma_start3A_598 : memref<1x1x128x16xf32, #tpu.memory_space<vmem>> -> memref<128x16xf32, #tpu.memory_space<vmem>>
        %dma_start3A_600 = arith.constant 0 : i32
        %dma_start3A_601 = tpu.memref_slice %arg6[%dma_start3A_591, %dma_start3A_592, %dma_start3A_593, %dma_start3A_600] : memref<2x2x4x128xi32, #tpu.memory_space<vmem>> -> memref<1x1x1x128xi32, #tpu.memory_space<vmem>>
        %dma_start3A_602 = tpu.memref_squeeze %dma_start3A_601 : memref<1x1x1x128xi32, #tpu.memory_space<vmem>> -> memref<128xi32, #tpu.memory_space<vmem>>
        %dma_start3A_603 = arith.constant 0 : i32
        %dma_start3A_604 = arith.constant 0 : i32
        %dma_start3A_605 = tpu.memref_slice %arg9[%dma_start3A_603, %dma_start3A_604] : memref<60000x16xf32, #tpu.memory_space<vmem_shared>> -> memref<60000x16xf32, #tpu.memory_space<vmem_shared>>
        tpu.enqueue_indirect_dma source(%dma_start3A_605 : memref<60000x16xf32, #tpu.memory_space<vmem_shared>>) target(%dma_start3A_599 : memref<128x16xf32, #tpu.memory_space<vmem>>) offsets(%dma_start3A_602 : memref<128xi32, #tpu.memory_space<vmem>>) semaphore(%arg10 : memref<!tpu.dma_semaphore, #tpu.memory_space<semaphore_mem>>)
        %dma_start3A_606 = arith.constant 0 : i32
        %dma_start3A_607 = arith.constant 1 : i32
        %dma_start3A_608 = arith.constant 0 : i32
        %dma_start3A_609 = arith.constant 0 : i32
        %dma_start3A_610 = arith.constant 1 : i32
        %dma_start3A_611 = arith.constant 0 : i32
        %dma_start3A_612 = arith.constant 0 : i32
        %dma_start3A_613 = tpu.memref_slice %arg7[%dma_start3A_609, %dma_start3A_610, %dma_start3A_611, %dma_start3A_612] : memref<2x2x512x16xf32, #tpu.memory_space<vmem>> -> memref<1x1x128x16xf32, #tpu.memory_space<vmem>>
        %dma_start3A_614 = tpu.memref_squeeze %dma_start3A_613 : memref<1x1x128x16xf32, #tpu.memory_space<vmem>> -> memref<128x16xf32, #tpu.memory_space<vmem>>
        %dma_start3A_615 = arith.constant 0 : i32
        %dma_start3A_616 = tpu.memref_slice %arg6[%dma_start3A_606, %dma_start3A_607, %dma_start3A_608, %dma_start3A_615] : memref<2x2x4x128xi32, #tpu.memory_space<vmem>> -> memref<1x1x1x128xi32, #tpu.memory_space<vmem>>
        %dma_start3A_617 = tpu.memref_squeeze %dma_start3A_616 : memref<1x1x1x128xi32, #tpu.memory_space<vmem>> -> memref<128xi32, #tpu.memory_space<vmem>>
        %dma_start3A_618 = arith.constant 0 : i32
        %dma_start3A_619 = arith.constant 0 : i32
        %dma_start3A_620 = tpu.memref_slice %arg9[%dma_start3A_618, %dma_start3A_619] : memref<60000x16xf32, #tpu.memory_space<vmem_shared>> -> memref<60000x16xf32, #tpu.memory_space<vmem_shared>>
        tpu.enqueue_indirect_dma source(%dma_start3A_620 : memref<60000x16xf32, #tpu.memory_space<vmem_shared>>) target(%dma_start3A_614 : memref<128x16xf32, #tpu.memory_space<vmem>>) offsets(%dma_start3A_617 : memref<128xi32, #tpu.memory_space<vmem>>) semaphore(%arg11 : memref<!tpu.dma_semaphore, #tpu.memory_space<semaphore_mem>>)
        %dma_start3A_621 = arith.constant 0 : i32
        %dma_start3A_622 = arith.constant 0 : i32
        %dma_start3A_623 = arith.constant 1 : i32
        %dma_start3A_624 = arith.constant 0 : i32
        %dma_start3A_625 = arith.constant 0 : i32
        %dma_start3A_626 = arith.constant 128 : i32
        %dma_start3A_627 = arith.constant 0 : i32
        %dma_start3A_628 = tpu.memref_slice %arg7[%dma_start3A_624, %dma_start3A_625, %dma_start3A_626, %dma_start3A_627] : memref<2x2x512x16xf32, #tpu.memory_space<vmem>> -> memref<1x1x128x16xf32, #tpu.memory_space<vmem>>
        %dma_start3A_629 = tpu.memref_squeeze %dma_start3A_628 : memref<1x1x128x16xf32, #tpu.memory_space<vmem>> -> memref<128x16xf32, #tpu.memory_space<vmem>>
        %dma_start3A_630 = arith.constant 0 : i32
        %dma_start3A_631 = tpu.memref_slice %arg6[%dma_start3A_621, %dma_start3A_622, %dma_start3A_623, %dma_start3A_630] : memref<2x2x4x128xi32, #tpu.memory_space<vmem>> -> memref<1x1x1x128xi32, #tpu.memory_space<vmem>>
        %dma_start3A_632 = tpu.memref_squeeze %dma_start3A_631 : memref<1x1x1x128xi32, #tpu.memory_space<vmem>> -> memref<128xi32, #tpu.memory_space<vmem>>
        %dma_start3A_633 = arith.constant 0 : i32
        %dma_start3A_634 = arith.constant 0 : i32
        %dma_start3A_635 = tpu.memref_slice %arg9[%dma_start3A_633, %dma_start3A_634] : memref<60000x16xf32, #tpu.memory_space<vmem_shared>> -> memref<60000x16xf32, #tpu.memory_space<vmem_shared>>
        tpu.enqueue_indirect_dma source(%dma_start3A_635 : memref<60000x16xf32, #tpu.memory_space<vmem_shared>>) target(%dma_start3A_629 : memref<128x16xf32, #tpu.memory_space<vmem>>) offsets(%dma_start3A_632 : memref<128xi32, #tpu.memory_space<vmem>>) semaphore(%arg10 : memref<!tpu.dma_semaphore, #tpu.memory_space<semaphore_mem>>)
        %dma_start3A_636 = arith.constant 0 : i32
        %dma_start3A_637 = arith.constant 1 : i32
        %dma_start3A_638 = arith.constant 1 : i32
        %dma_start3A_639 = arith.constant 0 : i32
        %dma_start3A_640 = arith.constant 1 : i32
        %dma_start3A_641 = arith.constant 128 : i32
        %dma_start3A_642 = arith.constant 0 : i32
        %dma_start3A_643 = tpu.memref_slice %arg7[%dma_start3A_639, %dma_start3A_640, %dma_start3A_641, %dma_start3A_642] : memref<2x2x512x16xf32, #tpu.memory_space<vmem>> -> memref<1x1x128x16xf32, #tpu.memory_space<vmem>>
        %dma_start3A_644 = tpu.memref_squeeze %dma_start3A_643 : memref<1x1x128x16xf32, #tpu.memory_space<vmem>> -> memref<128x16xf32, #tpu.memory_space<vmem>>
        %dma_start3A_645 = arith.constant 0 : i32
        %dma_start3A_646 = tpu.memref_slice %arg6[%dma_start3A_636, %dma_start3A_637, %dma_start3A_638, %dma_start3A_645] : memref<2x2x4x128xi32, #tpu.memory_space<vmem>> -> memref<1x1x1x128xi32, #tpu.memory_space<vmem>>
        %dma_start3A_647 = tpu.memref_squeeze %dma_start3A_646 : memref<1x1x1x128xi32, #tpu.memory_space<vmem>> -> memref<128xi32, #tpu.memory_space<vmem>>
        %dma_start3A_648 = arith.constant 0 : i32
        %dma_start3A_649 = arith.constant 0 : i32
        %dma_start3A_650 = tpu.memref_slice %arg9[%dma_start3A_648, %dma_start3A_649] : memref<60000x16xf32, #tpu.memory_space<vmem_shared>> -> memref<60000x16xf32, #tpu.memory_space<vmem_shared>>
        tpu.enqueue_indirect_dma source(%dma_start3A_650 : memref<60000x16xf32, #tpu.memory_space<vmem_shared>>) target(%dma_start3A_644 : memref<128x16xf32, #tpu.memory_space<vmem>>) offsets(%dma_start3A_647 : memref<128xi32, #tpu.memory_space<vmem>>) semaphore(%arg11 : memref<!tpu.dma_semaphore, #tpu.memory_space<semaphore_mem>>)
        %dma_start3A_651 = arith.constant 0 : i32
        %dma_start3A_652 = arith.constant 0 : i32
        %dma_start3A_653 = arith.constant 2 : i32
        %dma_start3A_654 = arith.constant 0 : i32
        %dma_start3A_655 = arith.constant 0 : i32
        %dma_start3A_656 = arith.constant 256 : i32
        %dma_start3A_657 = arith.constant 0 : i32
        %dma_start3A_658 = tpu.memref_slice %arg7[%dma_start3A_654, %dma_start3A_655, %dma_start3A_656, %dma_start3A_657] : memref<2x2x512x16xf32, #tpu.memory_space<vmem>> -> memref<1x1x128x16xf32, #tpu.memory_space<vmem>>
        %dma_start3A_659 = tpu.memref_squeeze %dma_start3A_658 : memref<1x1x128x16xf32, #tpu.memory_space<vmem>> -> memref<128x16xf32, #tpu.memory_space<vmem>>
        %dma_start3A_660 = arith.constant 0 : i32
        %dma_start3A_661 = tpu.memref_slice %arg6[%dma_start3A_651, %dma_start3A_652, %dma_start3A_653, %dma_start3A_660] : memref<2x2x4x128xi32, #tpu.memory_space<vmem>> -> memref<1x1x1x128xi32, #tpu.memory_space<vmem>>
        %dma_start3A_662 = tpu.memref_squeeze %dma_start3A_661 : memref<1x1x1x128xi32, #tpu.memory_space<vmem>> -> memref<128xi32, #tpu.memory_space<vmem>>
        %dma_start3A_663 = arith.constant 0 : i32
        %dma_start3A_664 = arith.constant 0 : i32
        %dma_start3A_665 = tpu.memref_slice %arg9[%dma_start3A_663, %dma_start3A_664] : memref<60000x16xf32, #tpu.memory_space<vmem_shared>> -> memref<60000x16xf32, #tpu.memory_space<vmem_shared>>
        tpu.enqueue_indirect_dma source(%dma_start3A_665 : memref<60000x16xf32, #tpu.memory_space<vmem_shared>>) target(%dma_start3A_659 : memref<128x16xf32, #tpu.memory_space<vmem>>) offsets(%dma_start3A_662 : memref<128xi32, #tpu.memory_space<vmem>>) semaphore(%arg10 : memref<!tpu.dma_semaphore, #tpu.memory_space<semaphore_mem>>)
        %dma_start3A_666 = arith.constant 0 : i32
        %dma_start3A_667 = arith.constant 1 : i32
        %dma_start3A_668 = arith.constant 2 : i32
        %dma_start3A_669 = arith.constant 0 : i32
        %dma_start3A_670 = arith.constant 1 : i32
        %dma_start3A_671 = arith.constant 256 : i32
        %dma_start3A_672 = arith.constant 0 : i32
        %dma_start3A_673 = tpu.memref_slice %arg7[%dma_start3A_669, %dma_start3A_670, %dma_start3A_671, %dma_start3A_672] : memref<2x2x512x16xf32, #tpu.memory_space<vmem>> -> memref<1x1x128x16xf32, #tpu.memory_space<vmem>>
        %dma_start3A_674 = tpu.memref_squeeze %dma_start3A_673 : memref<1x1x128x16xf32, #tpu.memory_space<vmem>> -> memref<128x16xf32, #tpu.memory_space<vmem>>
        %dma_start3A_675 = arith.constant 0 : i32
        %dma_start3A_676 = tpu.memref_slice %arg6[%dma_start3A_666, %dma_start3A_667, %dma_start3A_668, %dma_start3A_675] : memref<2x2x4x128xi32, #tpu.memory_space<vmem>> -> memref<1x1x1x128xi32, #tpu.memory_space<vmem>>
        %dma_start3A_677 = tpu.memref_squeeze %dma_start3A_676 : memref<1x1x1x128xi32, #tpu.memory_space<vmem>> -> memref<128xi32, #tpu.memory_space<vmem>>
        %dma_start3A_678 = arith.constant 0 : i32
        %dma_start3A_679 = arith.constant 0 : i32
        %dma_start3A_680 = tpu.memref_slice %arg9[%dma_start3A_678, %dma_start3A_679] : memref<60000x16xf32, #tpu.memory_space<vmem_shared>> -> memref<60000x16xf32, #tpu.memory_space<vmem_shared>>
        tpu.enqueue_indirect_dma source(%dma_start3A_680 : memref<60000x16xf32, #tpu.memory_space<vmem_shared>>) target(%dma_start3A_674 : memref<128x16xf32, #tpu.memory_space<vmem>>) offsets(%dma_start3A_677 : memref<128xi32, #tpu.memory_space<vmem>>) semaphore(%arg11 : memref<!tpu.dma_semaphore, #tpu.memory_space<semaphore_mem>>)
        %dma_start3A_681 = arith.constant 0 : i32
        %dma_start3A_682 = arith.constant 0 : i32
        %dma_start3A_683 = arith.constant 3 : i32
        %dma_start3A_684 = arith.constant 0 : i32
        %dma_start3A_685 = arith.constant 0 : i32
        %dma_start3A_686 = arith.constant 384 : i32
        %dma_start3A_687 = arith.constant 0 : i32
        %dma_start3A_688 = tpu.memref_slice %arg7[%dma_start3A_684, %dma_start3A_685, %dma_start3A_686, %dma_start3A_687] : memref<2x2x512x16xf32, #tpu.memory_space<vmem>> -> memref<1x1x128x16xf32, #tpu.memory_space<vmem>>
        %dma_start3A_689 = tpu.memref_squeeze %dma_start3A_688 : memref<1x1x128x16xf32, #tpu.memory_space<vmem>> -> memref<128x16xf32, #tpu.memory_space<vmem>>
        %dma_start3A_690 = arith.constant 0 : i32
        %dma_start3A_691 = tpu.memref_slice %arg6[%dma_start3A_681, %dma_start3A_682, %dma_start3A_683, %dma_start3A_690] : memref<2x2x4x128xi32, #tpu.memory_space<vmem>> -> memref<1x1x1x128xi32, #tpu.memory_space<vmem>>
        %dma_start3A_692 = tpu.memref_squeeze %dma_start3A_691 : memref<1x1x1x128xi32, #tpu.memory_space<vmem>> -> memref<128xi32, #tpu.memory_space<vmem>>
        %dma_start3A_693 = arith.constant 0 : i32
        %dma_start3A_694 = arith.constant 0 : i32
        %dma_start3A_695 = tpu.memref_slice %arg9[%dma_start3A_693, %dma_start3A_694] : memref<60000x16xf32, #tpu.memory_space<vmem_shared>> -> memref<60000x16xf32, #tpu.memory_space<vmem_shared>>
        tpu.enqueue_indirect_dma source(%dma_start3A_695 : memref<60000x16xf32, #tpu.memory_space<vmem_shared>>) target(%dma_start3A_689 : memref<128x16xf32, #tpu.memory_space<vmem>>) offsets(%dma_start3A_692 : memref<128xi32, #tpu.memory_space<vmem>>) semaphore(%arg10 : memref<!tpu.dma_semaphore, #tpu.memory_space<semaphore_mem>>)
        %dma_start3A_696 = arith.constant 0 : i32
        %dma_start3A_697 = arith.constant 1 : i32
        %dma_start3A_698 = arith.constant 3 : i32
        %dma_start3A_699 = arith.constant 0 : i32
        %dma_start3A_700 = arith.constant 1 : i32
        %dma_start3A_701 = arith.constant 384 : i32
        %dma_start3A_702 = arith.constant 0 : i32
        %dma_start3A_703 = tpu.memref_slice %arg7[%dma_start3A_699, %dma_start3A_700, %dma_start3A_701, %dma_start3A_702] : memref<2x2x512x16xf32, #tpu.memory_space<vmem>> -> memref<1x1x128x16xf32, #tpu.memory_space<vmem>>
        %dma_start3A_704 = tpu.memref_squeeze %dma_start3A_703 : memref<1x1x128x16xf32, #tpu.memory_space<vmem>> -> memref<128x16xf32, #tpu.memory_space<vmem>>
        %dma_start3A_705 = arith.constant 0 : i32
        %dma_start3A_706 = tpu.memref_slice %arg6[%dma_start3A_696, %dma_start3A_697, %dma_start3A_698, %dma_start3A_705] : memref<2x2x4x128xi32, #tpu.memory_space<vmem>> -> memref<1x1x1x128xi32, #tpu.memory_space<vmem>>
        %dma_start3A_707 = tpu.memref_squeeze %dma_start3A_706 : memref<1x1x1x128xi32, #tpu.memory_space<vmem>> -> memref<128xi32, #tpu.memory_space<vmem>>
        %dma_start3A_708 = arith.constant 0 : i32
        %dma_start3A_709 = arith.constant 0 : i32
        %dma_start3A_710 = tpu.memref_slice %arg9[%dma_start3A_708, %dma_start3A_709] : memref<60000x16xf32, #tpu.memory_space<vmem_shared>> -> memref<60000x16xf32, #tpu.memory_space<vmem_shared>>
        tpu.enqueue_indirect_dma source(%dma_start3A_710 : memref<60000x16xf32, #tpu.memory_space<vmem_shared>>) target(%dma_start3A_704 : memref<128x16xf32, #tpu.memory_space<vmem>>) offsets(%dma_start3A_707 : memref<128xi32, #tpu.memory_space<vmem>>) semaphore(%arg11 : memref<!tpu.dma_semaphore, #tpu.memory_space<semaphore_mem>>)
      } else {
      }
      %dma_wait3A_424 = arith.constant 1 : i32
      %dma_wait3A_425 = arith.constant 0 : i32
      %dma_wait3A_426 = arith.constant 0 : i32
      %dma_wait3A_427 = arith.constant 1 : i32
      %dma_wait3A_428 = arith.constant 0 : i32
      %dma_wait3A_429 = arith.constant 0 : i32
      %dma_wait3A_430 = arith.constant 0 : i32
      %dma_wait3A_431 = tpu.memref_slice %arg7[%dma_wait3A_427, %dma_wait3A_428, %dma_wait3A_429, %dma_wait3A_430] : memref<2x2x512x16xf32, #tpu.memory_space<vmem>> -> memref<1x1x128x16xf32, #tpu.memory_space<vmem>>
      %dma_wait3A_432 = tpu.memref_squeeze %dma_wait3A_431 : memref<1x1x128x16xf32, #tpu.memory_space<vmem>> -> memref<128x16xf32, #tpu.memory_space<vmem>>
      %dma_wait3A_433 = arith.constant 0 : i32
      %dma_wait3A_434 = tpu.memref_slice %arg6[%dma_wait3A_424, %dma_wait3A_425, %dma_wait3A_426, %dma_wait3A_433] : memref<2x2x4x128xi32, #tpu.memory_space<vmem>> -> memref<1x1x1x128xi32, #tpu.memory_space<vmem>>
      %dma_wait3A_435 = tpu.memref_squeeze %dma_wait3A_434 : memref<1x1x1x128xi32, #tpu.memory_space<vmem>> -> memref<128xi32, #tpu.memory_space<vmem>>
      %dma_wait3A_436 = arith.constant 0 : i32
      %dma_wait3A_437 = arith.constant 0 : i32
      %dma_wait3A_438 = tpu.memref_slice %arg9[%dma_wait3A_436, %dma_wait3A_437] : memref<60000x16xf32, #tpu.memory_space<vmem_shared>> -> memref<60000x16xf32, #tpu.memory_space<vmem_shared>>
      tpu.wait_indirect_dma semaphore(%arg12 : memref<!tpu.dma_semaphore, #tpu.memory_space<semaphore_mem>>) src(%dma_wait3A_438 : memref<60000x16xf32, #tpu.memory_space<vmem_shared>>) dst(%dma_wait3A_432 : memref<128x16xf32, #tpu.memory_space<vmem>>)
      %dma_wait3A_439 = arith.constant 1 : i32
      %dma_wait3A_440 = arith.constant 1 : i32
      %dma_wait3A_441 = arith.constant 0 : i32
      %dma_wait3A_442 = arith.constant 1 : i32
      %dma_wait3A_443 = arith.constant 1 : i32
      %dma_wait3A_444 = arith.constant 0 : i32
      %dma_wait3A_445 = arith.constant 0 : i32
      %dma_wait3A_446 = tpu.memref_slice %arg7[%dma_wait3A_442, %dma_wait3A_443, %dma_wait3A_444, %dma_wait3A_445] : memref<2x2x512x16xf32, #tpu.memory_space<vmem>> -> memref<1x1x128x16xf32, #tpu.memory_space<vmem>>
      %dma_wait3A_447 = tpu.memref_squeeze %dma_wait3A_446 : memref<1x1x128x16xf32, #tpu.memory_space<vmem>> -> memref<128x16xf32, #tpu.memory_space<vmem>>
      %dma_wait3A_448 = arith.constant 0 : i32
      %dma_wait3A_449 = tpu.memref_slice %arg6[%dma_wait3A_439, %dma_wait3A_440, %dma_wait3A_441, %dma_wait3A_448] : memref<2x2x4x128xi32, #tpu.memory_space<vmem>> -> memref<1x1x1x128xi32, #tpu.memory_space<vmem>>
      %dma_wait3A_450 = tpu.memref_squeeze %dma_wait3A_449 : memref<1x1x1x128xi32, #tpu.memory_space<vmem>> -> memref<128xi32, #tpu.memory_space<vmem>>
      %dma_wait3A_451 = arith.constant 0 : i32
      %dma_wait3A_452 = arith.constant 0 : i32
      %dma_wait3A_453 = tpu.memref_slice %arg9[%dma_wait3A_451, %dma_wait3A_452] : memref<60000x16xf32, #tpu.memory_space<vmem_shared>> -> memref<60000x16xf32, #tpu.memory_space<vmem_shared>>
      tpu.wait_indirect_dma semaphore(%arg13 : memref<!tpu.dma_semaphore, #tpu.memory_space<semaphore_mem>>) src(%dma_wait3A_453 : memref<60000x16xf32, #tpu.memory_space<vmem_shared>>) dst(%dma_wait3A_447 : memref<128x16xf32, #tpu.memory_space<vmem>>)
      %dma_wait3A_454 = arith.constant 1 : i32
      %dma_wait3A_455 = arith.constant 0 : i32
      %dma_wait3A_456 = arith.constant 1 : i32
      %dma_wait3A_457 = arith.constant 1 : i32
      %dma_wait3A_458 = arith.constant 0 : i32
      %dma_wait3A_459 = arith.constant 128 : i32
      %dma_wait3A_460 = arith.constant 0 : i32
      %dma_wait3A_461 = tpu.memref_slice %arg7[%dma_wait3A_457, %dma_wait3A_458, %dma_wait3A_459, %dma_wait3A_460] : memref<2x2x512x16xf32, #tpu.memory_space<vmem>> -> memref<1x1x128x16xf32, #tpu.memory_space<vmem>>
      %dma_wait3A_462 = tpu.memref_squeeze %dma_wait3A_461 : memref<1x1x128x16xf32, #tpu.memory_space<vmem>> -> memref<128x16xf32, #tpu.memory_space<vmem>>
      %dma_wait3A_463 = arith.constant 0 : i32
      %dma_wait3A_464 = tpu.memref_slice %arg6[%dma_wait3A_454, %dma_wait3A_455, %dma_wait3A_456, %dma_wait3A_463] : memref<2x2x4x128xi32, #tpu.memory_space<vmem>> -> memref<1x1x1x128xi32, #tpu.memory_space<vmem>>
      %dma_wait3A_465 = tpu.memref_squeeze %dma_wait3A_464 : memref<1x1x1x128xi32, #tpu.memory_space<vmem>> -> memref<128xi32, #tpu.memory_space<vmem>>
      %dma_wait3A_466 = arith.constant 0 : i32
      %dma_wait3A_467 = arith.constant 0 : i32
      %dma_wait3A_468 = tpu.memref_slice %arg9[%dma_wait3A_466, %dma_wait3A_467] : memref<60000x16xf32, #tpu.memory_space<vmem_shared>> -> memref<60000x16xf32, #tpu.memory_space<vmem_shared>>
      tpu.wait_indirect_dma semaphore(%arg12 : memref<!tpu.dma_semaphore, #tpu.memory_space<semaphore_mem>>) src(%dma_wait3A_468 : memref<60000x16xf32, #tpu.memory_space<vmem_shared>>) dst(%dma_wait3A_462 : memref<128x16xf32, #tpu.memory_space<vmem>>)
      %dma_wait3A_469 = arith.constant 1 : i32
      %dma_wait3A_470 = arith.constant 1 : i32
      %dma_wait3A_471 = arith.constant 1 : i32
      %dma_wait3A_472 = arith.constant 1 : i32
      %dma_wait3A_473 = arith.constant 1 : i32
      %dma_wait3A_474 = arith.constant 128 : i32
      %dma_wait3A_475 = arith.constant 0 : i32
      %dma_wait3A_476 = tpu.memref_slice %arg7[%dma_wait3A_472, %dma_wait3A_473, %dma_wait3A_474, %dma_wait3A_475] : memref<2x2x512x16xf32, #tpu.memory_space<vmem>> -> memref<1x1x128x16xf32, #tpu.memory_space<vmem>>
      %dma_wait3A_477 = tpu.memref_squeeze %dma_wait3A_476 : memref<1x1x128x16xf32, #tpu.memory_space<vmem>> -> memref<128x16xf32, #tpu.memory_space<vmem>>
      %dma_wait3A_478 = arith.constant 0 : i32
      %dma_wait3A_479 = tpu.memref_slice %arg6[%dma_wait3A_469, %dma_wait3A_470, %dma_wait3A_471, %dma_wait3A_478] : memref<2x2x4x128xi32, #tpu.memory_space<vmem>> -> memref<1x1x1x128xi32, #tpu.memory_space<vmem>>
      %dma_wait3A_480 = tpu.memref_squeeze %dma_wait3A_479 : memref<1x1x1x128xi32, #tpu.memory_space<vmem>> -> memref<128xi32, #tpu.memory_space<vmem>>
      %dma_wait3A_481 = arith.constant 0 : i32
      %dma_wait3A_482 = arith.constant 0 : i32
      %dma_wait3A_483 = tpu.memref_slice %arg9[%dma_wait3A_481, %dma_wait3A_482] : memref<60000x16xf32, #tpu.memory_space<vmem_shared>> -> memref<60000x16xf32, #tpu.memory_space<vmem_shared>>
      tpu.wait_indirect_dma semaphore(%arg13 : memref<!tpu.dma_semaphore, #tpu.memory_space<semaphore_mem>>) src(%dma_wait3A_483 : memref<60000x16xf32, #tpu.memory_space<vmem_shared>>) dst(%dma_wait3A_477 : memref<128x16xf32, #tpu.memory_space<vmem>>)
      %dma_wait3A_484 = arith.constant 1 : i32
      %dma_wait3A_485 = arith.constant 0 : i32
      %dma_wait3A_486 = arith.constant 2 : i32
      %dma_wait3A_487 = arith.constant 1 : i32
      %dma_wait3A_488 = arith.constant 0 : i32
      %dma_wait3A_489 = arith.constant 256 : i32
      %dma_wait3A_490 = arith.constant 0 : i32
      %dma_wait3A_491 = tpu.memref_slice %arg7[%dma_wait3A_487, %dma_wait3A_488, %dma_wait3A_489, %dma_wait3A_490] : memref<2x2x512x16xf32, #tpu.memory_space<vmem>> -> memref<1x1x128x16xf32, #tpu.memory_space<vmem>>
      %dma_wait3A_492 = tpu.memref_squeeze %dma_wait3A_491 : memref<1x1x128x16xf32, #tpu.memory_space<vmem>> -> memref<128x16xf32, #tpu.memory_space<vmem>>
      %dma_wait3A_493 = arith.constant 0 : i32
      %dma_wait3A_494 = tpu.memref_slice %arg6[%dma_wait3A_484, %dma_wait3A_485, %dma_wait3A_486, %dma_wait3A_493] : memref<2x2x4x128xi32, #tpu.memory_space<vmem>> -> memref<1x1x1x128xi32, #tpu.memory_space<vmem>>
      %dma_wait3A_495 = tpu.memref_squeeze %dma_wait3A_494 : memref<1x1x1x128xi32, #tpu.memory_space<vmem>> -> memref<128xi32, #tpu.memory_space<vmem>>
      %dma_wait3A_496 = arith.constant 0 : i32
      %dma_wait3A_497 = arith.constant 0 : i32
      %dma_wait3A_498 = tpu.memref_slice %arg9[%dma_wait3A_496, %dma_wait3A_497] : memref<60000x16xf32, #tpu.memory_space<vmem_shared>> -> memref<60000x16xf32, #tpu.memory_space<vmem_shared>>
      tpu.wait_indirect_dma semaphore(%arg12 : memref<!tpu.dma_semaphore, #tpu.memory_space<semaphore_mem>>) src(%dma_wait3A_498 : memref<60000x16xf32, #tpu.memory_space<vmem_shared>>) dst(%dma_wait3A_492 : memref<128x16xf32, #tpu.memory_space<vmem>>)
      %dma_wait3A_499 = arith.constant 1 : i32
      %dma_wait3A_500 = arith.constant 1 : i32
      %dma_wait3A_501 = arith.constant 2 : i32
      %dma_wait3A_502 = arith.constant 1 : i32
      %dma_wait3A_503 = arith.constant 1 : i32
      %dma_wait3A_504 = arith.constant 256 : i32
      %dma_wait3A_505 = arith.constant 0 : i32
      %dma_wait3A_506 = tpu.memref_slice %arg7[%dma_wait3A_502, %dma_wait3A_503, %dma_wait3A_504, %dma_wait3A_505] : memref<2x2x512x16xf32, #tpu.memory_space<vmem>> -> memref<1x1x128x16xf32, #tpu.memory_space<vmem>>
      %dma_wait3A_507 = tpu.memref_squeeze %dma_wait3A_506 : memref<1x1x128x16xf32, #tpu.memory_space<vmem>> -> memref<128x16xf32, #tpu.memory_space<vmem>>
      %dma_wait3A_508 = arith.constant 0 : i32
      %dma_wait3A_509 = tpu.memref_slice %arg6[%dma_wait3A_499, %dma_wait3A_500, %dma_wait3A_501, %dma_wait3A_508] : memref<2x2x4x128xi32, #tpu.memory_space<vmem>> -> memref<1x1x1x128xi32, #tpu.memory_space<vmem>>
      %dma_wait3A_510 = tpu.memref_squeeze %dma_wait3A_509 : memref<1x1x1x128xi32, #tpu.memory_space<vmem>> -> memref<128xi32, #tpu.memory_space<vmem>>
      %dma_wait3A_511 = arith.constant 0 : i32
      %dma_wait3A_512 = arith.constant 0 : i32
      %dma_wait3A_513 = tpu.memref_slice %arg9[%dma_wait3A_511, %dma_wait3A_512] : memref<60000x16xf32, #tpu.memory_space<vmem_shared>> -> memref<60000x16xf32, #tpu.memory_space<vmem_shared>>
      tpu.wait_indirect_dma semaphore(%arg13 : memref<!tpu.dma_semaphore, #tpu.memory_space<semaphore_mem>>) src(%dma_wait3A_513 : memref<60000x16xf32, #tpu.memory_space<vmem_shared>>) dst(%dma_wait3A_507 : memref<128x16xf32, #tpu.memory_space<vmem>>)
      %dma_wait3A_514 = arith.constant 1 : i32
      %dma_wait3A_515 = arith.constant 0 : i32
      %dma_wait3A_516 = arith.constant 3 : i32
      %dma_wait3A_517 = arith.constant 1 : i32
      %dma_wait3A_518 = arith.constant 0 : i32
      %dma_wait3A_519 = arith.constant 384 : i32
      %dma_wait3A_520 = arith.constant 0 : i32
      %dma_wait3A_521 = tpu.memref_slice %arg7[%dma_wait3A_517, %dma_wait3A_518, %dma_wait3A_519, %dma_wait3A_520] : memref<2x2x512x16xf32, #tpu.memory_space<vmem>> -> memref<1x1x128x16xf32, #tpu.memory_space<vmem>>
      %dma_wait3A_522 = tpu.memref_squeeze %dma_wait3A_521 : memref<1x1x128x16xf32, #tpu.memory_space<vmem>> -> memref<128x16xf32, #tpu.memory_space<vmem>>
      %dma_wait3A_523 = arith.constant 0 : i32
      %dma_wait3A_524 = tpu.memref_slice %arg6[%dma_wait3A_514, %dma_wait3A_515, %dma_wait3A_516, %dma_wait3A_523] : memref<2x2x4x128xi32, #tpu.memory_space<vmem>> -> memref<1x1x1x128xi32, #tpu.memory_space<vmem>>
      %dma_wait3A_525 = tpu.memref_squeeze %dma_wait3A_524 : memref<1x1x1x128xi32, #tpu.memory_space<vmem>> -> memref<128xi32, #tpu.memory_space<vmem>>
      %dma_wait3A_526 = arith.constant 0 : i32
      %dma_wait3A_527 = arith.constant 0 : i32
      %dma_wait3A_528 = tpu.memref_slice %arg9[%dma_wait3A_526, %dma_wait3A_527] : memref<60000x16xf32, #tpu.memory_space<vmem_shared>> -> memref<60000x16xf32, #tpu.memory_space<vmem_shared>>
      tpu.wait_indirect_dma semaphore(%arg12 : memref<!tpu.dma_semaphore, #tpu.memory_space<semaphore_mem>>) src(%dma_wait3A_528 : memref<60000x16xf32, #tpu.memory_space<vmem_shared>>) dst(%dma_wait3A_522 : memref<128x16xf32, #tpu.memory_space<vmem>>)
      %dma_wait3A_529 = arith.constant 1 : i32
      %dma_wait3A_530 = arith.constant 1 : i32
      %dma_wait3A_531 = arith.constant 3 : i32
      %dma_wait3A_532 = arith.constant 1 : i32
      %dma_wait3A_533 = arith.constant 1 : i32
      %dma_wait3A_534 = arith.constant 384 : i32
      %dma_wait3A_535 = arith.constant 0 : i32
      %dma_wait3A_536 = tpu.memref_slice %arg7[%dma_wait3A_532, %dma_wait3A_533, %dma_wait3A_534, %dma_wait3A_535] : memref<2x2x512x16xf32, #tpu.memory_space<vmem>> -> memref<1x1x128x16xf32, #tpu.memory_space<vmem>>
      %dma_wait3A_537 = tpu.memref_squeeze %dma_wait3A_536 : memref<1x1x128x16xf32, #tpu.memory_space<vmem>> -> memref<128x16xf32, #tpu.memory_space<vmem>>
      %dma_wait3A_538 = arith.constant 0 : i32
      %dma_wait3A_539 = tpu.memref_slice %arg6[%dma_wait3A_529, %dma_wait3A_530, %dma_wait3A_531, %dma_wait3A_538] : memref<2x2x4x128xi32, #tpu.memory_space<vmem>> -> memref<1x1x1x128xi32, #tpu.memory_space<vmem>>
      %dma_wait3A_540 = tpu.memref_squeeze %dma_wait3A_539 : memref<1x1x1x128xi32, #tpu.memory_space<vmem>> -> memref<128xi32, #tpu.memory_space<vmem>>
      %dma_wait3A_541 = arith.constant 0 : i32
      %dma_wait3A_542 = arith.constant 0 : i32
      %dma_wait3A_543 = tpu.memref_slice %arg9[%dma_wait3A_541, %dma_wait3A_542] : memref<60000x16xf32, #tpu.memory_space<vmem_shared>> -> memref<60000x16xf32, #tpu.memory_space<vmem_shared>>
      tpu.wait_indirect_dma semaphore(%arg13 : memref<!tpu.dma_semaphore, #tpu.memory_space<semaphore_mem>>) src(%dma_wait3A_543 : memref<60000x16xf32, #tpu.memory_space<vmem_shared>>) dst(%dma_wait3A_537 : memref<128x16xf32, #tpu.memory_space<vmem>>)
      %scan3A_544 = arith.constant 0 : i32
      %scan3A_545 = arith.constant 64 : i32
      %scan3A_546 = arith.addi %scan3A_544, %scan3A_545 : i32
      %scan3A_547 = arith.constant 1 : i32
      scf.for %scan3A_579 = %scan3A_544 to %scan3A_546 step %scan3A_547  : i32 {
        %mul3A_580 = arith.constant 1 : i32
        %mul3A_581 = arith.muli %scan3A_579, %mul3A_580 : i32
        %add3A_582 = arith.constant 0 : i32
        %add3A_583 = arith.addi %add3A_582, %mul3A_581 : i32
        %mul3A_584 = arith.constant 8 : i32
        %mul3A_585 = arith.muli %add3A_583, %mul3A_584 : i32
        %add3A_586 = arith.constant 0 : i32
        %add3A_587 = arith.addi %mul3A_585, %add3A_586 : i32
        %get3A = arith.constant 1 : i32
        %get3A_588 = arith.constant 0 : i32
        %get3A_589 = arith.index_cast %get3A : i32 to index
        %get3A_590 = arith.index_cast %get3A_588 : i32 to index
        %get3A_591 = arith.index_cast %add3A_587 : i32 to index
        %get3A_592 = arith.constant 0 : index
        %get3A_593 = tpu.vector_load %arg7[%get3A_589, %get3A_590, %get3A_591, %get3A_592] {strides = array<i32>} : memref<2x2x512x16xf32, #tpu.memory_space<vmem>>, vector<1x1x1x16xf32>,
        %get3A_594 = vector.shape_cast %get3A_593 : vector<1x1x1x16xf32> to vector<16xf32>
        %get3A_595 = arith.constant 1 : i32
        %get3A_596 = arith.constant 1 : i32
        %get3A_597 = arith.index_cast %get3A_595 : i32 to index
        %get3A_598 = arith.index_cast %get3A_596 : i32 to index
        %get3A_599 = arith.index_cast %add3A_587 : i32 to index
        %get3A_600 = arith.constant 0 : index
        %get3A_601 = tpu.vector_load %arg7[%get3A_597, %get3A_598, %get3A_599, %get3A_600] {strides = array<i32>} : memref<2x2x512x16xf32, #tpu.memory_space<vmem>>, vector<1x1x1x16xf32>,
        %get3A_602 = vector.shape_cast %get3A_601 : vector<1x1x1x16xf32> to vector<16xf32>
        %add3A_603 = arith.addf %get3A_594, %get3A_602 : vector<16xf32>
        %swap3A = arith.constant 1 : i32
        %swap3A_604 = arith.index_cast %swap3A : i32 to index
        %swap3A_605 = arith.index_cast %add3A_583 : i32 to index
        %swap3A_606 = arith.constant 0 : index
        %swap3A_607 = tpu.vector_load %arg8[%swap3A_604, %swap3A_605, %swap3A_606] {strides = array<i32>} : memref<2x64x128xf32, #tpu.memory_space<vmem>>, vector<1x1x16xf32>,
        %swap3A_608 = vector.shape_cast %swap3A_607 : vector<1x1x16xf32> to vector<16xf32>
        %swap3A_609 = vector.shape_cast %add3A_603 : vector<16xf32> to vector<1x1x16xf32>
        tpu.vector_store %arg8[%swap3A_604, %swap3A_605, %swap3A_606], %swap3A_609 {strides = array<i32>} : memref<2x64x128xf32, #tpu.memory_space<vmem>>, vector<1x1x16xf32>,
        %mul3A_610 = arith.constant 8 : i32
        %mul3A_611 = arith.muli %add3A_583, %mul3A_610 : i32
        %add3A_612 = arith.constant 1 : i32
        %add3A_613 = arith.addi %mul3A_611, %add3A_612 : i32
        %get3A_614 = arith.constant 1 : i32
        %get3A_615 = arith.constant 0 : i32
        %get3A_616 = arith.index_cast %get3A_614 : i32 to index
        %get3A_617 = arith.index_cast %get3A_615 : i32 to index
        %get3A_618 = arith.index_cast %add3A_613 : i32 to index
        %get3A_619 = arith.constant 0 : index
        %get3A_620 = tpu.vector_load %arg7[%get3A_616, %get3A_617, %get3A_618, %get3A_619] {strides = array<i32>} : memref<2x2x512x16xf32, #tpu.memory_space<vmem>>, vector<1x1x1x16xf32>,
        %get3A_621 = vector.shape_cast %get3A_620 : vector<1x1x1x16xf32> to vector<16xf32>
        %get3A_622 = arith.constant 1 : i32
        %get3A_623 = arith.constant 1 : i32
        %get3A_624 = arith.index_cast %get3A_622 : i32 to index
        %get3A_625 = arith.index_cast %get3A_623 : i32 to index
        %get3A_626 = arith.index_cast %add3A_613 : i32 to index
        %get3A_627 = arith.constant 0 : index
        %get3A_628 = tpu.vector_load %arg7[%get3A_624, %get3A_625, %get3A_626, %get3A_627] {strides = array<i32>} : memref<2x2x512x16xf32, #tpu.memory_space<vmem>>, vector<1x1x1x16xf32>,
        %get3A_629 = vector.shape_cast %get3A_628 : vector<1x1x1x16xf32> to vector<16xf32>
        %add3A_630 = arith.addf %get3A_621, %get3A_629 : vector<16xf32>
        %swap3A_631 = arith.constant 1 : i32
        %swap3A_632 = arith.index_cast %swap3A_631 : i32 to index
        %swap3A_633 = arith.index_cast %add3A_583 : i32 to index
        %swap3A_634 = arith.constant 16 : index
        %swap3A_635 = tpu.vector_load %arg8[%swap3A_632, %swap3A_633, %swap3A_634] {strides = array<i32>} : memref<2x64x128xf32, #tpu.memory_space<vmem>>, vector<1x1x16xf32>,
        %swap3A_636 = vector.shape_cast %swap3A_635 : vector<1x1x16xf32> to vector<16xf32>
        %swap3A_637 = vector.shape_cast %add3A_630 : vector<16xf32> to vector<1x1x16xf32>
        tpu.vector_store %arg8[%swap3A_632, %swap3A_633, %swap3A_634], %swap3A_637 {strides = array<i32>} : memref<2x64x128xf32, #tpu.memory_space<vmem>>, vector<1x1x16xf32>,
        %mul3A_638 = arith.constant 8 : i32
        %mul3A_639 = arith.muli %add3A_583, %mul3A_638 : i32
        %add3A_640 = arith.constant 2 : i32
        %add3A_641 = arith.addi %mul3A_639, %add3A_640 : i32
        %get3A_642 = arith.constant 1 : i32
        %get3A_643 = arith.constant 0 : i32
        %get3A_644 = arith.index_cast %get3A_642 : i32 to index
        %get3A_645 = arith.index_cast %get3A_643 : i32 to index
        %get3A_646 = arith.index_cast %add3A_641 : i32 to index
        %get3A_647 = arith.constant 0 : index
        %get3A_648 = tpu.vector_load %arg7[%get3A_644, %get3A_645, %get3A_646, %get3A_647] {strides = array<i32>} : memref<2x2x512x16xf32, #tpu.memory_space<vmem>>, vector<1x1x1x16xf32>,
        %get3A_649 = vector.shape_cast %get3A_648 : vector<1x1x1x16xf32> to vector<16xf32>
        %get3A_650 = arith.constant 1 : i32
        %get3A_651 = arith.constant 1 : i32
        %get3A_652 = arith.index_cast %get3A_650 : i32 to index
        %get3A_653 = arith.index_cast %get3A_651 : i32 to index
        %get3A_654 = arith.index_cast %add3A_641 : i32 to index
        %get3A_655 = arith.constant 0 : index
        %get3A_656 = tpu.vector_load %arg7[%get3A_652, %get3A_653, %get3A_654, %get3A_655] {strides = array<i32>} : memref<2x2x512x16xf32, #tpu.memory_space<vmem>>, vector<1x1x1x16xf32>,
        %get3A_657 = vector.shape_cast %get3A_656 : vector<1x1x1x16xf32> to vector<16xf32>
        %add3A_658 = arith.addf %get3A_649, %get3A_657 : vector<16xf32>
        %swap3A_659 = arith.constant 1 : i32
        %swap3A_660 = arith.index_cast %swap3A_659 : i32 to index
        %swap3A_661 = arith.index_cast %add3A_583 : i32 to index
        %swap3A_662 = arith.constant 32 : index
        %swap3A_663 = tpu.vector_load %arg8[%swap3A_660, %swap3A_661, %swap3A_662] {strides = array<i32>} : memref<2x64x128xf32, #tpu.memory_space<vmem>>, vector<1x1x16xf32>,
        %swap3A_664 = vector.shape_cast %swap3A_663 : vector<1x1x16xf32> to vector<16xf32>
        %swap3A_665 = vector.shape_cast %add3A_658 : vector<16xf32> to vector<1x1x16xf32>
        tpu.vector_store %arg8[%swap3A_660, %swap3A_661, %swap3A_662], %swap3A_665 {strides = array<i32>} : memref<2x64x128xf32, #tpu.memory_space<vmem>>, vector<1x1x16xf32>,
        %mul3A_666 = arith.constant 8 : i32
        %mul3A_667 = arith.muli %add3A_583, %mul3A_666 : i32
        %add3A_668 = arith.constant 3 : i32
        %add3A_669 = arith.addi %mul3A_667, %add3A_668 : i32
        %get3A_670 = arith.constant 1 : i32
        %get3A_671 = arith.constant 0 : i32
        %get3A_672 = arith.index_cast %get3A_670 : i32 to index
        %get3A_673 = arith.index_cast %get3A_671 : i32 to index
        %get3A_674 = arith.index_cast %add3A_669 : i32 to index
        %get3A_675 = arith.constant 0 : index
        %get3A_676 = tpu.vector_load %arg7[%get3A_672, %get3A_673, %get3A_674, %get3A_675] {strides = array<i32>} : memref<2x2x512x16xf32, #tpu.memory_space<vmem>>, vector<1x1x1x16xf32>,
        %get3A_677 = vector.shape_cast %get3A_676 : vector<1x1x1x16xf32> to vector<16xf32>
        %get3A_678 = arith.constant 1 : i32
        %get3A_679 = arith.constant 1 : i32
        %get3A_680 = arith.index_cast %get3A_678 : i32 to index
        %get3A_681 = arith.index_cast %get3A_679 : i32 to index
        %get3A_682 = arith.index_cast %add3A_669 : i32 to index
        %get3A_683 = arith.constant 0 : index
        %get3A_684 = tpu.vector_load %arg7[%get3A_680, %get3A_681, %get3A_682, %get3A_683] {strides = array<i32>} : memref<2x2x512x16xf32, #tpu.memory_space<vmem>>, vector<1x1x1x16xf32>,
        %get3A_685 = vector.shape_cast %get3A_684 : vector<1x1x1x16xf32> to vector<16xf32>
        %add3A_686 = arith.addf %get3A_677, %get3A_685 : vector<16xf32>
        %swap3A_687 = arith.constant 1 : i32
        %swap3A_688 = arith.index_cast %swap3A_687 : i32 to index
        %swap3A_689 = arith.index_cast %add3A_583 : i32 to index
        %swap3A_690 = arith.constant 48 : index
        %swap3A_691 = tpu.vector_load %arg8[%swap3A_688, %swap3A_689, %swap3A_690] {strides = array<i32>} : memref<2x64x128xf32, #tpu.memory_space<vmem>>, vector<1x1x16xf32>,
        %swap3A_692 = vector.shape_cast %swap3A_691 : vector<1x1x16xf32> to vector<16xf32>
        %swap3A_693 = vector.shape_cast %add3A_686 : vector<16xf32> to vector<1x1x16xf32>
        tpu.vector_store %arg8[%swap3A_688, %swap3A_689, %swap3A_690], %swap3A_693 {strides = array<i32>} : memref<2x64x128xf32, #tpu.memory_space<vmem>>, vector<1x1x16xf32>,
        %mul3A_694 = arith.constant 8 : i32
        %mul3A_695 = arith.muli %add3A_583, %mul3A_694 : i32
        %add3A_696 = arith.constant 4 : i32
        %add3A_697 = arith.addi %mul3A_695, %add3A_696 : i32
        %get3A_698 = arith.constant 1 : i32
        %get3A_699 = arith.constant 0 : i32
        %get3A_700 = arith.index_cast %get3A_698 : i32 to index
        %get3A_701 = arith.index_cast %get3A_699 : i32 to index
        %get3A_702 = arith.index_cast %add3A_697 : i32 to index
        %get3A_703 = arith.constant 0 : index
        %get3A_704 = tpu.vector_load %arg7[%get3A_700, %get3A_701, %get3A_702, %get3A_703] {strides = array<i32>} : memref<2x2x512x16xf32, #tpu.memory_space<vmem>>, vector<1x1x1x16xf32>,
        %get3A_705 = vector.shape_cast %get3A_704 : vector<1x1x1x16xf32> to vector<16xf32>
        %get3A_706 = arith.constant 1 : i32
        %get3A_707 = arith.constant 1 : i32
        %get3A_708 = arith.index_cast %get3A_706 : i32 to index
        %get3A_709 = arith.index_cast %get3A_707 : i32 to index
        %get3A_710 = arith.index_cast %add3A_697 : i32 to index
        %get3A_711 = arith.constant 0 : index
        %get3A_712 = tpu.vector_load %arg7[%get3A_708, %get3A_709, %get3A_710, %get3A_711] {strides = array<i32>} : memref<2x2x512x16xf32, #tpu.memory_space<vmem>>, vector<1x1x1x16xf32>,
        %get3A_713 = vector.shape_cast %get3A_712 : vector<1x1x1x16xf32> to vector<16xf32>
        %add3A_714 = arith.addf %get3A_705, %get3A_713 : vector<16xf32>
        %swap3A_715 = arith.constant 1 : i32
        %swap3A_716 = arith.index_cast %swap3A_715 : i32 to index
        %swap3A_717 = arith.index_cast %add3A_583 : i32 to index
        %swap3A_718 = arith.constant 64 : index
        %swap3A_719 = tpu.vector_load %arg8[%swap3A_716, %swap3A_717, %swap3A_718] {strides = array<i32>} : memref<2x64x128xf32, #tpu.memory_space<vmem>>, vector<1x1x16xf32>,
        %swap3A_720 = vector.shape_cast %swap3A_719 : vector<1x1x16xf32> to vector<16xf32>
        %swap3A_721 = vector.shape_cast %add3A_714 : vector<16xf32> to vector<1x1x16xf32>
        tpu.vector_store %arg8[%swap3A_716, %swap3A_717, %swap3A_718], %swap3A_721 {strides = array<i32>} : memref<2x64x128xf32, #tpu.memory_space<vmem>>, vector<1x1x16xf32>,
        %mul3A_722 = arith.constant 8 : i32
        %mul3A_723 = arith.muli %add3A_583, %mul3A_722 : i32
        %add3A_724 = arith.constant 5 : i32
        %add3A_725 = arith.addi %mul3A_723, %add3A_724 : i32
        %get3A_726 = arith.constant 1 : i32
        %get3A_727 = arith.constant 0 : i32
        %get3A_728 = arith.index_cast %get3A_726 : i32 to index
        %get3A_729 = arith.index_cast %get3A_727 : i32 to index
        %get3A_730 = arith.index_cast %add3A_725 : i32 to index
        %get3A_731 = arith.constant 0 : index
        %get3A_732 = tpu.vector_load %arg7[%get3A_728, %get3A_729, %get3A_730, %get3A_731] {strides = array<i32>} : memref<2x2x512x16xf32, #tpu.memory_space<vmem>>, vector<1x1x1x16xf32>,
        %get3A_733 = vector.shape_cast %get3A_732 : vector<1x1x1x16xf32> to vector<16xf32>
        %get3A_734 = arith.constant 1 : i32
        %get3A_735 = arith.constant 1 : i32
        %get3A_736 = arith.index_cast %get3A_734 : i32 to index
        %get3A_737 = arith.index_cast %get3A_735 : i32 to index
        %get3A_738 = arith.index_cast %add3A_725 : i32 to index
        %get3A_739 = arith.constant 0 : index
        %get3A_740 = tpu.vector_load %arg7[%get3A_736, %get3A_737, %get3A_738, %get3A_739] {strides = array<i32>} : memref<2x2x512x16xf32, #tpu.memory_space<vmem>>, vector<1x1x1x16xf32>,
        %get3A_741 = vector.shape_cast %get3A_740 : vector<1x1x1x16xf32> to vector<16xf32>
        %add3A_742 = arith.addf %get3A_733, %get3A_741 : vector<16xf32>
        %swap3A_743 = arith.constant 1 : i32
        %swap3A_744 = arith.index_cast %swap3A_743 : i32 to index
        %swap3A_745 = arith.index_cast %add3A_583 : i32 to index
        %swap3A_746 = arith.constant 80 : index
        %swap3A_747 = tpu.vector_load %arg8[%swap3A_744, %swap3A_745, %swap3A_746] {strides = array<i32>} : memref<2x64x128xf32, #tpu.memory_space<vmem>>, vector<1x1x16xf32>,
        %swap3A_748 = vector.shape_cast %swap3A_747 : vector<1x1x16xf32> to vector<16xf32>
        %swap3A_749 = vector.shape_cast %add3A_742 : vector<16xf32> to vector<1x1x16xf32>
        tpu.vector_store %arg8[%swap3A_744, %swap3A_745, %swap3A_746], %swap3A_749 {strides = array<i32>} : memref<2x64x128xf32, #tpu.memory_space<vmem>>, vector<1x1x16xf32>,
        %mul3A_750 = arith.constant 8 : i32
        %mul3A_751 = arith.muli %add3A_583, %mul3A_750 : i32
        %add3A_752 = arith.constant 6 : i32
        %add3A_753 = arith.addi %mul3A_751, %add3A_752 : i32
        %get3A_754 = arith.constant 1 : i32
        %get3A_755 = arith.constant 0 : i32
        %get3A_756 = arith.index_cast %get3A_754 : i32 to index
        %get3A_757 = arith.index_cast %get3A_755 : i32 to index
        %get3A_758 = arith.index_cast %add3A_753 : i32 to index
        %get3A_759 = arith.constant 0 : index
        %get3A_760 = tpu.vector_load %arg7[%get3A_756, %get3A_757, %get3A_758, %get3A_759] {strides = array<i32>} : memref<2x2x512x16xf32, #tpu.memory_space<vmem>>, vector<1x1x1x16xf32>,
        %get3A_761 = vector.shape_cast %get3A_760 : vector<1x1x1x16xf32> to vector<16xf32>
        %get3A_762 = arith.constant 1 : i32
        %get3A_763 = arith.constant 1 : i32
        %get3A_764 = arith.index_cast %get3A_762 : i32 to index
        %get3A_765 = arith.index_cast %get3A_763 : i32 to index
        %get3A_766 = arith.index_cast %add3A_753 : i32 to index
        %get3A_767 = arith.constant 0 : index
        %get3A_768 = tpu.vector_load %arg7[%get3A_764, %get3A_765, %get3A_766, %get3A_767] {strides = array<i32>} : memref<2x2x512x16xf32, #tpu.memory_space<vmem>>, vector<1x1x1x16xf32>,
        %get3A_769 = vector.shape_cast %get3A_768 : vector<1x1x1x16xf32> to vector<16xf32>
        %add3A_770 = arith.addf %get3A_761, %get3A_769 : vector<16xf32>
        %swap3A_771 = arith.constant 1 : i32
        %swap3A_772 = arith.index_cast %swap3A_771 : i32 to index
        %swap3A_773 = arith.index_cast %add3A_583 : i32 to index
        %swap3A_774 = arith.constant 96 : index
        %swap3A_775 = tpu.vector_load %arg8[%swap3A_772, %swap3A_773, %swap3A_774] {strides = array<i32>} : memref<2x64x128xf32, #tpu.memory_space<vmem>>, vector<1x1x16xf32>,
        %swap3A_776 = vector.shape_cast %swap3A_775 : vector<1x1x16xf32> to vector<16xf32>
        %swap3A_777 = vector.shape_cast %add3A_770 : vector<16xf32> to vector<1x1x16xf32>
        tpu.vector_store %arg8[%swap3A_772, %swap3A_773, %swap3A_774], %swap3A_777 {strides = array<i32>} : memref<2x64x128xf32, #tpu.memory_space<vmem>>, vector<1x1x16xf32>,
        %mul3A_778 = arith.constant 8 : i32
        %mul3A_779 = arith.muli %add3A_583, %mul3A_778 : i32
        %add3A_780 = arith.constant 7 : i32
        %add3A_781 = arith.addi %mul3A_779, %add3A_780 : i32
        %get3A_782 = arith.constant 1 : i32
        %get3A_783 = arith.constant 0 : i32
        %get3A_784 = arith.index_cast %get3A_782 : i32 to index
        %get3A_785 = arith.index_cast %get3A_783 : i32 to index
        %get3A_786 = arith.index_cast %add3A_781 : i32 to index
        %get3A_787 = arith.constant 0 : index
        %get3A_788 = tpu.vector_load %arg7[%get3A_784, %get3A_785, %get3A_786, %get3A_787] {strides = array<i32>} : memref<2x2x512x16xf32, #tpu.memory_space<vmem>>, vector<1x1x1x16xf32>,
        %get3A_789 = vector.shape_cast %get3A_788 : vector<1x1x1x16xf32> to vector<16xf32>
        %get3A_790 = arith.constant 1 : i32
        %get3A_791 = arith.constant 1 : i32
        %get3A_792 = arith.index_cast %get3A_790 : i32 to index
        %get3A_793 = arith.index_cast %get3A_791 : i32 to index
        %get3A_794 = arith.index_cast %add3A_781 : i32 to index
        %get3A_795 = arith.constant 0 : index
        %get3A_796 = tpu.vector_load %arg7[%get3A_792, %get3A_793, %get3A_794, %get3A_795] {strides = array<i32>} : memref<2x2x512x16xf32, #tpu.memory_space<vmem>>, vector<1x1x1x16xf32>,
        %get3A_797 = vector.shape_cast %get3A_796 : vector<1x1x1x16xf32> to vector<16xf32>
        %add3A_798 = arith.addf %get3A_789, %get3A_797 : vector<16xf32>
        %swap3A_799 = arith.constant 1 : i32
        %swap3A_800 = arith.index_cast %swap3A_799 : i32 to index
        %swap3A_801 = arith.index_cast %add3A_583 : i32 to index
        %swap3A_802 = arith.constant 112 : index
        %swap3A_803 = tpu.vector_load %arg8[%swap3A_800, %swap3A_801, %swap3A_802] {strides = array<i32>} : memref<2x64x128xf32, #tpu.memory_space<vmem>>, vector<1x1x16xf32>,
        %swap3A_804 = vector.shape_cast %swap3A_803 : vector<1x1x16xf32> to vector<16xf32>
        %swap3A_805 = vector.shape_cast %add3A_798 : vector<16xf32> to vector<1x1x16xf32>
        tpu.vector_store %arg8[%swap3A_800, %swap3A_801, %swap3A_802], %swap3A_805 {strides = array<i32>} : memref<2x64x128xf32, #tpu.memory_space<vmem>>, vector<1x1x16xf32>,
      }
      %scan3A_548 = arith.constant 64 : i32
      %add3A_549 = arith.constant 1 : i32
      %add3A_550 = arith.addi %add3A_141, %add3A_549 : i32
      %jit3A_551 = arith.constant 8 : i32
      %div3A_552 = arith.divsi %mul3A_4, %jit3A_551 : i32
      %sign3A_553 = arith.constant 0 : i32
      %sign3A_554 = arith.cmpi sgt, %mul3A_4, %sign3A_553 : i32
      %sign3A_555 = arith.extui %sign3A_554 : i1 to i32
      %sign3A_556 = arith.constant 0 : i32
      %sign3A_557 = arith.cmpi slt, %mul3A_4, %sign3A_556 : i32
      %sign3A_558 = arith.extui %sign3A_557 : i1 to i32
      %sign3A_559 = arith.subi %sign3A_555, %sign3A_558 : i32
      %sign3A_560 = arith.constant 0 : i32
      %sign3A_561 = arith.cmpi sgt, %jit3A_551, %sign3A_560 : i32
      %sign3A_562 = arith.extui %sign3A_561 : i1 to i32
      %sign3A_563 = arith.constant 0 : i32
      %sign3A_564 = arith.cmpi slt, %jit3A_551, %sign3A_563 : i32
      %sign3A_565 = arith.extui %sign3A_564 : i1 to i32
      %sign3A_566 = arith.subi %sign3A_562, %sign3A_565 : i32
      %ne3A_567 = arith.cmpi ne, %sign3A_559, %sign3A_566 : i32
      %rem3A_568 = arith.remsi %mul3A_4, %jit3A_551 : i32
      %ne3A_569 = arith.constant 0 : i32
      %ne3A_570 = arith.cmpi ne, %rem3A_568, %ne3A_569 : i32
      %and3A_571 = arith.andi %ne3A_567, %ne3A_570 : i1
      %sub3A_572 = arith.constant 1 : i32
      %sub3A_573 = arith.subi %div3A_552, %sub3A_572 : i32
      %select_n3A_574 = arith.select %and3A_571, %sub3A_573, %div3A_552 : i32
      %mul3A_575 = arith.constant 64 : i32
      %mul3A_576 = arith.muli %add3A_550, %mul3A_575 : i32
      %add3A_577 = arith.addi %select_n3A_574, %mul3A_576 : i32
      %run_scoped3A_578 = arith.constant 1 : i32
      "tpu.region"() ({
        %run_scoped3A_579 = tpu.sem_alloc : memref<!tpu.dma_semaphore, #tpu.memory_space<semaphore_mem>>
        %dma_start3A_580 = arith.constant 0 : i32
        %dma_start3A_581 = arith.constant 0 : i32
        %dma_start3A_582 = tpu.memref_slice %arg8[%run_scoped3A_578, %dma_start3A_580, %dma_start3A_581] : memref<2x64x128xf32, #tpu.memory_space<vmem>> -> memref<1x64x128xf32, #tpu.memory_space<vmem>>
        %dma_start3A_583 = tpu.memref_squeeze %dma_start3A_582 : memref<1x64x128xf32, #tpu.memory_space<vmem>> -> memref<64x128xf32, #tpu.memory_space<vmem>>
        %dma_start3A_584 = arith.constant 0 : i32
        %dma_start3A_585 = tpu.memref_slice %arg5[%add3A_577, %dma_start3A_584] : memref<40960x128xf32, #tpu.memory_space<hbm>> -> memref<64x128xf32, #tpu.memory_space<hbm>>
        %dma_start3A_586 = arith.constant 0 : i32
        %dma_start3A_587 = tpu.memref_slice %arg5[%add3A_577, %dma_start3A_586] : memref<40960x128xf32, #tpu.memory_space<hbm>> -> memref<64x128xf32, #tpu.memory_space<hbm>>
        %dma_start3A_588 = arith.constant 0 : i32
        %dma_start3A_589 = arith.constant 0 : i32
        %dma_start3A_590 = tpu.memref_slice %arg8[%run_scoped3A_578, %dma_start3A_588, %dma_start3A_589] : memref<2x64x128xf32, #tpu.memory_space<vmem>> -> memref<1x64x128xf32, #tpu.memory_space<vmem>>
        %dma_start3A_591 = tpu.memref_squeeze %dma_start3A_590 : memref<1x64x128xf32, #tpu.memory_space<vmem>> -> memref<64x128xf32, #tpu.memory_space<vmem>>
        tpu.enqueue_dma source(%dma_start3A_591 : memref<64x128xf32, #tpu.memory_space<vmem>>) target(%dma_start3A_587 : memref<64x128xf32, #tpu.memory_space<hbm>>) target_semaphore(%run_scoped3A_579 : memref<!tpu.dma_semaphore, #tpu.memory_space<semaphore_mem>>)
        %dma_wait3A_592 = arith.constant 0 : i32
        %dma_wait3A_593 = arith.constant 0 : i32
        %dma_wait3A_594 = tpu.memref_slice %arg8[%run_scoped3A_578, %dma_wait3A_592, %dma_wait3A_593] : memref<2x64x128xf32, #tpu.memory_space<vmem>> -> memref<1x64x128xf32, #tpu.memory_space<vmem>>
        %dma_wait3A_595 = tpu.memref_squeeze %dma_wait3A_594 : memref<1x64x128xf32, #tpu.memory_space<vmem>> -> memref<64x128xf32, #tpu.memory_space<vmem>>
        %dma_wait3A_596 = arith.constant 0 : i32
        %dma_wait3A_597 = tpu.memref_slice %arg5[%add3A_577, %dma_wait3A_596] : memref<40960x128xf32, #tpu.memory_space<hbm>> -> memref<64x128xf32, #tpu.memory_space<hbm>>
        %dma_wait3A_598 = arith.constant 0 : i32
        %dma_wait3A_599 = tpu.memref_slice %arg5[%add3A_577, %dma_wait3A_598] : memref<40960x128xf32, #tpu.memory_space<hbm>> -> memref<64x128xf32, #tpu.memory_space<hbm>>
        %dma_wait3A_600 = arith.constant 0 : i32
        %dma_wait3A_601 = arith.constant 0 : i32
        %dma_wait3A_602 = tpu.memref_slice %arg8[%run_scoped3A_578, %dma_wait3A_600, %dma_wait3A_601] : memref<2x64x128xf32, #tpu.memory_space<vmem>> -> memref<1x64x128xf32, #tpu.memory_space<vmem>>
        %dma_wait3A_603 = tpu.memref_squeeze %dma_wait3A_602 : memref<1x64x128xf32, #tpu.memory_space<vmem>> -> memref<64x128xf32, #tpu.memory_space<vmem>>
        tpu.wait_dma2 semaphore(%run_scoped3A_579 : memref<!tpu.dma_semaphore, #tpu.memory_space<semaphore_mem>>) src(%dma_wait3A_603 : memref<64x128xf32, #tpu.memory_space<vmem>>) dst(%dma_wait3A_599 : memref<64x128xf32, #tpu.memory_space<hbm>>)
        tpu.yield
      }) : () -> ()
    }
    %scan3A_136 = arith.constant 10 : i32
    return
  }
}

module attributes {stable_mosaic.version = 14 : i64} {
  func.func @_proj_body(%arg0: i32, %arg1: memref<2000x128xf32, #tpu.memory_space<vmem>>, %arg2: memref<128x96xf32, #tpu.memory_space<vmem>>, %arg3: memref<8x96xf32, #tpu.memory_space<vmem>>, %arg4: memref<2000x96xf32, #tpu.memory_space<vmem>>) attributes {dimension_semantics = [#tpu.dimension_semantics<arbitrary>], iteration_bounds = array<i64: 5>, scalar_prefetch = 0 : i64, scratch_operands = 0 : i64, tpu.core_type = #tpu.core_type<tc>, window_params = [{transform_indices = @transform_0, window_bounds = array<i64: 2000, 128>}, {pipeline_mode = #tpu.pipeline_mode<synchronous>, transform_indices = @transform_1, window_bounds = array<i64: 128, 96>}, {pipeline_mode = #tpu.pipeline_mode<synchronous>, transform_indices = @transform_2, window_bounds = array<i64: 8, 96>}, {transform_indices = @transform_3, window_bounds = array<i64: 2000, 96>}]} {
    %get3A = arith.constant 0 : index
    %get3A_0 = arith.constant 0 : index
    %get3A_1 = vector.load %arg1[%get3A, %get3A_0] : memref<2000x128xf32, #tpu.memory_space<vmem>>, vector<2000x128xf32>
    %get3A_2 = arith.constant 0 : index
    %get3A_3 = arith.constant 0 : index
    %get3A_4 = vector.load %arg2[%get3A_2, %get3A_3] : memref<128x96xf32, #tpu.memory_space<vmem>>, vector<128x96xf32>
    %dot_general3A = arith.constant dense<0.000000e+00> : vector<2000x96xf32>
    %dot_general3A_5 = tpu.matmul %get3A_1, %get3A_4, %dot_general3A {dimension_numbers = #tpu.dot_dimension_numbers<[1], [0], [0], [1], [0, 0, 1, 1], [], []>, transpose_lhs_hint = false} : vector<2000x128xf32>, vector<128x96xf32>, vector<2000x96xf32> -> vector<2000x96xf32>
    %get3A_6 = arith.constant 0 : index
    %get3A_7 = arith.constant 0 : index
    %get3A_8 = vector.load %arg3[%get3A_6, %get3A_7] : memref<8x96xf32, #tpu.memory_space<vmem>>, vector<1x96xf32>
    %add3A = vector.broadcast %get3A_8 : vector<1x96xf32> to vector<2000x96xf32>
    %add3A_9 = arith.addf %dot_general3A_5, %add3A : vector<2000x96xf32>
    %swap3A = arith.constant 0 : index
    %swap3A_10 = arith.constant 0 : index
    %swap3A_11 = vector.load %arg4[%swap3A, %swap3A_10] : memref<2000x96xf32, #tpu.memory_space<vmem>>, vector<2000x96xf32>
    tpu.vector_store %arg4[%swap3A, %swap3A_10], %add3A_9 {strides = array<i32>} : memref<2000x96xf32, #tpu.memory_space<vmem>>, vector<2000x96xf32>,
    return
  }
  func.func @transform_0(%arg0: i32) -> (i32, i32) {
    %c0_i32 = arith.constant 0 : i32
    %c0_i32_0 = arith.constant 0 : i32
    return %arg0, %c0_i32 : i32, i32
  }
  func.func @transform_1(%arg0: i32) -> (i32, i32) {
    %c0_i32 = arith.constant 0 : i32
    %c0_i32_0 = arith.constant 0 : i32
    %c0_i32_1 = arith.constant 0 : i32
    return %c0_i32, %c0_i32_0 : i32, i32
  }
  func.func @transform_2(%arg0: i32) -> (i32, i32) {
    %c0_i32 = arith.constant 0 : i32
    %c0_i32_0 = arith.constant 0 : i32
    %c0_i32_1 = arith.constant 0 : i32
    return %c0_i32, %c0_i32_0 : i32, i32
  }
  func.func @transform_3(%arg0: i32) -> (i32, i32) {
    %c0_i32 = arith.constant 0 : i32
    %c0_i32_0 = arith.constant 0 : i32
    return %arg0, %c0_i32 : i32, i32
  }
}

module attributes {stable_mosaic.version = 14 : i64} {
  func.func @_msg_body(%arg0: i32, %arg1: memref<800x128xf32, #tpu.memory_space<vmem>>, %arg2: memref<800x8xi32, #tpu.memory_space<vmem>>, %arg3: memref<800x128xf32, #tpu.memory_space<vmem>>, %arg4: memref<3x128x128xf32, #tpu.memory_space<vmem>>, %arg5: memref<8x128xf32, #tpu.memory_space<vmem>>, %arg6: memref<800x128xf32, #tpu.memory_space<vmem>>) attributes {dimension_semantics = [#tpu.dimension_semantics<arbitrary>], iteration_bounds = array<i64: 50>, scalar_prefetch = 0 : i64, scratch_operands = 0 : i64, tpu.core_type = #tpu.core_type<tc>, window_params = [{transform_indices = @transform_0, window_bounds = array<i64: 800, 128>}, {transform_indices = @transform_1, window_bounds = array<i64: 800, 8>}, {transform_indices = @transform_2, window_bounds = array<i64: 800, 128>}, {pipeline_mode = #tpu.pipeline_mode<synchronous>, transform_indices = @transform_3, window_bounds = array<i64: 3, 128, 128>}, {pipeline_mode = #tpu.pipeline_mode<synchronous>, transform_indices = @transform_4, window_bounds = array<i64: 8, 128>}, {transform_indices = @transform_5, window_bounds = array<i64: 800, 128>}]} {
    %get3A = arith.constant 0 : index
    %get3A_0 = arith.constant 0 : index
    %get3A_1 = vector.load %arg1[%get3A, %get3A_0] : memref<800x128xf32, #tpu.memory_space<vmem>>, vector<800x128xf32>
    %get3A_2 = arith.constant 0 : index
    %get3A_3 = arith.constant 0 : index
    %get3A_4 = vector.load %arg2[%get3A_2, %get3A_3] : memref<800x8xi32, #tpu.memory_space<vmem>>, vector<800x8xi32>
    %get3A_5 = arith.constant 0 : index
    %get3A_6 = arith.constant 0 : index
    %get3A_7 = vector.load %arg3[%get3A_5, %get3A_6] : memref<800x128xf32, #tpu.memory_space<vmem>>, vector<800x128xf32>
    %eq3A = arith.constant 0 : i32
    %eq3A_8 = vector.broadcast %eq3A : i32 to vector<800x8xi32>
    %eq3A_9 = arith.cmpi eq, %get3A_4, %eq3A_8 : vector<800x8xi32>
    %convert_element_type3A = arith.extui %eq3A_9 : vector<800x8xi1> to vector<800x8xi32>
    %convert_element_type3A_10 = arith.sitofp %convert_element_type3A : vector<800x8xi32> to vector<800x8xf32>
    %get3A_11 = arith.constant 0 : index
    %get3A_12 = arith.constant 0 : index
    %get3A_13 = vector.load %arg5[%get3A_11, %get3A_12] : memref<8x128xf32, #tpu.memory_space<vmem>>, vector<8x128xf32>
    %dot_general3A = arith.constant dense<0.000000e+00> : vector<800x128xf32>
    %dot_general3A_14 = tpu.matmul %convert_element_type3A_10, %get3A_13, %dot_general3A {dimension_numbers = #tpu.dot_dimension_numbers<[1], [0], [0], [1], [0, 0, 1, 1], [], []>, transpose_lhs_hint = false} : vector<800x8xf32>, vector<8x128xf32>, vector<800x128xf32> -> vector<800x128xf32>
    %get3A_15 = arith.constant 0 : index
    %get3A_16 = arith.constant 0 : index
    %get3A_17 = arith.constant 0 : index
    %get3A_18 = vector.load %arg4[%get3A_15, %get3A_16, %get3A_17] : memref<3x128x128xf32, #tpu.memory_space<vmem>>, vector<1x128x128xf32>
    %get3A_19 = vector.shape_cast %get3A_18 : vector<1x128x128xf32> to vector<128x128xf32>
    %dot_general3A_20 = arith.constant dense<0.000000e+00> : vector<800x128xf32>
    %dot_general3A_21 = tpu.matmul %get3A_1, %get3A_19, %dot_general3A_20 {dimension_numbers = #tpu.dot_dimension_numbers<[1], [0], [0], [1], [0, 0, 1, 1], [], []>, transpose_lhs_hint = false} : vector<800x128xf32>, vector<128x128xf32>, vector<800x128xf32> -> vector<800x128xf32>
    %mul3A = arith.mulf %dot_general3A_14, %dot_general3A_21 : vector<800x128xf32>
    %add3A = arith.addf %get3A_7, %mul3A : vector<800x128xf32>
    %eq3A_22 = arith.constant 1 : i32
    %eq3A_23 = vector.broadcast %eq3A_22 : i32 to vector<800x8xi32>
    %eq3A_24 = arith.cmpi eq, %get3A_4, %eq3A_23 : vector<800x8xi32>
    %convert_element_type3A_25 = arith.extui %eq3A_24 : vector<800x8xi1> to vector<800x8xi32>
    %convert_element_type3A_26 = arith.sitofp %convert_element_type3A_25 : vector<800x8xi32> to vector<800x8xf32>
    %get3A_27 = arith.constant 0 : index
    %get3A_28 = arith.constant 0 : index
    %get3A_29 = vector.load %arg5[%get3A_27, %get3A_28] : memref<8x128xf32, #tpu.memory_space<vmem>>, vector<8x128xf32>
    %dot_general3A_30 = arith.constant dense<0.000000e+00> : vector<800x128xf32>
    %dot_general3A_31 = tpu.matmul %convert_element_type3A_26, %get3A_29, %dot_general3A_30 {dimension_numbers = #tpu.dot_dimension_numbers<[1], [0], [0], [1], [0, 0, 1, 1], [], []>, transpose_lhs_hint = false} : vector<800x8xf32>, vector<8x128xf32>, vector<800x128xf32> -> vector<800x128xf32>
    %get3A_32 = arith.constant 1 : index
    %get3A_33 = arith.constant 0 : index
    %get3A_34 = arith.constant 0 : index
    %get3A_35 = vector.load %arg4[%get3A_32, %get3A_33, %get3A_34] : memref<3x128x128xf32, #tpu.memory_space<vmem>>, vector<1x128x128xf32>
    %get3A_36 = vector.shape_cast %get3A_35 : vector<1x128x128xf32> to vector<128x128xf32>
    %dot_general3A_37 = arith.constant dense<0.000000e+00> : vector<800x128xf32>
    %dot_general3A_38 = tpu.matmul %get3A_1, %get3A_36, %dot_general3A_37 {dimension_numbers = #tpu.dot_dimension_numbers<[1], [0], [0], [1], [0, 0, 1, 1], [], []>, transpose_lhs_hint = false} : vector<800x128xf32>, vector<128x128xf32>, vector<800x128xf32> -> vector<800x128xf32>
    %mul3A_39 = arith.mulf %dot_general3A_31, %dot_general3A_38 : vector<800x128xf32>
    %add3A_40 = arith.addf %add3A, %mul3A_39 : vector<800x128xf32>
    %eq3A_41 = arith.constant 2 : i32
    %eq3A_42 = vector.broadcast %eq3A_41 : i32 to vector<800x8xi32>
    %eq3A_43 = arith.cmpi eq, %get3A_4, %eq3A_42 : vector<800x8xi32>
    %convert_element_type3A_44 = arith.extui %eq3A_43 : vector<800x8xi1> to vector<800x8xi32>
    %convert_element_type3A_45 = arith.sitofp %convert_element_type3A_44 : vector<800x8xi32> to vector<800x8xf32>
    %get3A_46 = arith.constant 0 : index
    %get3A_47 = arith.constant 0 : index
    %get3A_48 = vector.load %arg5[%get3A_46, %get3A_47] : memref<8x128xf32, #tpu.memory_space<vmem>>, vector<8x128xf32>
    %dot_general3A_49 = arith.constant dense<0.000000e+00> : vector<800x128xf32>
    %dot_general3A_50 = tpu.matmul %convert_element_type3A_45, %get3A_48, %dot_general3A_49 {dimension_numbers = #tpu.dot_dimension_numbers<[1], [0], [0], [1], [0, 0, 1, 1], [], []>, transpose_lhs_hint = false} : vector<800x8xf32>, vector<8x128xf32>, vector<800x128xf32> -> vector<800x128xf32>
    %get3A_51 = arith.constant 2 : index
    %get3A_52 = arith.constant 0 : index
    %get3A_53 = arith.constant 0 : index
    %get3A_54 = vector.load %arg4[%get3A_51, %get3A_52, %get3A_53] : memref<3x128x128xf32, #tpu.memory_space<vmem>>, vector<1x128x128xf32>
    %get3A_55 = vector.shape_cast %get3A_54 : vector<1x128x128xf32> to vector<128x128xf32>
    %dot_general3A_56 = arith.constant dense<0.000000e+00> : vector<800x128xf32>
    %dot_general3A_57 = tpu.matmul %get3A_1, %get3A_55, %dot_general3A_56 {dimension_numbers = #tpu.dot_dimension_numbers<[1], [0], [0], [1], [0, 0, 1, 1], [], []>, transpose_lhs_hint = false} : vector<800x128xf32>, vector<128x128xf32>, vector<800x128xf32> -> vector<800x128xf32>
    %mul3A_58 = arith.mulf %dot_general3A_50, %dot_general3A_57 : vector<800x128xf32>
    %add3A_59 = arith.addf %add3A_40, %mul3A_58 : vector<800x128xf32>
    %max3A = arith.constant 0.000000e+00 : f32
    %max3A_60 = vector.broadcast %max3A : f32 to vector<800x128xf32>
    %max3A_61 = arith.maximumf %add3A_59, %max3A_60 : vector<800x128xf32>
    %swap3A = arith.constant 0 : index
    %swap3A_62 = arith.constant 0 : index
    %swap3A_63 = vector.load %arg6[%swap3A, %swap3A_62] : memref<800x128xf32, #tpu.memory_space<vmem>>, vector<800x128xf32>
    tpu.vector_store %arg6[%swap3A, %swap3A_62], %max3A_61 {strides = array<i32>} : memref<800x128xf32, #tpu.memory_space<vmem>>, vector<800x128xf32>,
    return
  }
  func.func @transform_0(%arg0: i32) -> (i32, i32) {
    %c0_i32 = arith.constant 0 : i32
    %c0_i32_0 = arith.constant 0 : i32
    return %arg0, %c0_i32 : i32, i32
  }
  func.func @transform_1(%arg0: i32) -> (i32, i32) {
    %c0_i32 = arith.constant 0 : i32
    %c0_i32_0 = arith.constant 0 : i32
    return %arg0, %c0_i32 : i32, i32
  }
  func.func @transform_2(%arg0: i32) -> (i32, i32) {
    %c0_i32 = arith.constant 0 : i32
    %c0_i32_0 = arith.constant 0 : i32
    return %arg0, %c0_i32 : i32, i32
  }
  func.func @transform_3(%arg0: i32) -> (i32, i32, i32) {
    %c0_i32 = arith.constant 0 : i32
    %c0_i32_0 = arith.constant 0 : i32
    %c0_i32_1 = arith.constant 0 : i32
    %c0_i32_2 = arith.constant 0 : i32
    return %c0_i32, %c0_i32_0, %c0_i32_1 : i32, i32, i32
  }
  func.func @transform_4(%arg0: i32) -> (i32, i32) {
    %c0_i32 = arith.constant 0 : i32
    %c0_i32_0 = arith.constant 0 : i32
    %c0_i32_1 = arith.constant 0 : i32
    return %c0_i32, %c0_i32_0 : i32, i32
  }
  func.func @transform_5(%arg0: i32) -> (i32, i32) {
    %c0_i32 = arith.constant 0 : i32
    %c0_i32_0 = arith.constant 0 : i32
    return %arg0, %c0_i32 : i32, i32
  }
}

module attributes {stable_mosaic.version = 14 : i64} {
  func.func @_node_body(%arg0: i32, %arg1: memref<2x2000x16xf32, #tpu.memory_space<vmem>>, %arg2: memref<2000x128xf32, #tpu.memory_space<vmem>>, %arg3: memref<2000x1xi32, #tpu.memory_space<vmem>>, %arg4: memref<2x16x128xf32, #tpu.memory_space<vmem>>, %arg5: memref<2x128x128xf32, #tpu.memory_space<vmem>>, %arg6: memref<8x128xf32, #tpu.memory_space<vmem>>, %arg7: memref<2000x128xf32, #tpu.memory_space<vmem>>) attributes {dimension_semantics = [#tpu.dimension_semantics<arbitrary>], iteration_bounds = array<i64: 5>, scalar_prefetch = 0 : i64, scratch_operands = 0 : i64, tpu.core_type = #tpu.core_type<tc>, window_params = [{transform_indices = @transform_0, window_bounds = array<i64: 2, 2000, 16>}, {transform_indices = @transform_1, window_bounds = array<i64: 2000, 128>}, {transform_indices = @transform_2, window_bounds = array<i64: 2000, 1>}, {pipeline_mode = #tpu.pipeline_mode<synchronous>, transform_indices = @transform_3, window_bounds = array<i64: 2, 16, 128>}, {pipeline_mode = #tpu.pipeline_mode<synchronous>, transform_indices = @transform_4, window_bounds = array<i64: 2, 128, 128>}, {pipeline_mode = #tpu.pipeline_mode<synchronous>, transform_indices = @transform_5, window_bounds = array<i64: 8, 128>}, {transform_indices = @transform_6, window_bounds = array<i64: 2000, 128>}]} {
    %get3A = arith.constant 0 : index
    %get3A_0 = arith.constant 0 : index
    %get3A_1 = arith.constant 0 : index
    %get3A_2 = vector.load %arg1[%get3A, %get3A_0, %get3A_1] : memref<2x2000x16xf32, #tpu.memory_space<vmem>>, vector<1x2000x16xf32>
    %get3A_3 = vector.shape_cast %get3A_2 : vector<1x2000x16xf32> to vector<2000x16xf32>
    %get3A_4 = arith.constant 1 : index
    %get3A_5 = arith.constant 0 : index
    %get3A_6 = arith.constant 0 : index
    %get3A_7 = vector.load %arg1[%get3A_4, %get3A_5, %get3A_6] : memref<2x2000x16xf32, #tpu.memory_space<vmem>>, vector<1x2000x16xf32>
    %get3A_8 = vector.shape_cast %get3A_7 : vector<1x2000x16xf32> to vector<2000x16xf32>
    %add3A = arith.addf %get3A_3, %get3A_8 : vector<2000x16xf32>
    %get3A_9 = arith.constant 0 : index
    %get3A_10 = arith.constant 0 : index
    %get3A_11 = vector.load %arg2[%get3A_9, %get3A_10] : memref<2000x128xf32, #tpu.memory_space<vmem>>, vector<2000x128xf32>
    %get3A_12 = arith.constant 0 : index
    %get3A_13 = arith.constant 0 : index
    %get3A_14 = vector.load %arg3[%get3A_12, %get3A_13] : memref<2000x1xi32, #tpu.memory_space<vmem>>, vector<2000x1xi32>
    %get3A_15 = arith.constant 0 : index
    %get3A_16 = arith.constant 0 : index
    %get3A_17 = arith.constant 0 : index
    %get3A_18 = vector.load %arg4[%get3A_15, %get3A_16, %get3A_17] : memref<2x16x128xf32, #tpu.memory_space<vmem>>, vector<1x16x128xf32>
    %get3A_19 = vector.shape_cast %get3A_18 : vector<1x16x128xf32> to vector<16x128xf32>
    %dot_general3A = arith.constant dense<0.000000e+00> : vector<2000x128xf32>
    %dot_general3A_20 = tpu.matmul %add3A, %get3A_19, %dot_general3A {dimension_numbers = #tpu.dot_dimension_numbers<[1], [0], [0], [1], [0, 0, 1, 1], [], []>, transpose_lhs_hint = false} : vector<2000x16xf32>, vector<16x128xf32>, vector<2000x128xf32> -> vector<2000x128xf32>
    %get3A_21 = arith.constant 0 : index
    %get3A_22 = arith.constant 0 : index
    %get3A_23 = arith.constant 0 : index
    %get3A_24 = vector.load %arg5[%get3A_21, %get3A_22, %get3A_23] : memref<2x128x128xf32, #tpu.memory_space<vmem>>, vector<1x128x128xf32>
    %get3A_25 = vector.shape_cast %get3A_24 : vector<1x128x128xf32> to vector<128x128xf32>
    %dot_general3A_26 = arith.constant dense<0.000000e+00> : vector<2000x128xf32>
    %dot_general3A_27 = tpu.matmul %get3A_11, %get3A_25, %dot_general3A_26 {dimension_numbers = #tpu.dot_dimension_numbers<[1], [0], [0], [1], [0, 0, 1, 1], [], []>, transpose_lhs_hint = false} : vector<2000x128xf32>, vector<128x128xf32>, vector<2000x128xf32> -> vector<2000x128xf32>
    %add3A_28 = arith.addf %dot_general3A_20, %dot_general3A_27 : vector<2000x128xf32>
    %get3A_29 = arith.constant 0 : index
    %get3A_30 = arith.constant 0 : index
    %get3A_31 = vector.load %arg6[%get3A_29, %get3A_30] : memref<8x128xf32, #tpu.memory_space<vmem>>, vector<1x128xf32>
    %get3A_32 = vector.shape_cast %get3A_31 : vector<1x128xf32> to vector<128xf32>
    %broadcast_in_dim3A = vector.shape_cast %get3A_32 : vector<128xf32> to vector<1x128xf32>
    %add3A_33 = vector.broadcast %broadcast_in_dim3A : vector<1x128xf32> to vector<2000x128xf32>
    %add3A_34 = arith.addf %add3A_28, %add3A_33 : vector<2000x128xf32>
    %max3A = arith.constant 0.000000e+00 : f32
    %max3A_35 = vector.broadcast %max3A : f32 to vector<2000x128xf32>
    %max3A_36 = arith.maximumf %add3A_34, %max3A_35 : vector<2000x128xf32>
    %get3A_37 = arith.constant 1 : index
    %get3A_38 = arith.constant 0 : index
    %get3A_39 = arith.constant 0 : index
    %get3A_40 = vector.load %arg4[%get3A_37, %get3A_38, %get3A_39] : memref<2x16x128xf32, #tpu.memory_space<vmem>>, vector<1x16x128xf32>
    %get3A_41 = vector.shape_cast %get3A_40 : vector<1x16x128xf32> to vector<16x128xf32>
    %dot_general3A_42 = arith.constant dense<0.000000e+00> : vector<2000x128xf32>
    %dot_general3A_43 = tpu.matmul %add3A, %get3A_41, %dot_general3A_42 {dimension_numbers = #tpu.dot_dimension_numbers<[1], [0], [0], [1], [0, 0, 1, 1], [], []>, transpose_lhs_hint = false} : vector<2000x16xf32>, vector<16x128xf32>, vector<2000x128xf32> -> vector<2000x128xf32>
    %get3A_44 = arith.constant 1 : index
    %get3A_45 = arith.constant 0 : index
    %get3A_46 = arith.constant 0 : index
    %get3A_47 = vector.load %arg5[%get3A_44, %get3A_45, %get3A_46] : memref<2x128x128xf32, #tpu.memory_space<vmem>>, vector<1x128x128xf32>
    %get3A_48 = vector.shape_cast %get3A_47 : vector<1x128x128xf32> to vector<128x128xf32>
    %dot_general3A_49 = arith.constant dense<0.000000e+00> : vector<2000x128xf32>
    %dot_general3A_50 = tpu.matmul %get3A_11, %get3A_48, %dot_general3A_49 {dimension_numbers = #tpu.dot_dimension_numbers<[1], [0], [0], [1], [0, 0, 1, 1], [], []>, transpose_lhs_hint = false} : vector<2000x128xf32>, vector<128x128xf32>, vector<2000x128xf32> -> vector<2000x128xf32>
    %add3A_51 = arith.addf %dot_general3A_43, %dot_general3A_50 : vector<2000x128xf32>
    %get3A_52 = arith.constant 1 : index
    %get3A_53 = arith.constant 0 : index
    %get3A_54 = vector.load %arg6[%get3A_52, %get3A_53] : memref<8x128xf32, #tpu.memory_space<vmem>>, vector<1x128xf32>
    %get3A_55 = vector.shape_cast %get3A_54 : vector<1x128xf32> to vector<128xf32>
    %broadcast_in_dim3A_56 = vector.shape_cast %get3A_55 : vector<128xf32> to vector<1x128xf32>
    %add3A_57 = vector.broadcast %broadcast_in_dim3A_56 : vector<1x128xf32> to vector<2000x128xf32>
    %add3A_58 = arith.addf %add3A_51, %add3A_57 : vector<2000x128xf32>
    %max3A_59 = arith.constant 0.000000e+00 : f32
    %max3A_60 = vector.broadcast %max3A_59 : f32 to vector<2000x128xf32>
    %max3A_61 = arith.maximumf %add3A_58, %max3A_60 : vector<2000x128xf32>
    %eq3A = arith.constant 0 : i32
    %eq3A_62 = vector.broadcast %eq3A : i32 to vector<2000x1xi32>
    %eq3A_63 = arith.cmpi eq, %get3A_14, %eq3A_62 : vector<2000x1xi32>
    %broadcast_in_dim3A_64 = vector.shape_cast %eq3A_63 : vector<2000x1xi1> to vector<2000x1xi1>
    %broadcast_in_dim3A_65 = vector.broadcast %broadcast_in_dim3A_64 : vector<2000x1xi1> to vector<2000x128xi1>
    %select_n3A = arith.select %broadcast_in_dim3A_65, %max3A_36, %max3A_61 : vector<2000x128xi1>, vector<2000x128xf32>
    %swap3A = arith.constant 0 : index
    %swap3A_66 = arith.constant 0 : index
    %swap3A_67 = vector.load %arg7[%swap3A, %swap3A_66] : memref<2000x128xf32, #tpu.memory_space<vmem>>, vector<2000x128xf32>
    tpu.vector_store %arg7[%swap3A, %swap3A_66], %select_n3A {strides = array<i32>} : memref<2000x128xf32, #tpu.memory_space<vmem>>, vector<2000x128xf32>,
    return
  }
  func.func @transform_0(%arg0: i32) -> (i32, i32, i32) {
    %c0_i32 = arith.constant 0 : i32
    %c0_i32_0 = arith.constant 0 : i32
    %c0_i32_1 = arith.constant 0 : i32
    return %c0_i32, %arg0, %c0_i32_0 : i32, i32, i32
  }
  func.func @transform_1(%arg0: i32) -> (i32, i32) {
    %c0_i32 = arith.constant 0 : i32
    %c0_i32_0 = arith.constant 0 : i32
    return %arg0, %c0_i32 : i32, i32
  }
  func.func @transform_2(%arg0: i32) -> (i32, i32) {
    %c0_i32 = arith.constant 0 : i32
    %c0_i32_0 = arith.constant 0 : i32
    return %arg0, %c0_i32 : i32, i32
  }
  func.func @transform_3(%arg0: i32) -> (i32, i32, i32) {
    %c0_i32 = arith.constant 0 : i32
    %c0_i32_0 = arith.constant 0 : i32
    %c0_i32_1 = arith.constant 0 : i32
    %c0_i32_2 = arith.constant 0 : i32
    return %c0_i32, %c0_i32_0, %c0_i32_1 : i32, i32, i32
  }
  func.func @transform_4(%arg0: i32) -> (i32, i32, i32) {
    %c0_i32 = arith.constant 0 : i32
    %c0_i32_0 = arith.constant 0 : i32
    %c0_i32_1 = arith.constant 0 : i32
    %c0_i32_2 = arith.constant 0 : i32
    return %c0_i32, %c0_i32_0, %c0_i32_1 : i32, i32, i32
  }
  func.func @transform_5(%arg0: i32) -> (i32, i32) {
    %c0_i32 = arith.constant 0 : i32
    %c0_i32_0 = arith.constant 0 : i32
    %c0_i32_1 = arith.constant 0 : i32
    return %c0_i32, %c0_i32_0 : i32, i32
  }
  func.func @transform_6(%arg0: i32) -> (i32, i32) {
    %c0_i32 = arith.constant 0 : i32
    %c0_i32_0 = arith.constant 0 : i32
    return %arg0, %c0_i32 : i32, i32
  }
}

</mosaic_0001>

<sc_bundles>
// kernel: kernel.10.cloned.1.call-start
scs
__scs_entry_jumppad:
0x0: {  	(pc) =	sbr.rel $0x88, $3  }
0x1: {  	(tag) =	ssettag $0x0;
	lr =	simm.s32 $0x1  }
0x2: {  	[smem:$0x3F98] =	sst lr;
	_ =	strace $0xD0000000  }
0x3: {  	_ = 	snop  }
0x4: {  	_ = 	snop  }
0x5: {  	_ = 	snop  }
0x6: {  	_ = 	snop  }
0x7: {  	_ = 	snop  }
__scs_overlays_trampoline_lowered:
0x8: {  	[smem:$0x3FA7] =	sst s0  }
0x9: {  	[smem:$0x3FA8] =	sst s1  }
0xa: {  	[smem:$0x3FA9] =	sst s2  }
0xb: {  	[smem:$0x3FAA] =	sst s3  }
0xc: {  	[smem:$0x3FAB] =	sst s4  }
0xd: {  	[smem:$0x3FAC] =	sst s5  }
0xe: {  	[smem:$0x3FAD] =	sst s6  }
0xf: {  	[smem:$0x3FAE] =	sst s7  }
0x10: {  	[smem:$0x3FAF] =	sst s8  }
0x11: {  	[smem:$0x3FB0] =	sst s9;
	s0 =	simm.s32 @!p0 $0x0  }
0x12: {  	s1 =	sld [smem:$0x3F96];
	s0 =	simm.s32 @p0 $0x1  }
0x13: {  	[smem:$0x3FB1] =	sst s0;
	s0 =	simm.s32 @!p1 $0x0  }
0x14: {  	s2 =	sld [smem:$0x3F95];
	s0 =	simm.s32 @p1 $0x1  }
0x15: {  	[smem:$0x3FB2] =	sst s0;
	s0 =	simm.s32 @!p2 $0x0  }
0x16: {  	s3 =	sld [smem:$0x3FDB];
	s0 =	simm.s32 @p2 $0x1  }
0x17: {  	s4 =	simm.s32 $0x1BF5;
	[smem:$0x3FB4] =	sst s0  }
0x18: {  	s0 =	sld [smem:$0x3F97];
	_ =	swait.ge [sflag:s4], $0x0  }
0x19: {  	s7 =	sld [smem:$0x3F98]  }
0x1a: {  	s8 =	sadd.s32 $0xFFFFE003, lr  }
0x1b: {  	s9 =	sadd.s32 $0xFFFFFEF7, lr;
	s5 =	simm.s32 $0xFFFFFFFF;
	p2 =	slt.u32 s8, $0xFFFFF086  }
0x1c: {  	p1 =	slt.u32 s9, $0xF7A;
	s5 =	simm.s32 @!p2 $0x0  }
0x1d: {  	s5 =	simm.s32 @p1 $0x1;
	p0 =	seq.s32 s7, s2  }
0x1e: {  	s7 =	smul.u32 @!p0 $0xF7A, s2;
	p2 =	seq.s32 @!p0 s5, $0x0  }
0x1f: {  	s9 =	smul.u32 $0xF7A, s1;
	s8 =	simm.s32 @!p0 $0x1BF5;
	p2 =	por !p2, p0  }
0x20: {  	[sflag:s8] =	ssyncset.s32 @!p0 $0xFFFFF086;
	s6 =	sadd.s32 @!p0 s3, s7;
	s7 =	simm.s32 @!p0 $0x108  }
0x21: {  	s3 =	sadd.s32 s3, s9;
	s6 =	sadd.s32 @!p0 $0x88, s6;
	s7 =	simm.s32 @p2 $0x1082  }
0x22: {  	[simem:s7], [sflag:s8] =	dma.local @!p0 [hbm:s6], $0xF7A  }
0x23: {  	s9 =	sor.u32 $0xD0000000, s2;
	s6 =	simm.s32 $0x108;
	_ =	swait.ge @!p0 [sflag:s8], $0x0  }
0x24: {  	s3 =	sadd.s32 $0x88, s3;
	s6 =	simm.s32 @!p1 $0x1082;
	[sflag:s4] =	ssyncset.s32 $0xFFFFF086  }
0x25: {  	[simem:s6], [sflag:s4] =	dma.local [hbm:s3], $0xF7A  }
0x26: {  	[smem:$0x3F98] =	sst s1;
	(tag) =	ssettag s2;
	_ =	strace s9  }
0x27: {  	s1 =	sld [smem:$0x3FA8]  }
0x28: {  	s2 =	sld [smem:$0x3FA9]  }
0x29: {  	s4 =	sld [smem:$0x3FAB]  }
0x2a: {  	p0 =	seq.s32 s5, $0x0;
	s5 =	sld [smem:$0x3FAC]  }
0x2b: {  	s6 =	sld [smem:$0x3FAD]  }
0x2c: {  	s7 =	sld [smem:$0x3FAE]  }
0x2d: {  	s3 =	simm.s32 $0x108;
	s8 =	sld [smem:$0x3FAF]  }
0x2e: {  	s3 =	simm.s32 @!p0 $0x1082;
	s9 =	sld [smem:$0x3FB0]  }
0x2f: {  	lr =	sadd.s32 s0, s3;
	s0 =	sld [smem:$0x3FA7]  }
0x30: {  	s3 =	sld [smem:$0x3FAA]  }
0x31: {  	[smem:$0x3FB3] =	sst s10  }
0x32: {  	s10 =	sld [smem:$0x3FB1];
	_ =	sdelay $0x3  }
0x33: {  	p0 =	seq.s32 s10, $0x1;
	s10 =	sld [smem:$0x3FB3];
	_ =	sdelay $0x3  }
0x34: {  	[smem:$0x3FB3] =	sst s10  }
0x35: {  	s10 =	sld [smem:$0x3FB2];
	_ =	sdelay $0x3  }
0x36: {  	p1 =	seq.s32 s10, $0x1;
	s10 =	sld [smem:$0x3FB3];
	_ =	sdelay $0x3  }
0x37: {  	[smem:$0x3FB3] =	sst s10  }
0x38: {  	s10 =	sld [smem:$0x3FB4]  }
0x39: {  	_ = 	snop;
	(pc) =	sbr.ind lr, $3  }
0x3a: {  	_ = 	snop  }
0x3b: {  	_ = 	snop  }
0x3c: {  	p2 =	seq.s32 s10, $0x1;
	s10 =	sld [smem:$0x3FB3]  }
0x3d: {  	_ =	shalt  }
0x3e: {  	_ =	shalt  }
0x3f: {  	_ =	shalt  }
0x40: {  	_ =	shalt  }
0x41: {  	_ =	shalt  }
0x42: {  	_ =	shalt  }
0x43: {  	_ =	shalt  }
0x44: {  	_ =	shalt  }
0x45: {  	_ =	shalt  }
0x46: {  	_ =	shalt  }
0x47: {  	_ =	shalt  }
0x48: {  	_ =	shalt  }
0x49: {  	_ =	shalt  }
0x4a: {  	_ =	shalt  }
0x4b: {  	_ =	shalt  }
0x4c: {  	_ =	shalt  }
0x4d: {  	_ =	shalt  }
0x4e: {  	_ =	shalt  }
0x4f: {  	_ =	shalt  }
0x50: {  	_ =	shalt  }
0x51: {  	_ =	shalt  }
0x52: {  	_ =	shalt  }
0x53: {  	_ =	shalt  }
0x54: {  	_ =	shalt  }
0x55: {  	_ =	shalt  }
0x56: {  	_ =	shalt  }
0x57: {  	_ =	shalt  }
0x58: {  	_ =	shalt  }
0x59: {  	_ =	shalt  }
0x5a: {  	_ =	shalt  }
0x5b: {  	_ =	shalt  }
0x5c: {  	_ =	shalt  }
0x5d: {  	_ =	shalt  }
0x5e: {  	_ =	shalt  }
0x5f: {  	_ =	shalt  }
0x60: {  	_ =	shalt  }
0x61: {  	_ =	shalt  }
0x62: {  	_ =	shalt  }
0x63: {  	_ =	shalt  }
0x64: {  	_ =	shalt  }
0x65: {  	_ =	shalt  }
0x66: {  	_ =	shalt  }
0x67: {  	_ =	shalt  }
0x68: {  	_ =	shalt  }
0x69: {  	_ =	shalt  }
0x6a: {  	_ =	shalt  }
0x6b: {  	_ =	shalt  }
0x6c: {  	_ =	shalt  }
0x6d: {  	_ =	shalt  }
0x6e: {  	_ =	shalt  }
0x6f: {  	_ =	shalt  }
0x70: {  	_ =	shalt  }
0x71: {  	_ =	shalt  }
0x72: {  	_ =	shalt  }
0x73: {  	_ =	shalt  }
0x74: {  	_ =	shalt  }
0x75: {  	_ =	shalt  }
0x76: {  	_ =	shalt  }
0x77: {  	_ =	shalt  }
0x78: {  	_ =	shalt  }
0x79: {  	_ =	shalt  }
0x7a: {  	_ =	shalt  }
0x7b: {  	_ =	shalt  }
0x7c: {  	_ =	shalt  }
0x7d: {  	_ =	shalt  }
0x7e: {  	_ =	shalt  }
0x7f: {  	_ =	shalt  }
0x80: {  	_ =	shalt  }
0x81: {  	_ =	shalt  }
0x82: {  	_ =	shalt  }
0x83: {  	_ =	shalt  }
0x84: {  	_ =	shalt  }
0x85: {  	_ =	shalt  }
0x86: {  	_ =	shalt  }
0x87: {  	_ =	shalt  }
.Lfunc_end0:
.L_simem_size_0:
called_computation.1_lowered:
.L_overlay_start_0:
0x88: {  	s2 =	sld [smem:$0x3FD9]  }
0x89: {  	s3 =	sld [smem:$0x3FFE];
	_ =	sdelay $0x1  }
0x8a: {  	s1 =	srdreg.scid  }
0x8b: {  	s0 =	sand.u32 $0x1, s1  }
0x8c: {  	s14 =	sshll.u32 s0, $0xA;
	s2 =	sadd.s32 s3, s2  }
0x8d: {  	s2 =	sadd.s32 s2, s14  }
0x8e: {  	[smem:$0x3FBF] =	sst s2  }
0x8f: {  	_ = 	snop  }
0x90: {  	s2 =	sld [smem:$0x3FD0];
	_ =	sdelay $0x2  }
0x91: {  	s15 =	simm.s32 $0xA;
	s4 =	simm.s32 $0x10  }
0x92: {  	[smem:s4], [sflag:s15] =	dma.local [hbm:s2], $0x1  }
0x93: {  	_ =	swait.eq [sflag:s15], $0x1  }
0x94: {  	[sflag:s15] =	ssyncset.done $0x0  }
0x95: {  	[sflag:s15] =	ssyncadd.s32 $0xFFFFFFFF  }
0x96: {  	s16 =	sld [smem:$0x10];
	(tm) =	ssettm $0x1  }
0x97: {  	s17 =	sld [smem:$0x3FFB];
	_ =	sdelay $0x3  }
0x98: {  	_ =	strace s17  }
0x99: {  	s3 =	sld [smem:$0x3FFC];
	_ =	sdelay $0x3  }
0x9a: {  	_ =	strace s3  }
0x9b: {  	s3 =	sld [smem:$0x3FFD];
	_ =	sdelay $0x3  }
0x9c: {  	_ =	strace s3  }
0x9d: {  	_ =	strace $0x8FFFFFFF  }
0x9e: {  	s18 =	sld [smem:$0x3FDB];
	_ =	sdelay $0x1  }
0x9f: {  	s19 =	simm.s32 $_scs_section_size  }
0xa0: {  	s5 =	simm.s32 $_size__tile_overlayer_lowered;
	s6 =	simm.s32 $_tile_overlayer_lowered  }
0xa1: {  	s22 =	simm.s32 $0x1BFF;
	s21 =	sshll.u32 s6, $0x1;
	s3 =	sadd.s32 s19, s18  }
0xa2: {  	s7 =	simm.s32 $0x0;
	s20 =	sshll.u32 s5, $0x1;
	s5 =	sadd.s32 s21, s3  }
0xa3: {  	[timem:s7], [sflag:s22] =	dma.local [hbm:s5], s20  }
0xa4: {  	_ =	swait.ge [sflag:s22], s20  }
0xa5: {  	s4 =	ssub.s32 $0x0, s20;
	[sflag:s22] =	ssyncset.done $0x0  }
0xa6: {  	[sflag:s22] =	ssyncadd.s32 s4;
	_ =	sdelay $0x1  }
0xa7: {  	s23 =	simm.s32 $0x1B8B  }
0xa8: {  	_ =	swait.ge [sflag:s23], $0x1  }
0xa9: {  	[sflag:s23] =	ssyncset.done $0x0  }
0xaa: {  	s25 =	simm.s32 $0x1B8E;
	s24 =	sld [smem:$0x3FFE];
	[sflag:s23] =	ssyncadd.s32 $0xFFFFFFFF  }
0xab: {  	s26 =	simm.s32 $execute0_lowered;
	[smem:$0x3FD2] =	sst s25  }
0xac: {  	s5 =	sshll.u32 s26, $0x1;
	_ =	strace $0x80000049;
	[dreg:$0x1] =	wrdreg $0xFFFFFFFF  }
0xad: {  	s28 =	simm.s32 $_size_execute0_lowered;
	s3 =	sadd.s32 s3, s5;
	[dreg:$0x0] =	wrdreg $0x0  }
0xae: {  	s5 =	sshll.u32 s28, $0x1;
	[dreg:$0x2] =	wrdreg s3  }
0xaf: {  	[dreg:$0x3] =	wrdreg s5  }
0xb0: {  	[dreg:$0x4] =	wrdreg $0xC0  }
0xb1: {  	_ =	task [dreg:s7], $0x5FFFF  }
0xb2: {  	[dreg:$0x1] =	wrdreg $0xFFFFFFFF  }
0xb3: {  	[dreg:$0x0] =	wrdreg $0x60  }
0xb4: {  	[dreg:$0x2] =	wrdreg s24  }
0xb5: {  	[dreg:$0x3] =	wrdreg s16  }
0xb6: {  	[dreg:$0x4] =	wrdreg $0x21000  }
0xb7: {  	[dreg:$0x5] =	wrdreg $0x9  }
0xb8: {  	_ =	task.clear_ibuf [dreg:s7], $0x6FFFF;
	_ =	strace $0x90000049  }
0xb9: {  	s29 =	simm.s32 $0x9;
	_ =	strace $0x8000004B  }
0xba: {  	_ =	swait.ge [sflag:s29], $0x1  }
0xbb: {  	[sflag:s29] =	ssyncadd.s32 $0xFFFFFFFF  }
0xbc: {  	_ =	strace $0x9000004B  }
0xbd: {  	_ =	sfence  }
0xbe: {  	s30 =	sld [smem:$0x0];
	_ =	sdelay $0x2  }
0xbf: {  	s31 =	sshll.u32 s1, $0xD;
	s1 =	sshrl.u32 s1, $0x2  }
0xc0: {  	s3 =	sand.u32 $0x4000, s31;
	s1 =	sadd.s32 s1, s30  }
0xc1: {  	s0 =	sor.u32 s3, s0;
	s1 =	sshll.u32 s1, $0x11  }
0xc2: {  	s0 =	sor.u32 s1, s0  }
0xc3: {  	s0 =	sadd.s32 $0x8F2B, s0  }
0xc4: {  	[sflag:s0] =	ssyncadd.remote.s32 $0x1  }
0xc5: {  	_ =	sfence.sel $0xFFFF  }
0xc6: {  	[dreg:$0x0] =	wrdreg $0xFFFFFFFF;
	(pc) =	sbr.abs _section_cstart, $3  }
0xc7: {  	[dreg:$0x1] =	wrdreg $0xFFFFFFFF  }
0xc8: {  	_ =	task.clear_ibuf [dreg:s7], $0x2FFFF;
	_ =	strace $0x9FFFFFFF  }
0xc9: {  	(tm) =	ssettm $0x7FFFFFFF  }
tec
execute0_lowered:
.L_overlay_start_1:
0x0: {  	(tag) =	ssettag $0x1  }
0x1: {  	s6 =	rddreg [dreg:$0x0]  }
0x2: {  	s11 =	rddreg [dreg:$0x1]  }
0x3: {  	s1 =	rddreg [dreg:$0x2]  }
0x4: {  	s0 =	rddreg [dreg:$0x3]  }
0x5: {  	s2 =	simm.s32 $0x0;
	s3 =	srdreg.scid;
	s5 =	stileid.u32  }
0x6: {  	s16 =	simm.s32 $0x80;
	s17 =	simm.s32 $0x1000;
	s18 =	simm.s32 $0x4  }
0x7: {  	s19 =	simm.s32 $0x2;
	s20 =	simm.s32 $0x2080;
	s21 =	simm.s32 $0x1800  }
0x8: {  	s22 =	simm.s32 $0x3;
	s24 =	simm.s32 $0x0;
	[smem:$0x7FF] =	sst s2  }
0x9: {  	s8 =	sand.u32 $0x1, s3;
	s3 =	sadd.s32 $0xD400, s6;
	s4 =	sadd.s32 $0x3600, s6  }
0xa: {  	s6 =	sadd.s32 $0xA9800, s6;
	s13 =	smul.u32 $0x2710, s5;
	s29 =	sshll.u32 s5, $0x1  }
0xb: {  	p0 =	slt.u32 s5, $0x2;
	_ =	strace $0x8000004A;
	s7 =	ssub.s32 $0x2, s8  }
0xc: {  	s10 =	smul.u32 $0x27100, s8;
	s8 =	sor.u32 s8, s29;
	s9 =	sshrl.u32 s7, $0x1  }
0xd: {  	s31 =	sshll.u32 s8, $0x8;
	s14 =	sshll.u32 s8, $0x4;
	s23 =	sadd.s32 s13, s1  }
.Ltmp0:
0xe: {  	s12 =	ssub.s32 s7, s9;
	s7 =	simm.s32 $0x4F;
	(pc) =	sbr.rel .LBB2_1-.Ltmp0, $4  }
0xf: {  	s30 =	sadd.s32 s13, s10;
	s9 =	sadd.s32 s3, s31;
	s10 =	sadd.s32 s4, s14  }
0x10: {  	s14 =	simm.s32 $0x2000;
	s23 =	sshrl.u32 s23, $0x3;
	s7 =	simm.s32 @!p0 $0x4E  }
0x11: {  	s15 =	sshrl.u32 s30, $0x3;
	s12 =	smax.u32 s12, $0x1;
	p0 =	sne.s32 s5, $0x0  }
0x12: {  	s11 =	sadd.s32 s11, s15;
	s13 =	sshrl.u32 @!p0 s1, $0x3;
	s15 =	simm.s32 $0x1  }
.LBB2_10:
0x13: {  	s24 =	sadd.s32 $0x1, s24  }
0x14: {  	s25 =	sshll.u32 s5, $0x6;
	p1 =	sne.s32 s24, s12  }
.Ltmp1:
0x15: {  	[bflag:$0x0] =	sbarrier.arrive $0xFFFF;
	s25 =	sor.u32 $0x1C03, s25;
	(pc) =	sbr.rel @!p1 .LBB2_11-.Ltmp1, $4  }
0x16: {  	[hbm:s11], [sflag:s25] =	dma.local [spmem:s23], $0x4E2  }
0x17: {  	_ =	swait.ge [sflag:s22], $0x4E2  }
0x18: {  	[sflag:s22] =	ssyncset.done $0x0  }
0x19: {  	[sflag:s22] =	ssyncadd.s32 $0xFFFFFB1E  }
.LBB2_1:
0x1a: {  	s25 =	simm.s32 @!p0 $0x1C03  }
0x1b: {  	[spmem:s13], [sflag:s25] =	dma.local @!p0 [hbm:s6], $0x4E20  }
0x1c: {  	s25 =	simm.s32 @!p0 $0x3  }
0x1d: {  	_ =	swait.ge @!p0 [sflag:s25], $0x4E20  }
0x1e: {  	[sflag:s25] =	ssyncset.done @!p0 $0x0  }
.Ltmp2:
0x1f: {  	[sflag:s25] =	ssyncadd.s32 @!p0 $0xFFFFB1E0;
	(pc) =	sbr.rel .LBB2_2-.Ltmp2, $4  }
0x20: {  	[bflag:$0x0] =	sbarrier.arrive $0xFFFF  }
0x21: {  	[tilespmem:s2], [sflag:$0x1] =	stream.linear.gather [hbm4b:s9+s2], $0x800, $0x38;
	[tilespmem:$0x4810] =	vst v63  }
0x22: {  	s25 =	simm.s32 $0x0  }
0x23: {  	[tilespmem:s14], [sflag:$0x1] =	stream.linear.gather [hbm4b:s10+s2], $0x80, $0x38;
	[tilespmem:$0x4810] =	vst v63  }
.LBB2_9:
0x24: {  	s25 =	sadd.s32 $0x1, s25  }
0x25: {  	p1 =	sne.s32 s25, $0x28  }
.Ltmp3:
0x26: {  	_ = 	snop;
	(pc) =	sbr.rel @!p1 .LBB2_10-.Ltmp3, $1  }
0x27: {  	_ =	sdelay $0x3  }
.LBB2_2:
0x28: {  	s26 =	sshll.u32 s25, $0x1  }
0x29: {  	p1 =	sge.u32 s26, s7  }
.Ltmp4:
0x2a: {  	_ = 	snop;
	(pc) =	sbr.rel @p1 .LBB2_9-.Ltmp4, $1  }
0x2b: {  	_ =	sdelay $0x3  }
0x2c: {  	s28 =	sor.u32 $0x1, s26  }
0x2d: {  	p1 =	sge.u32 s28, s7  }
0x2e: {  	s28 =	sshll.u32 @!p1 s28, $0x5  }
0x2f: {  	s28 =	sor.u32 @!p1 s8, s28  }
0x30: {  	s29 =	sshll.u32 @!p1 s28, $0x8  }
0x31: {  	s30 =	simm.s32 @!p1 $0x0;
	s28 =	sshll.u32 @!p1 s28, $0x4;
	s29 =	sand.u32 @!p1 $0x1FFFFF00, s29  }
0x32: {  	s31 =	simm.s32 @!p1 $0x800;
	s28 =	sand.u32 @!p1 $0x1FFFFFF0, s28;
	s29 =	sadd.s32 @!p1 s3, s29  }
0x33: {  	[tilespmem:s31], [sflag:$0x2] =	stream.linear.gather @!p1 [hbm4b:s29+s30], $0x800, $0x38;
	[tilespmem:$0x4810] =	vst v63  }
0x34: {  	s28 =	sadd.s32 @!p1 s4, s28;
	s29 =	simm.s32 @!p1 $0x2080  }
0x35: {  	[tilespmem:s29], [sflag:$0x2] =	stream.linear.gather @!p1 [hbm4b:s28+s30], $0x80, $0x38;
	[tilespmem:$0x4810] =	vst v63  }
0x36: {  	_ =	swait.ge [sflag:s15], $0x800  }
0x37: {  	[sflag:s15] =	ssyncset.done $0x0  }
0x38: {  	[sflag:s15] =	ssyncadd.s32 $0xFFFFF800  }
0x39: {  	_ =	swait.ge [sflag:s15], $0x80  }
0x3a: {  	[sflag:s15] =	ssyncset.done $0x0  }
0x3b: {  	s28 =	simm.s32 $0x0;
	[sflag:s15] =	ssyncadd.s32 $0xFFFFFF80  }
0x3c: {  	v3 =	vld [tilespmem:s28+$0x70]  }
0x3d: {  	v4 =	vld [tilespmem:s28+$0x0]  }
0x3e: {  	v5 =	vld [tilespmem:s28+$0x10]  }
0x3f: {  	v2 =	vld [tilespmem:s28+$0x20]  }
0x40: {  	v0 =	vld [tilespmem:s28+$0x30]  }
0x41: {  	v1 =	vld [tilespmem:s28+$0x40];
	[tilespmem:s28+$0x1070] =	vst v3  }
0x42: {  	[tilespmem:s28+$0x1000] =	vst v4;
	v3 =	vld [tilespmem:s28+$0x50]  }
0x43: {  	s29 =	simm.s32 $0x80;
	s30 =	simm.s32 $0x400;
	[tilespmem:s28+$0x1010] =	vst v5;
	v4 =	vld [tilespmem:s28+$0x60]  }
.LBB2_4:
0x44: {  	p2 =	sne.s32 s30, $0x1E00;
	v5 =	vld [tilespmem:s29+$0x70];
	[tilespmem:s28+$0x1020] =	vst v2  }
0x45: {  	v6 =	vld [tilespmem:s29+$0x0];
	[tilespmem:s28+$0x1030] =	vst v0  }
0x46: {  	v7 =	vld [tilespmem:s29+$0x10];
	[tilespmem:s28+$0x1040] =	vst v1  }
.Ltmp5:
0x47: {  	v2 =	vld [tilespmem:s29+$0x20];
	[tilespmem:s28+$0x1050] =	vst v3;
	(pc) =	sbr.rel @p2 .LBB2_4-.Ltmp5, $4  }
0x48: {  	v0 =	vld [tilespmem:s29+$0x30];
	[tilespmem:s28+$0x1060] =	vst v4;
	s28 =	smov.u32 s29  }
0x49: {  	v1 =	vld [tilespmem:s28+$0x40];
	[tilespmem:s28+$0x1070] =	vst v5  }
0x4a: {  	[tilespmem:s28+$0x1000] =	vst v6;
	v3 =	vld [tilespmem:s28+$0x50]  }
0x4b: {  	s29 =	sshra.s32 s30, $0x2;
	s30 =	sadd.s32 $0x200, s30;
	[tilespmem:s28+$0x1010] =	vst v7;
	v4 =	vld [tilespmem:s28+$0x60]  }
0x4c: {  	v5 =	vld [tilespmem:s29+$0x70];
	[tilespmem:s28+$0x1020] =	vst v2  }
0x4d: {  	v2 =	vld [tilespmem:s29+$0x0];
	[tilespmem:s28+$0x1030] =	vst v0  }
0x4e: {  	v0 =	vld [tilespmem:s29+$0x10];
	[tilespmem:s28+$0x1040] =	vst v1  }
0x4f: {  	v1 =	vld [tilespmem:s29+$0x20];
	[tilespmem:s28+$0x1050] =	vst v3  }
0x50: {  	v3 =	vld [tilespmem:s29+$0x30];
	[tilespmem:s28+$0x1060] =	vst v4  }
0x51: {  	v4 =	vld [tilespmem:s29+$0x40];
	[tilespmem:s29+$0x1070] =	vst v5  }
0x52: {  	v62 =	vld [tilespmem:s29+$0x50];
	[tilespmem:s29+$0x1000] =	vst v2  }
0x53: {  	v63 =	vld [tilespmem:s29+$0x60];
	[tilespmem:s29+$0x1010] =	vst v0  }
0x54: {  	s26 =	sadd.s32 $0x2, s26;
	[tilespmem:s29+$0x1020] =	vst v1  }
0x55: {  	p2 =	sge.u32 s26, s7;
	[tilespmem:s29+$0x1030] =	vst v3  }
0x56: {  	s26 =	sshll.u32 @!p2 s26, $0x5;
	[tilespmem:s29+$0x1040] =	vst v4  }
0x57: {  	s26 =	sor.u32 @!p2 s8, s26;
	[tilespmem:s29+$0x1050] =	vst v62  }
0x58: {  	s28 =	sshll.u32 @!p2 s26, $0x8;
	[tilespmem:s29+$0x1060] =	vst v63  }
0x59: {  	[spmem:s1] =	stream.indirect.scatter.add.f32 [tilespmem:s17], [sflag:$0x4], $0x10, s14, s16, $0xb8;
	[tilespmem:$0x4810] =	vst v63  }
0x5a: {  	s26 =	sshll.u32 @!p2 s26, $0x4;
	s28 =	sand.u32 @!p2 $0x1FFFDF00, s28;
	_ =	swait.ge [sflag:s18], $0x800  }
.Ltmp6:
0x5b: {  	s26 =	sand.u32 @!p2 $0x1FFFFDF0, s26;
	[sflag:s18] =	ssyncset.done $0x0;
	(pc) =	sbr.rel @p1 .LBB2_9-.Ltmp6, $4  }
0x5c: {  	s28 =	sadd.s32 @!p2 s3, s28;
	s29 =	simm.s32 @!p2 $0x0;
	[sflag:s18] =	ssyncadd.s32 $0xFFFFF800  }
0x5d: {  	[tilespmem:s29], [sflag:$0x1] =	stream.linear.gather @!p2 [hbm4b:s28+s29], $0x800, $0x38;
	[tilespmem:$0x4810] =	vst v63  }
0x5e: {  	s26 =	sadd.s32 @!p2 s4, s26;
	s28 =	simm.s32 @!p2 $0x2000  }
0x5f: {  	[tilespmem:s28], [sflag:$0x1] =	stream.linear.gather @!p2 [hbm4b:s26+s29], $0x80, $0x38;
	[tilespmem:$0x4810] =	vst v63  }
0x60: {  	_ =	swait.ge [sflag:s19], $0x800  }
0x61: {  	[sflag:s19] =	ssyncset.done $0x0  }
0x62: {  	[sflag:s19] =	ssyncadd.s32 $0xFFFFF800  }
0x63: {  	_ =	swait.ge [sflag:s19], $0x80  }
0x64: {  	[sflag:s19] =	ssyncset.done $0x0  }
0x65: {  	s26 =	simm.s32 $0x0;
	[sflag:s19] =	ssyncadd.s32 $0xFFFFFF80  }
0x66: {  	v3 =	vld [tilespmem:s26+$0x870]  }
0x67: {  	v4 =	vld [tilespmem:s26+$0x800]  }
0x68: {  	v5 =	vld [tilespmem:s26+$0x810]  }
0x69: {  	v2 =	vld [tilespmem:s26+$0x820]  }
0x6a: {  	v0 =	vld [tilespmem:s26+$0x830]  }
0x6b: {  	v1 =	vld [tilespmem:s26+$0x840];
	[tilespmem:s26+$0x1870] =	vst v3  }
0x6c: {  	[tilespmem:s26+$0x1800] =	vst v4;
	v3 =	vld [tilespmem:s26+$0x850]  }
0x6d: {  	s28 =	simm.s32 $0x80;
	s29 =	simm.s32 $0x400;
	[tilespmem:s26+$0x1810] =	vst v5;
	v4 =	vld [tilespmem:s26+$0x860]  }
.LBB2_7:
0x6e: {  	p1 =	sne.s32 s29, $0x1E00;
	v5 =	vld [tilespmem:s28+$0x870];
	[tilespmem:s26+$0x1820] =	vst v2  }
0x6f: {  	v6 =	vld [tilespmem:s28+$0x800];
	[tilespmem:s26+$0x1830] =	vst v0  }
0x70: {  	v7 =	vld [tilespmem:s28+$0x810];
	[tilespmem:s26+$0x1840] =	vst v1  }
.Ltmp7:
0x71: {  	v2 =	vld [tilespmem:s28+$0x820];
	[tilespmem:s26+$0x1850] =	vst v3;
	(pc) =	sbr.rel @p1 .LBB2_7-.Ltmp7, $4  }
0x72: {  	v0 =	vld [tilespmem:s28+$0x830];
	[tilespmem:s26+$0x1860] =	vst v4;
	s26 =	smov.u32 s28  }
0x73: {  	v1 =	vld [tilespmem:s26+$0x840];
	[tilespmem:s26+$0x1870] =	vst v5  }
0x74: {  	[tilespmem:s26+$0x1800] =	vst v6;
	v3 =	vld [tilespmem:s26+$0x850]  }
0x75: {  	s28 =	sshra.s32 s29, $0x2;
	s29 =	sadd.s32 $0x200, s29;
	[tilespmem:s26+$0x1810] =	vst v7;
	v4 =	vld [tilespmem:s26+$0x860]  }
0x76: {  	v5 =	vld [tilespmem:s28+$0x870];
	[tilespmem:s26+$0x1820] =	vst v2  }
0x77: {  	v2 =	vld [tilespmem:s28+$0x800];
	[tilespmem:s26+$0x1830] =	vst v0  }
0x78: {  	v0 =	vld [tilespmem:s28+$0x810];
	[tilespmem:s26+$0x1840] =	vst v1  }
0x79: {  	v1 =	vld [tilespmem:s28+$0x820];
	[tilespmem:s26+$0x1850] =	vst v3  }
0x7a: {  	v3 =	vld [tilespmem:s28+$0x830];
	[tilespmem:s26+$0x1860] =	vst v4  }
0x7b: {  	v4 =	vld [tilespmem:s28+$0x840];
	[tilespmem:s28+$0x1870] =	vst v5  }
0x7c: {  	v62 =	vld [tilespmem:s28+$0x850];
	[tilespmem:s28+$0x1800] =	vst v2  }
0x7d: {  	v63 =	vld [tilespmem:s28+$0x860];
	[tilespmem:s28+$0x1810] =	vst v0  }
0x7e: {  	[tilespmem:s28+$0x1820] =	vst v1  }
0x7f: {  	[tilespmem:s28+$0x1830] =	vst v3  }
0x80: {  	[tilespmem:s28+$0x1840] =	vst v4  }
0x81: {  	[tilespmem:s28+$0x1850] =	vst v62  }
.Ltmp8:
0x82: {  	[tilespmem:s28+$0x1860] =	vst v63;
	(pc) =	sbr.rel .LBB2_9-.Ltmp8, $4  }
0x83: {  	[spmem:s1] =	stream.indirect.scatter.add.f32 [tilespmem:s21], [sflag:$0x3], $0x10, s20, s16, $0xb8;
	[tilespmem:$0x4810] =	vst v63  }
0x84: {  	_ =	swait.ge [sflag:s22], $0x800  }
0x85: {  	[sflag:s22] =	ssyncset.done $0x0  }
0x86: {  	[sflag:s22] =	ssyncadd.s32 $0xFFFFF800  }
.LBB2_11:
0x87: {  	_ =	sfence.sel $0x180000  }
0x88: {  	[bflag:$0x0] =	sbarrier.arrive $0xFFFF  }
0x89: {  	_ =	strace $0x9000004A  }
0x8a: {  	s0 =	sadd.s32 @!p0 $0x100000, s0;
	[bflag:$0x2] =	sbarrier.arrive $0xFFFF  }
0x8b: {  	[sflag:s0] =	ssyncadd.tile.s32 @!p0 $0x1;
	_ =	shalt  }
.Lfunc_end2:
_tile_overlayer_lowered:
.L_overlay_start_2:
0x8c: {  	(tag) =	ssettag $0x2  }
0x8d: {  	s0 =	rddreg [dreg:$0x0];
	s2 =	stileid.u32  }
0x8e: {  	s1 =	rddreg [dreg:$0x1];
	p0 =	sne.s32 s2, $0x0  }
0x8f: {  	s3 =	rddreg [dreg:$0x2];
	[bflag:$0x3] =	sbarrier.arrive $0xFFFF;
	s2 =	simm.s32 @!p0 $0x1C03  }
0x90: {  	[timem:s3], [sflag:s2] =	dma.local @!p0 [hbm:s0], s1  }
0x91: {  	s0 =	simm.s32 @!p0 $0x3  }
0x92: {  	_ =	swait.ge @!p0 [sflag:s0], s1  }
0x93: {  	s1 =	ssub.s32 @!p0 $0x0, s1;
	[sflag:s0] =	ssyncset.done @!p0 $0x0  }
0x94: {  	[sflag:s0] =	ssyncadd.s32 @!p0 s1  }
0x95: {  	[bflag:$0x3] =	sbarrier.arrive $0xFFFF  }
0x96: {  	_ =	shalt  }

// kernel: kernel.7.cloned.1.call-start
scs
__scs_entry_jumppad:
0x0: {  	(pc) =	sbr.rel $0x88, $3  }
0x1: {  	(tag) =	ssettag $0x0;
	lr =	simm.s32 $0x1  }
0x2: {  	[smem:$0x3F98] =	sst lr;
	_ =	strace $0xD0000000  }
0x3: {  	_ = 	snop  }
0x4: {  	_ = 	snop  }
0x5: {  	_ = 	snop  }
0x6: {  	_ = 	snop  }
0x7: {  	_ = 	snop  }
__scs_overlays_trampoline_lowered:
0x8: {  	[smem:$0x3FA7] =	sst s0  }
0x9: {  	[smem:$0x3FA8] =	sst s1  }
0xa: {  	[smem:$0x3FA9] =	sst s2  }
0xb: {  	[smem:$0x3FAA] =	sst s3  }
0xc: {  	[smem:$0x3FAB] =	sst s4  }
0xd: {  	[smem:$0x3FAC] =	sst s5  }
0xe: {  	[smem:$0x3FAD] =	sst s6  }
0xf: {  	[smem:$0x3FAE] =	sst s7  }
0x10: {  	[smem:$0x3FAF] =	sst s8  }
0x11: {  	[smem:$0x3FB0] =	sst s9;
	s0 =	simm.s32 @!p0 $0x0  }
0x12: {  	s1 =	sld [smem:$0x3F96];
	s0 =	simm.s32 @p0 $0x1  }
0x13: {  	[smem:$0x3FB1] =	sst s0;
	s0 =	simm.s32 @!p1 $0x0  }
0x14: {  	s2 =	sld [smem:$0x3F95];
	s0 =	simm.s32 @p1 $0x1  }
0x15: {  	[smem:$0x3FB2] =	sst s0;
	s0 =	simm.s32 @!p2 $0x0  }
0x16: {  	s3 =	sld [smem:$0x3FDB];
	s0 =	simm.s32 @p2 $0x1  }
0x17: {  	s4 =	simm.s32 $0x1BF5;
	[smem:$0x3FB4] =	sst s0  }
0x18: {  	s0 =	sld [smem:$0x3F97];
	_ =	swait.ge [sflag:s4], $0x0  }
0x19: {  	s7 =	sld [smem:$0x3F98]  }
0x1a: {  	s8 =	sadd.s32 $0xFFFFE003, lr  }
0x1b: {  	s9 =	sadd.s32 $0xFFFFFEF7, lr;
	s5 =	simm.s32 $0xFFFFFFFF;
	p2 =	slt.u32 s8, $0xFFFFF086  }
0x1c: {  	p1 =	slt.u32 s9, $0xF7A;
	s5 =	simm.s32 @!p2 $0x0  }
0x1d: {  	s5 =	simm.s32 @p1 $0x1;
	p0 =	seq.s32 s7, s2  }
0x1e: {  	s7 =	smul.u32 @!p0 $0xF7A, s2;
	p2 =	seq.s32 @!p0 s5, $0x0  }
0x1f: {  	s9 =	smul.u32 $0xF7A, s1;
	s8 =	simm.s32 @!p0 $0x1BF5;
	p2 =	por !p2, p0  }
0x20: {  	[sflag:s8] =	ssyncset.s32 @!p0 $0xFFFFF086;
	s6 =	sadd.s32 @!p0 s3, s7;
	s7 =	simm.s32 @!p0 $0x108  }
0x21: {  	s3 =	sadd.s32 s3, s9;
	s6 =	sadd.s32 @!p0 $0x88, s6;
	s7 =	simm.s32 @p2 $0x1082  }
0x22: {  	[simem:s7], [sflag:s8] =	dma.local @!p0 [hbm:s6], $0xF7A  }
0x23: {  	s9 =	sor.u32 $0xD0000000, s2;
	s6 =	simm.s32 $0x108;
	_ =	swait.ge @!p0 [sflag:s8], $0x0  }
0x24: {  	s3 =	sadd.s32 $0x88, s3;
	s6 =	simm.s32 @!p1 $0x1082;
	[sflag:s4] =	ssyncset.s32 $0xFFFFF086  }
0x25: {  	[simem:s6], [sflag:s4] =	dma.local [hbm:s3], $0xF7A  }
0x26: {  	[smem:$0x3F98] =	sst s1;
	(tag) =	ssettag s2;
	_ =	strace s9  }
0x27: {  	s1 =	sld [smem:$0x3FA8]  }
0x28: {  	s2 =	sld [smem:$0x3FA9]  }
0x29: {  	s4 =	sld [smem:$0x3FAB]  }
0x2a: {  	p0 =	seq.s32 s5, $0x0;
	s5 =	sld [smem:$0x3FAC]  }
0x2b: {  	s6 =	sld [smem:$0x3FAD]  }
0x2c: {  	s7 =	sld [smem:$0x3FAE]  }
0x2d: {  	s3 =	simm.s32 $0x108;
	s8 =	sld [smem:$0x3FAF]  }
0x2e: {  	s3 =	simm.s32 @!p0 $0x1082;
	s9 =	sld [smem:$0x3FB0]  }
0x2f: {  	lr =	sadd.s32 s0, s3;
	s0 =	sld [smem:$0x3FA7]  }
0x30: {  	s3 =	sld [smem:$0x3FAA]  }
0x31: {  	[smem:$0x3FB3] =	sst s10  }
0x32: {  	s10 =	sld [smem:$0x3FB1];
	_ =	sdelay $0x3  }
0x33: {  	p0 =	seq.s32 s10, $0x1;
	s10 =	sld [smem:$0x3FB3];
	_ =	sdelay $0x3  }
0x34: {  	[smem:$0x3FB3] =	sst s10  }
0x35: {  	s10 =	sld [smem:$0x3FB2];
	_ =	sdelay $0x3  }
0x36: {  	p1 =	seq.s32 s10, $0x1;
	s10 =	sld [smem:$0x3FB3];
	_ =	sdelay $0x3  }
0x37: {  	[smem:$0x3FB3] =	sst s10  }
0x38: {  	s10 =	sld [smem:$0x3FB4]  }
0x39: {  	_ = 	snop;
	(pc) =	sbr.ind lr, $3  }
0x3a: {  	_ = 	snop  }
0x3b: {  	_ = 	snop  }
0x3c: {  	p2 =	seq.s32 s10, $0x1;
	s10 =	sld [smem:$0x3FB3]  }
0x3d: {  	_ =	shalt  }
0x3e: {  	_ =	shalt  }
0x3f: {  	_ =	shalt  }
0x40: {  	_ =	shalt  }
0x41: {  	_ =	shalt  }
0x42: {  	_ =	shalt  }
0x43: {  	_ =	shalt  }
0x44: {  	_ =	shalt  }
0x45: {  	_ =	shalt  }
0x46: {  	_ =	shalt  }
0x47: {  	_ =	shalt  }
0x48: {  	_ =	shalt  }
0x49: {  	_ =	shalt  }
0x4a: {  	_ =	shalt  }
0x4b: {  	_ =	shalt  }
0x4c: {  	_ =	shalt  }
0x4d: {  	_ =	shalt  }
0x4e: {  	_ =	shalt  }
0x4f: {  	_ =	shalt  }
0x50: {  	_ =	shalt  }
0x51: {  	_ =	shalt  }
0x52: {  	_ =	shalt  }
0x53: {  	_ =	shalt  }
0x54: {  	_ =	shalt  }
0x55: {  	_ =	shalt  }
0x56: {  	_ =	shalt  }
0x57: {  	_ =	shalt  }
0x58: {  	_ =	shalt  }
0x59: {  	_ =	shalt  }
0x5a: {  	_ =	shalt  }
0x5b: {  	_ =	shalt  }
0x5c: {  	_ =	shalt  }
0x5d: {  	_ =	shalt  }
0x5e: {  	_ =	shalt  }
0x5f: {  	_ =	shalt  }
0x60: {  	_ =	shalt  }
0x61: {  	_ =	shalt  }
0x62: {  	_ =	shalt  }
0x63: {  	_ =	shalt  }
0x64: {  	_ =	shalt  }
0x65: {  	_ =	shalt  }
0x66: {  	_ =	shalt  }
0x67: {  	_ =	shalt  }
0x68: {  	_ =	shalt  }
0x69: {  	_ =	shalt  }
0x6a: {  	_ =	shalt  }
0x6b: {  	_ =	shalt  }
0x6c: {  	_ =	shalt  }
0x6d: {  	_ =	shalt  }
0x6e: {  	_ =	shalt  }
0x6f: {  	_ =	shalt  }
0x70: {  	_ =	shalt  }
0x71: {  	_ =	shalt  }
0x72: {  	_ =	shalt  }
0x73: {  	_ =	shalt  }
0x74: {  	_ =	shalt  }
0x75: {  	_ =	shalt  }
0x76: {  	_ =	shalt  }
0x77: {  	_ =	shalt  }
0x78: {  	_ =	shalt  }
0x79: {  	_ =	shalt  }
0x7a: {  	_ =	shalt  }
0x7b: {  	_ =	shalt  }
0x7c: {  	_ =	shalt  }
0x7d: {  	_ =	shalt  }
0x7e: {  	_ =	shalt  }
0x7f: {  	_ =	shalt  }
0x80: {  	_ =	shalt  }
0x81: {  	_ =	shalt  }
0x82: {  	_ =	shalt  }
0x83: {  	_ =	shalt  }
0x84: {  	_ =	shalt  }
0x85: {  	_ =	shalt  }
0x86: {  	_ =	shalt  }
0x87: {  	_ =	shalt  }
.Lfunc_end0:
.L_simem_size_0:
called_computation_lowered:
.L_overlay_start_0:
0x88: {  	s2 =	sld [smem:$0x3FD9]  }
0x89: {  	s3 =	sld [smem:$0x3FFE];
	_ =	sdelay $0x1  }
0x8a: {  	s1 =	srdreg.scid  }
0x8b: {  	s0 =	sand.u32 $0x1, s1  }
0x8c: {  	s14 =	sshll.u32 s0, $0xA;
	s2 =	sadd.s32 s3, s2  }
0x8d: {  	s2 =	sadd.s32 s2, s14  }
0x8e: {  	[smem:$0x3FBF] =	sst s2  }
0x8f: {  	_ = 	snop  }
0x90: {  	s2 =	sld [smem:$0x3FD0];
	_ =	sdelay $0x2  }
0x91: {  	s15 =	simm.s32 $0xA;
	s4 =	simm.s32 $0x10  }
0x92: {  	[smem:s4], [sflag:s15] =	dma.local [hbm:s2], $0x1  }
0x93: {  	_ =	swait.eq [sflag:s15], $0x1  }
0x94: {  	[sflag:s15] =	ssyncset.done $0x0  }
0x95: {  	[sflag:s15] =	ssyncadd.s32 $0xFFFFFFFF  }
0x96: {  	s16 =	sld [smem:$0x10];
	(tm) =	ssettm $0x1  }
0x97: {  	s17 =	sld [smem:$0x3FFB];
	_ =	sdelay $0x3  }
0x98: {  	_ =	strace s17  }
0x99: {  	s3 =	sld [smem:$0x3FFC];
	_ =	sdelay $0x3  }
0x9a: {  	_ =	strace s3  }
0x9b: {  	s3 =	sld [smem:$0x3FFD];
	_ =	sdelay $0x3  }
0x9c: {  	_ =	strace s3  }
0x9d: {  	_ =	strace $0x8FFFFFFF  }
0x9e: {  	s18 =	sld [smem:$0x3FDB];
	_ =	sdelay $0x1  }
0x9f: {  	s19 =	simm.s32 $_scs_section_size  }
0xa0: {  	s5 =	simm.s32 $_size__tile_overlayer_lowered;
	s6 =	simm.s32 $_tile_overlayer_lowered  }
0xa1: {  	s22 =	simm.s32 $0x1BFF;
	s21 =	sshll.u32 s6, $0x1;
	s3 =	sadd.s32 s19, s18  }
0xa2: {  	s7 =	simm.s32 $0x0;
	s20 =	sshll.u32 s5, $0x1;
	s5 =	sadd.s32 s21, s3  }
0xa3: {  	[timem:s7], [sflag:s22] =	dma.local [hbm:s5], s20  }
0xa4: {  	_ =	swait.ge [sflag:s22], s20  }
0xa5: {  	s4 =	ssub.s32 $0x0, s20;
	[sflag:s22] =	ssyncset.done $0x0  }
0xa6: {  	[sflag:s22] =	ssyncadd.s32 s4;
	_ =	sdelay $0x1  }
0xa7: {  	s23 =	simm.s32 $0x1B8B  }
0xa8: {  	_ =	swait.ge [sflag:s23], $0x1  }
0xa9: {  	[sflag:s23] =	ssyncset.done $0x0  }
0xaa: {  	s25 =	simm.s32 $0x1B8E;
	s24 =	sld [smem:$0x3FFE];
	[sflag:s23] =	ssyncadd.s32 $0xFFFFFFFF  }
0xab: {  	s26 =	simm.s32 $execute0_lowered;
	[smem:$0x3FD2] =	sst s25  }
0xac: {  	s5 =	sshll.u32 s26, $0x1;
	_ =	strace $0x80000046;
	[dreg:$0x1] =	wrdreg $0xFFFFFFFF  }
0xad: {  	s28 =	simm.s32 $_size_execute0_lowered;
	s3 =	sadd.s32 s3, s5;
	[dreg:$0x0] =	wrdreg $0x0  }
0xae: {  	s5 =	sshll.u32 s28, $0x1;
	[dreg:$0x2] =	wrdreg s3  }
0xaf: {  	[dreg:$0x3] =	wrdreg s5  }
0xb0: {  	[dreg:$0x4] =	wrdreg $0xC0  }
0xb1: {  	_ =	task [dreg:s7], $0x5FFFF  }
0xb2: {  	[dreg:$0x1] =	wrdreg $0xFFFFFFFF  }
0xb3: {  	[dreg:$0x0] =	wrdreg $0x60  }
0xb4: {  	[dreg:$0x2] =	wrdreg s16  }
0xb5: {  	[dreg:$0x3] =	wrdreg s24  }
0xb6: {  	[dreg:$0x4] =	wrdreg $0xC8000  }
0xb7: {  	[dreg:$0x5] =	wrdreg $0x9  }
0xb8: {  	_ =	task.clear_ibuf [dreg:s7], $0x6FFFF;
	_ =	strace $0x90000046  }
0xb9: {  	s29 =	simm.s32 $0x9;
	_ =	strace $0x80000048  }
0xba: {  	_ =	swait.ge [sflag:s29], $0x1  }
0xbb: {  	[sflag:s29] =	ssyncadd.s32 $0xFFFFFFFF  }
0xbc: {  	_ =	strace $0x90000048  }
0xbd: {  	_ =	sfence  }
0xbe: {  	s30 =	sld [smem:$0x0];
	_ =	sdelay $0x2  }
0xbf: {  	s31 =	sshll.u32 s1, $0xD;
	s1 =	sshrl.u32 s1, $0x2  }
0xc0: {  	s3 =	sand.u32 $0x4000, s31;
	s1 =	sadd.s32 s1, s30  }
0xc1: {  	s0 =	sor.u32 s3, s0;
	s1 =	sshll.u32 s1, $0x11  }
0xc2: {  	s0 =	sor.u32 s1, s0  }
0xc3: {  	s0 =	sadd.s32 $0x8F2B, s0  }
0xc4: {  	[sflag:s0] =	ssyncadd.remote.s32 $0x1  }
0xc5: {  	_ =	sfence.sel $0xFFFF  }
0xc6: {  	[dreg:$0x0] =	wrdreg $0xFFFFFFFF;
	(pc) =	sbr.abs _section_cstart, $3  }
0xc7: {  	[dreg:$0x1] =	wrdreg $0xFFFFFFFF  }
0xc8: {  	_ =	task.clear_ibuf [dreg:s7], $0x2FFFF;
	_ =	strace $0x9FFFFFFF  }
0xc9: {  	(tm) =	ssettm $0x7FFFFFFF  }
tec
execute0_lowered:
.L_overlay_start_1:
0x0: {  	(tag) =	ssettag $0x1  }
0x1: {  	s0 =	rddreg [dreg:$0x1]  }
0x2: {  	s2 =	rddreg [dreg:$0x2]  }
0x3: {  	s3 =	simm.s32 $0x0;
	s1 =	srdreg.scid;
	s7 =	stileid.u32  }
0x4: {  	s14 =	simm.s32 $0x5;
	s16 =	simm.s32 $0x80;
	s31 =	simm.s32 $0x400  }
0x5: {  	s23 =	simm.s32 $0x5800;
	s28 =	simm.s32 $0x6000;
	s29 =	simm.s32 $0x780  }
0x6: {  	s30 =	simm.s32 $0x8000;
	s15 =	simm.s32 $0x2;
	s12 =	simm.s32 $0x3  }
0x7: {  	s13 =	simm.s32 $0x4;
	s18 =	simm.s32 $0x0;
	[smem:$0x7FF] =	sst s3  }
0x8: {  	s1 =	sand.u32 $0x1, s1;
	s4 =	sshll.u32 s7, $0x1;
	s5 =	sadd.s32 $0x17400, s0  }
0x9: {  	s6 =	sadd.s32 $0x21400, s0;
	p0 =	sne.s32 s7, $0x0;
	s7 =	simm.s32 $0x1  }
0xa: {  	_ =	strace $0x80000047;
	s9 =	sor.u32 s1, s4;
	s1 =	ssub.s32 $0x2, s1  }
0xb: {  	s4 =	sadd.s32 $0xD400, s0;
	s10 =	smul.u32 $0x500, s9;
	s24 =	sshrl.u32 s1, $0x1  }
0xc: {  	s8 =	smul.u32 $0x2800, s9;
	s0 =	ssub.s32 s1, s24;
	s24 =	simm.s32 $0x700  }
0xd: {  	s1 =	simm.s32 $0xA800;
	s25 =	sadd.s32 s4, s10;
	s26 =	sadd.s32 s5, s10  }
0xe: {  	s10 =	smul.u32 $0x28000, s9;
	s11 =	sor.u32 $0x400, s8;
	[dreg:$0x4] =	wrdreg s25  }
0xf: {  	s0 =	smax.u32 s0, $0x1;
	s9 =	simm.s32 $0x8800;
	[dreg:$0x5] =	wrdreg s26  }
0x10: {  	[dreg:$0x6] =	wrdreg s0;
	s0 =	sshrl.u32 @!p0 s2, $0x3;
	s25 =	simm.s32 $0x7800  }
0x11: {  	s26 =	simm.s32 $0x580;
	[dreg:$0x7] =	wrdreg s0;
	s0 =	simm.s32 $0x600  }
.LBB2_1:
0x12: {  	[dreg:$0x8] =	wrdreg s18  }
0x13: {  	s18 =	rddreg [dreg:$0x0]  }
0x14: {  	s17 =	simm.s32 @!p0 $0x1C05;
	s19 =	rddreg [dreg:$0x7]  }
0x15: {  	[spmem:s19], [sflag:s17] =	dma.local @!p0 [hbm:s18], $0x1D4C0  }
0x16: {  	s17 =	simm.s32 @!p0 $0x5  }
0x17: {  	_ =	swait.ge @!p0 [sflag:s17], $0x1D4C0  }
0x18: {  	[sflag:s17] =	ssyncset.done @!p0 $0x0  }
0x19: {  	[sflag:s17] =	ssyncadd.s32 @!p0 $0xFFFE2B40  }
0x1a: {  	[bflag:$0x0] =	sbarrier.arrive $0xFFFF  }
0x1b: {  	s19 =	rddreg [dreg:$0x4]  }
0x1c: {  	[tilespmem:s3], [sflag:$0x5] =	stream.linear.gather [hbm4b:s19+s3], $0x200, $0x38;
	[tilespmem:$0x1B260] =	vst v63  }
0x1d: {  	_ =	swait.ge [sflag:s14], $0x200  }
0x1e: {  	[sflag:s14] =	ssyncset.done $0x0  }
0x1f: {  	s21 =	simm.s32 $0x200;
	s20 =	rddreg [dreg:$0x5];
	[sflag:s14] =	ssyncadd.s32 $0xFFFFFE00  }
0x20: {  	[tilespmem:s21], [sflag:$0x5] =	stream.linear.gather [hbm4b:s20+s3], $0x200, $0x38;
	[tilespmem:$0x1B260] =	vst v63  }
0x21: {  	_ =	swait.ge [sflag:s14], $0x200  }
0x22: {  	[sflag:s14] =	ssyncset.done $0x0  }
0x23: {  	s22 =	simm.s32 $0x800;
	[sflag:s14] =	ssyncadd.s32 $0xFFFFFE00  }
0x24: {  	[tilespmem:s22], [sflag:$0x1] =	stream.indirect.gather [spmem:s2], $0x10, s3, s16, $0xb8;
	[tilespmem:$0x1B260] =	vst v63  }
0x25: {  	s19 =	simm.s32 $0x2800  }
0x26: {  	[tilespmem:s19], [sflag:$0x2] =	stream.indirect.gather [spmem:s2], $0x10, s21, s16, $0xb8;
	[tilespmem:$0x1B260] =	vst v63  }
0x27: {  	s20 =	simm.s32 $0x1000  }
0x28: {  	[tilespmem:s20], [sflag:$0x1] =	stream.indirect.gather [spmem:s2], $0x10, s16, s16, $0xb8;
	[tilespmem:$0x1B260] =	vst v63  }
0x29: {  	s22 =	simm.s32 $0x3000;
	s21 =	simm.s32 $0x280  }
0x2a: {  	[tilespmem:s22], [sflag:$0x2] =	stream.indirect.gather [spmem:s2], $0x10, s21, s16, $0xb8;
	[tilespmem:$0x1B260] =	vst v63  }
0x2b: {  	s19 =	simm.s32 $0x100;
	s20 =	simm.s32 $0x1800  }
0x2c: {  	[tilespmem:s20], [sflag:$0x1] =	stream.indirect.gather [spmem:s2], $0x10, s19, s16, $0xb8;
	[tilespmem:$0x1B260] =	vst v63  }
0x2d: {  	s21 =	simm.s32 $0x300;
	s22 =	simm.s32 $0x3800  }
0x2e: {  	[tilespmem:s22], [sflag:$0x2] =	stream.indirect.gather [spmem:s2], $0x10, s21, s16, $0xb8;
	[tilespmem:$0x1B260] =	vst v63  }
0x2f: {  	s19 =	simm.s32 $0x180;
	s20 =	simm.s32 $0x2000  }
0x30: {  	[tilespmem:s20], [sflag:$0x1] =	stream.indirect.gather [spmem:s2], $0x10, s19, s16, $0xb8;
	[tilespmem:$0x1B260] =	vst v63  }
0x31: {  	s17 =	simm.s32 $0x0;
	s21 =	simm.s32 $0x380;
	s22 =	simm.s32 $0x4000  }
0x32: {  	[tilespmem:s22], [sflag:$0x2] =	stream.indirect.gather [spmem:s2], $0x10, s21, s16, $0xb8;
	[tilespmem:$0x1B260] =	vst v63  }
.LBB2_2:
0x33: {  	s18 =	sshllo.u32 s17, $0x1  }
0x34: {  	s19 =	sshll.u32 s18, $0x9  }
0x35: {  	s19 =	sadd.s32 s8, s19  }
0x36: {  	s19 =	sshrl.u32 s19, $0x3  }
0x37: {  	s21 =	simm.s32 $0x0;
	s20 =	sadd.s32 s4, s19  }
0x38: {  	[tilespmem:s31], [sflag:$0x5] =	stream.linear.gather [hbm4b:s20+s21], $0x200, $0x38;
	[tilespmem:$0x1B260] =	vst v63  }
0x39: {  	_ =	swait.ge [sflag:s14], $0x200  }
0x3a: {  	[sflag:s14] =	ssyncset.done $0x0  }
0x3b: {  	s19 =	sadd.s32 s5, s19;
	[sflag:s14] =	ssyncadd.s32 $0xFFFFFE00  }
0x3c: {  	[tilespmem:s0], [sflag:$0x5] =	stream.linear.gather [hbm4b:s19+s21], $0x200, $0x38;
	[tilespmem:$0x1B260] =	vst v63  }
0x3d: {  	_ =	swait.ge [sflag:s14], $0x200  }
0x3e: {  	[sflag:s14] =	ssyncset.done $0x0  }
0x3f: {  	s22 =	simm.s32 $0x4800;
	[sflag:s14] =	ssyncadd.s32 $0xFFFFFE00  }
0x40: {  	[tilespmem:s22], [sflag:$0x3] =	stream.indirect.gather [spmem:s2], $0x10, s31, s16, $0xb8;
	[tilespmem:$0x1B260] =	vst v63  }
0x41: {  	s20 =	simm.s32 $0x6800  }
0x42: {  	[tilespmem:s20], [sflag:$0x4] =	stream.indirect.gather [spmem:s2], $0x10, s0, s16, $0xb8;
	[tilespmem:$0x1B260] =	vst v63  }
0x43: {  	s21 =	simm.s32 $0x480;
	s22 =	simm.s32 $0x5000  }
0x44: {  	[tilespmem:s22], [sflag:$0x3] =	stream.indirect.gather [spmem:s2], $0x10, s21, s16, $0xb8;
	[tilespmem:$0x1B260] =	vst v63  }
0x45: {  	s20 =	simm.s32 $0x680;
	s21 =	simm.s32 $0x7000  }
0x46: {  	[tilespmem:s21], [sflag:$0x4] =	stream.indirect.gather [spmem:s2], $0x10, s20, s16, $0xb8;
	[tilespmem:$0x1B260] =	vst v63  }
0x47: {  	s22 =	simm.s32 $0x500  }
0x48: {  	[tilespmem:s23], [sflag:$0x3] =	stream.indirect.gather [spmem:s2], $0x10, s22, s16, $0xb8;
	[tilespmem:$0x1B260] =	vst v63  }
0x49: {  	_ = 	snop  }
0x4a: {  	[tilespmem:s25], [sflag:$0x4] =	stream.indirect.gather [spmem:s2], $0x10, s24, s16, $0xb8;
	[tilespmem:$0x1B260] =	vst v63  }
0x4b: {  	_ = 	snop  }
0x4c: {  	[tilespmem:s28], [sflag:$0x3] =	stream.indirect.gather [spmem:s2], $0x10, s26, s16, $0xb8;
	[tilespmem:$0x1B260] =	vst v63  }
0x4d: {  	_ = 	snop  }
0x4e: {  	[tilespmem:s30], [sflag:$0x4] =	stream.indirect.gather [spmem:s2], $0x10, s29, s16, $0xb8;
	[tilespmem:$0x1B260] =	vst v63  }
0x4f: {  	_ =	swait.ge [sflag:s7], $0x800  }
0x50: {  	[sflag:s7] =	ssyncset.done $0x0  }
0x51: {  	[sflag:s7] =	ssyncadd.s32 $0xFFFFF800  }
0x52: {  	_ =	swait.ge [sflag:s15], $0x800  }
0x53: {  	[sflag:s15] =	ssyncset.done $0x0  }
0x54: {  	[sflag:s15] =	ssyncadd.s32 $0xFFFFF800  }
0x55: {  	_ =	swait.ge [sflag:s7], $0x800  }
0x56: {  	[sflag:s7] =	ssyncset.done $0x0  }
0x57: {  	[sflag:s7] =	ssyncadd.s32 $0xFFFFF800  }
0x58: {  	_ =	swait.ge [sflag:s15], $0x800  }
0x59: {  	[sflag:s15] =	ssyncset.done $0x0  }
0x5a: {  	[sflag:s15] =	ssyncadd.s32 $0xFFFFF800  }
0x5b: {  	_ =	swait.ge [sflag:s7], $0x800  }
0x5c: {  	[sflag:s7] =	ssyncset.done $0x0  }
0x5d: {  	[sflag:s7] =	ssyncadd.s32 $0xFFFFF800  }
0x5e: {  	_ =	swait.ge [sflag:s15], $0x800  }
0x5f: {  	[sflag:s15] =	ssyncset.done $0x0  }
0x60: {  	[sflag:s15] =	ssyncadd.s32 $0xFFFFF800  }
0x61: {  	_ =	swait.ge [sflag:s7], $0x800  }
0x62: {  	[sflag:s7] =	ssyncset.done $0x0  }
0x63: {  	[sflag:s7] =	ssyncadd.s32 $0xFFFFF800  }
0x64: {  	_ =	swait.ge [sflag:s15], $0x800  }
0x65: {  	[sflag:s15] =	ssyncset.done $0x0  }
0x66: {  	s19 =	simm.s32 $0x0;
	[sflag:s15] =	ssyncadd.s32 $0xFFFFF800  }
0x67: {  	v0 =	vld [tilespmem:s19+$0x870]  }
0x68: {  	v1 =	vld [tilespmem:s19+$0x2870]  }
0x69: {  	v2 =	vld [tilespmem:s19+$0x800]  }
0x6a: {  	v3 =	vld [tilespmem:s19+$0x2800]  }
0x6b: {  	v4 =	vld [tilespmem:s19+$0x810]  }
0x6c: {  	v5 =	vld [tilespmem:s19+$0x2810]  }
0x6d: {  	v6 =	vld [tilespmem:s19+$0x820]  }
0x6e: {  	v7 =	vld [tilespmem:s19+$0x830]  }
0x6f: {  	v0 =	vadd.f32 v1, v0;
	v1 =	vld [tilespmem:s19+$0x2820]  }
0x70: {  	v8 =	vld [tilespmem:s19+$0x2830]  }
0x71: {  	v9 =	vld [tilespmem:s19+$0x2840];
	v2 =	vadd.f32 v3, v2  }
0x72: {  	[tilespmem:s19+$0x8870] =	vst v0;
	v0 =	vadd.f32 v5, v4;
	v5 =	vld [tilespmem:s19+$0x840]  }
0x73: {  	v3 =	vld [tilespmem:s19+$0x2850];
	[tilespmem:s19+$0x8800] =	vst v2  }
0x74: {  	v2 =	vld [tilespmem:s19+$0x850];
	[tilespmem:s19+$0x8810] =	vst v0;
	v0 =	vadd.f32 v1, v6  }
0x75: {  	v4 =	vld [tilespmem:s19+$0x2860];
	v6 =	vadd.f32 v8, v7  }
0x76: {  	s20 =	simm.s32 $0x80;
	[tilespmem:s19+$0x8820] =	vst v0;
	v0 =	vld [tilespmem:s19+$0x860]  }
0x77: {  	s21 =	simm.s32 $0x400;
	v5 =	vadd.f32 v9, v5;
	v1 =	vld [tilespmem:s20+$0x870];
	[tilespmem:s19+$0x8830] =	vst v6  }
.LBB2_3:
0x78: {  	p1 =	sne.s32 s21, $0x7E00;
	v6 =	vld [tilespmem:s20+$0x2870]  }
0x79: {  	v7 =	vld [tilespmem:s20+$0x800];
	[tilespmem:s19+$0x8840] =	vst v5;
	v2 =	vadd.f32 v3, v2  }
0x7a: {  	v3 =	vld [tilespmem:s20+$0x2800]  }
0x7b: {  	v5 =	vld [tilespmem:s20+$0x810];
	[tilespmem:s19+$0x8850] =	vst v2;
	v0 =	vadd.f32 v4, v0  }
0x7c: {  	v2 =	vld [tilespmem:s20+$0x2810]  }
0x7d: {  	v4 =	vld [tilespmem:s20+$0x820];
	v1 =	vadd.f32 v6, v1;
	[tilespmem:s19+$0x8860] =	vst v0;
	s19 =	smov.u32 s20  }
0x7e: {  	v0 =	vld [tilespmem:s19+$0x2820]  }
0x7f: {  	v3 =	vadd.f32 v3, v7;
	v6 =	vld [tilespmem:s19+$0x830];
	[tilespmem:s19+$0x8870] =	vst v1  }
0x80: {  	v1 =	vld [tilespmem:s19+$0x2830]  }
0x81: {  	[tilespmem:s19+$0x8800] =	vst v3;
	v2 =	vadd.f32 v2, v5;
	v5 =	vld [tilespmem:s19+$0x840]  }
0x82: {  	v7 =	vld [tilespmem:s19+$0x2840]  }
.Ltmp0:
0x83: {  	[tilespmem:s19+$0x8810] =	vst v2;
	v0 =	vadd.f32 v0, v4;
	v2 =	vld [tilespmem:s19+$0x850];
	(pc) =	sbr.rel @p1 .LBB2_3-.Ltmp0, $4  }
0x84: {  	v3 =	vld [tilespmem:s19+$0x2850]  }
0x85: {  	[tilespmem:s19+$0x8820] =	vst v0;
	v6 =	vadd.f32 v1, v6;
	v0 =	vld [tilespmem:s19+$0x860]  }
0x86: {  	s20 =	sshra.s32 s21, $0x2;
	v4 =	vld [tilespmem:s19+$0x2860]  }
0x87: {  	s21 =	sadd.s32 $0x200, s21;
	v1 =	vld [tilespmem:s20+$0x870];
	[tilespmem:s19+$0x8830] =	vst v6;
	v5 =	vadd.f32 v7, v5  }
0x88: {  	v6 =	vld [tilespmem:s20+$0x2870]  }
0x89: {  	v7 =	vld [tilespmem:s20+$0x800];
	[tilespmem:s19+$0x8840] =	vst v5;
	v2 =	vadd.f32 v3, v2  }
0x8a: {  	v3 =	vld [tilespmem:s20+$0x2800]  }
0x8b: {  	v5 =	vld [tilespmem:s20+$0x810];
	[tilespmem:s19+$0x8850] =	vst v2;
	v0 =	vadd.f32 v4, v0  }
0x8c: {  	v2 =	vld [tilespmem:s20+$0x2810]  }
0x8d: {  	v4 =	vld [tilespmem:s20+$0x820];
	[tilespmem:s19+$0x8860] =	vst v0  }
0x8e: {  	v0 =	vadd.f32 v6, v1;
	v1 =	vld [tilespmem:s20+$0x2820]  }
0x8f: {  	v6 =	vld [tilespmem:s20+$0x830]  }
0x90: {  	v3 =	vadd.f32 v3, v7;
	[tilespmem:s20+$0x8870] =	vst v0;
	v0 =	vld [tilespmem:s20+$0x2830]  }
0x91: {  	v7 =	vld [tilespmem:s20+$0x2860]  }
0x92: {  	[tilespmem:s20+$0x8800] =	vst v3;
	v2 =	vadd.f32 v2, v5;
	v3 =	vld [tilespmem:s20+$0x840]  }
0x93: {  	v5 =	vld [tilespmem:s20+$0x2840]  }
0x94: {  	[tilespmem:s20+$0x8810] =	vst v2;
	v1 =	vadd.f32 v1, v4;
	v2 =	vld [tilespmem:s20+$0x850]  }
0x95: {  	v4 =	vld [tilespmem:s20+$0x2850]  }
0x96: {  	[tilespmem:s20+$0x8820] =	vst v1;
	v1 =	vld [tilespmem:s20+$0x860];
	_ =	sdelay $0x1  }
0x97: {  	v0 =	vadd.f32 v0, v6  }
0x98: {  	v3 =	vadd.f32 v5, v3  }
0x99: {  	s22 =	sshll.u32 s17, $0xE;
	[tilespmem:s20+$0x8830] =	vst v0;
	v0 =	vadd.f32 v4, v2  }
0x9a: {  	s19 =	sadd.s32 s10, s22;
	[tilespmem:s20+$0x8840] =	vst v3;
	v1 =	vadd.f32 v7, v1  }
0x9b: {  	s19 =	sshrl.u32 s19, $0x3;
	[tilespmem:s20+$0x8850] =	vst v0  }
0x9c: {  	p1 =	seq.s32 s17, $0x9;
	s19 =	sadd.s32 s6, s19;
	[tilespmem:s20+$0x8860] =	vst v1  }
0x9d: {  	[hbm4b:s19+s3] =	stream.linear.scatter [tilespmem:s9], [sflag:$0x5], $0x2000, $0x38;
	[tilespmem:$0x1B260] =	vst v63  }
0x9e: {  	s19 =	sshll.u32 @!p1 s17, $0xA  }
0x9f: {  	_ =	swait.ge [sflag:s14], $0x2000;
	s19 =	sadd.s32 @!p1 s19, s11  }
0xa0: {  	[sflag:s14] =	ssyncset.done $0x0;
	s19 =	sshrl.u32 @!p1 s19, $0x3  }
0xa1: {  	s21 =	simm.s32 @!p1 $0x0;
	[sflag:s14] =	ssyncadd.s32 $0xFFFFE000;
	s20 =	sadd.s32 @!p1 s4, s19  }
0xa2: {  	[tilespmem:s21], [sflag:$0x5] =	stream.linear.gather @!p1 [hbm4b:s20+s21], $0x200, $0x38;
	[tilespmem:$0x1B260] =	vst v63  }
0xa3: {  	s20 =	simm.s32 @!p1 $0x5  }
0xa4: {  	_ =	swait.ge @!p1 [sflag:s20], $0x200  }
0xa5: {  	[sflag:s20] =	ssyncset.done @!p1 $0x0  }
0xa6: {  	s22 =	simm.s32 @!p1 $0x200;
	s19 =	sadd.s32 @!p1 s5, s19;
	[sflag:s20] =	ssyncadd.s32 @!p1 $0xFFFFFE00  }
0xa7: {  	[tilespmem:s22], [sflag:$0x5] =	stream.linear.gather @!p1 [hbm4b:s19+s21], $0x200, $0x38;
	[tilespmem:$0x1B260] =	vst v63  }
0xa8: {  	_ =	swait.ge @!p1 [sflag:s20], $0x200  }
0xa9: {  	[sflag:s20] =	ssyncset.done @!p1 $0x0  }
0xaa: {  	s19 =	simm.s32 @!p1 $0x80;
	[sflag:s20] =	ssyncadd.s32 @!p1 $0xFFFFFE00;
	s20 =	simm.s32 @!p1 $0x800  }
0xab: {  	[tilespmem:s20], [sflag:$0x1] =	stream.indirect.gather @!p1 [spmem:s2], $0x10, s21, s19, $0xb8;
	[tilespmem:$0x1B260] =	vst v63  }
0xac: {  	s20 =	simm.s32 @!p1 $0x2800  }
0xad: {  	[tilespmem:s20], [sflag:$0x2] =	stream.indirect.gather @!p1 [spmem:s2], $0x10, s22, s19, $0xb8;
	[tilespmem:$0x1B260] =	vst v63  }
0xae: {  	s20 =	simm.s32 @!p1 $0x1000  }
0xaf: {  	[tilespmem:s20], [sflag:$0x1] =	stream.indirect.gather @!p1 [spmem:s2], $0x10, s19, s19, $0xb8;
	[tilespmem:$0x1B260] =	vst v63  }
0xb0: {  	s21 =	simm.s32 @!p1 $0x3000;
	s20 =	simm.s32 @!p1 $0x280  }
0xb1: {  	[tilespmem:s21], [sflag:$0x2] =	stream.indirect.gather @!p1 [spmem:s2], $0x10, s20, s19, $0xb8;
	[tilespmem:$0x1B260] =	vst v63  }
0xb2: {  	s20 =	simm.s32 @!p1 $0x100;
	s21 =	simm.s32 @!p1 $0x1800  }
0xb3: {  	[tilespmem:s21], [sflag:$0x1] =	stream.indirect.gather @!p1 [spmem:s2], $0x10, s20, s19, $0xb8;
	[tilespmem:$0x1B260] =	vst v63  }
0xb4: {  	s20 =	simm.s32 @!p1 $0x300;
	s21 =	simm.s32 @!p1 $0x3800  }
0xb5: {  	[tilespmem:s21], [sflag:$0x2] =	stream.indirect.gather @!p1 [spmem:s2], $0x10, s20, s19, $0xb8;
	[tilespmem:$0x1B260] =	vst v63  }
0xb6: {  	s20 =	simm.s32 @!p1 $0x180;
	s21 =	simm.s32 @!p1 $0x2000  }
0xb7: {  	[tilespmem:s21], [sflag:$0x1] =	stream.indirect.gather @!p1 [spmem:s2], $0x10, s20, s19, $0xb8;
	[tilespmem:$0x1B260] =	vst v63  }
0xb8: {  	s20 =	simm.s32 @!p1 $0x380;
	s21 =	simm.s32 @!p1 $0x4000  }
0xb9: {  	[tilespmem:s21], [sflag:$0x2] =	stream.indirect.gather @!p1 [spmem:s2], $0x10, s20, s19, $0xb8;
	[tilespmem:$0x1B260] =	vst v63  }
0xba: {  	_ =	swait.ge [sflag:s12], $0x800  }
0xbb: {  	[sflag:s12] =	ssyncset.done $0x0  }
0xbc: {  	[sflag:s12] =	ssyncadd.s32 $0xFFFFF800  }
0xbd: {  	_ =	swait.ge [sflag:s13], $0x800  }
0xbe: {  	[sflag:s13] =	ssyncset.done $0x0  }
0xbf: {  	[sflag:s13] =	ssyncadd.s32 $0xFFFFF800  }
0xc0: {  	_ =	swait.ge [sflag:s12], $0x800  }
0xc1: {  	[sflag:s12] =	ssyncset.done $0x0  }
0xc2: {  	[sflag:s12] =	ssyncadd.s32 $0xFFFFF800  }
0xc3: {  	_ =	swait.ge [sflag:s13], $0x800  }
0xc4: {  	[sflag:s13] =	ssyncset.done $0x0  }
0xc5: {  	[sflag:s13] =	ssyncadd.s32 $0xFFFFF800  }
0xc6: {  	_ =	swait.ge [sflag:s12], $0x800  }
0xc7: {  	[sflag:s12] =	ssyncset.done $0x0  }
0xc8: {  	[sflag:s12] =	ssyncadd.s32 $0xFFFFF800  }
0xc9: {  	_ =	swait.ge [sflag:s13], $0x800  }
0xca: {  	[sflag:s13] =	ssyncset.done $0x0  }
0xcb: {  	[sflag:s13] =	ssyncadd.s32 $0xFFFFF800  }
0xcc: {  	_ =	swait.ge [sflag:s12], $0x800  }
0xcd: {  	[sflag:s12] =	ssyncset.done $0x0  }
0xce: {  	[sflag:s12] =	ssyncadd.s32 $0xFFFFF800  }
0xcf: {  	_ =	swait.ge [sflag:s13], $0x800  }
0xd0: {  	[sflag:s13] =	ssyncset.done $0x0  }
0xd1: {  	s19 =	simm.s32 $0x0;
	[sflag:s13] =	ssyncadd.s32 $0xFFFFF800  }
0xd2: {  	v0 =	vld [tilespmem:s19+$0x4870]  }
0xd3: {  	v1 =	vld [tilespmem:s19+$0x6870]  }
0xd4: {  	v2 =	vld [tilespmem:s19+$0x4800]  }
0xd5: {  	v3 =	vld [tilespmem:s19+$0x6800]  }
0xd6: {  	v4 =	vld [tilespmem:s19+$0x4810]  }
0xd7: {  	v5 =	vld [tilespmem:s19+$0x6810]  }
0xd8: {  	v6 =	vld [tilespmem:s19+$0x4820]  }
0xd9: {  	v7 =	vld [tilespmem:s19+$0x4830]  }
0xda: {  	v0 =	vadd.f32 v1, v0;
	v1 =	vld [tilespmem:s19+$0x6820]  }
0xdb: {  	v8 =	vld [tilespmem:s19+$0x6830]  }
0xdc: {  	v9 =	vld [tilespmem:s19+$0x6840];
	v2 =	vadd.f32 v3, v2  }
0xdd: {  	[tilespmem:s19+$0xA870] =	vst v0;
	v0 =	vadd.f32 v5, v4;
	v5 =	vld [tilespmem:s19+$0x4840]  }
0xde: {  	v3 =	vld [tilespmem:s19+$0x6850];
	[tilespmem:s19+$0xA800] =	vst v2  }
0xdf: {  	v2 =	vld [tilespmem:s19+$0x4850];
	[tilespmem:s19+$0xA810] =	vst v0;
	v0 =	vadd.f32 v1, v6  }
0xe0: {  	v4 =	vld [tilespmem:s19+$0x6860];
	v6 =	vadd.f32 v8, v7  }
0xe1: {  	s20 =	simm.s32 $0x80;
	[tilespmem:s19+$0xA820] =	vst v0;
	v0 =	vld [tilespmem:s19+$0x4860]  }
0xe2: {  	s21 =	simm.s32 $0x400;
	v5 =	vadd.f32 v9, v5;
	v1 =	vld [tilespmem:s20+$0x4870];
	[tilespmem:s19+$0xA830] =	vst v6  }
.LBB2_5:
0xe3: {  	p1 =	sne.s32 s21, $0x7E00;
	v6 =	vld [tilespmem:s20+$0x6870]  }
0xe4: {  	v7 =	vld [tilespmem:s20+$0x4800];
	[tilespmem:s19+$0xA840] =	vst v5;
	v2 =	vadd.f32 v3, v2  }
0xe5: {  	v3 =	vld [tilespmem:s20+$0x6800]  }
0xe6: {  	v5 =	vld [tilespmem:s20+$0x4810];
	[tilespmem:s19+$0xA850] =	vst v2;
	v0 =	vadd.f32 v4, v0  }
0xe7: {  	v2 =	vld [tilespmem:s20+$0x6810]  }
0xe8: {  	v4 =	vld [tilespmem:s20+$0x4820];
	v1 =	vadd.f32 v6, v1;
	[tilespmem:s19+$0xA860] =	vst v0;
	s19 =	smov.u32 s20  }
0xe9: {  	v0 =	vld [tilespmem:s19+$0x6820]  }
0xea: {  	v3 =	vadd.f32 v3, v7;
	v6 =	vld [tilespmem:s19+$0x4830];
	[tilespmem:s19+$0xA870] =	vst v1  }
0xeb: {  	v1 =	vld [tilespmem:s19+$0x6830]  }
0xec: {  	[tilespmem:s19+$0xA800] =	vst v3;
	v2 =	vadd.f32 v2, v5;
	v5 =	vld [tilespmem:s19+$0x4840]  }
0xed: {  	v7 =	vld [tilespmem:s19+$0x6840]  }
.Ltmp1:
0xee: {  	[tilespmem:s19+$0xA810] =	vst v2;
	v0 =	vadd.f32 v0, v4;
	v2 =	vld [tilespmem:s19+$0x4850];
	(pc) =	sbr.rel @p1 .LBB2_5-.Ltmp1, $4  }
0xef: {  	v3 =	vld [tilespmem:s19+$0x6850]  }
0xf0: {  	[tilespmem:s19+$0xA820] =	vst v0;
	v6 =	vadd.f32 v1, v6;
	v0 =	vld [tilespmem:s19+$0x4860]  }
0xf1: {  	s20 =	sshra.s32 s21, $0x2;
	v4 =	vld [tilespmem:s19+$0x6860]  }
0xf2: {  	s21 =	sadd.s32 $0x200, s21;
	v1 =	vld [tilespmem:s20+$0x4870];
	[tilespmem:s19+$0xA830] =	vst v6;
	v5 =	vadd.f32 v7, v5  }
0xf3: {  	v6 =	vld [tilespmem:s20+$0x6870]  }
0xf4: {  	v7 =	vld [tilespmem:s20+$0x4800];
	[tilespmem:s19+$0xA840] =	vst v5;
	v2 =	vadd.f32 v3, v2  }
0xf5: {  	v51 =	vld [tilespmem:s20+$0x6800]  }
0xf6: {  	v5 =	vld [tilespmem:s20+$0x4810];
	[tilespmem:s19+$0xA850] =	vst v2;
	v0 =	vadd.f32 v4, v0  }
0xf7: {  	v2 =	vld [tilespmem:s20+$0x6810]  }
0xf8: {  	v52 =	vld [tilespmem:s20+$0x4820];
	[tilespmem:s19+$0xA860] =	vst v0  }
0xf9: {  	v54 =	vld [tilespmem:s20+$0x6820]  }
0xfa: {  	v55 =	vld [tilespmem:s20+$0x4830]  }
0xfb: {  	v56 =	vld [tilespmem:s20+$0x6830]  }
0xfc: {  	v57 =	vld [tilespmem:s20+$0x4840]  }
0xfd: {  	v58 =	vld [tilespmem:s20+$0x6840]  }
0xfe: {  	v59 =	vld [tilespmem:s20+$0x4850]  }
0xff: {  	v53 =	vadd.f32 v6, v1;
	v60 =	vld [tilespmem:s20+$0x6850]  }
0x100: {  	v61 =	vld [tilespmem:s20+$0x4860];
	v3 =	vadd.f32 v51, v7  }
0x101: {  	v62 =	vld [tilespmem:s20+$0x6860];
	[tilespmem:s20+$0xA870] =	vst v53;
	v2 =	vadd.f32 v2, v5  }
0x102: {  	[tilespmem:s20+$0xA800] =	vst v3;
	v1 =	vadd.f32 v54, v52  }
0x103: {  	[tilespmem:s20+$0xA810] =	vst v2;
	v0 =	vadd.f32 v56, v55  }
0x104: {  	v3 =	vadd.f32 v58, v57;
	[tilespmem:s20+$0xA820] =	vst v1  }
0x105: {  	s18 =	sshll.u32 s18, $0xD;
	v63 =	vadd.f32 v60, v59;
	[tilespmem:s20+$0xA830] =	vst v0  }
0x106: {  	s17 =	sadd.s32 $0x1, s17;
	s18 =	sadd.s32 s10, s18;
	[tilespmem:s20+$0xA840] =	vst v3;
	v1 =	vadd.f32 v62, v61  }
0x107: {  	p1 =	sne.s32 s17, $0xA;
	s18 =	sshrl.u32 s18, $0x3;
	[tilespmem:s20+$0xA850] =	vst v63  }
.Ltmp2:
0x108: {  	s18 =	sadd.s32 s6, s18;
	[tilespmem:s20+$0xA860] =	vst v1;
	(pc) =	sbr.rel @p1 .LBB2_2-.Ltmp2, $4  }
0x109: {  	[hbm4b:s18+s3] =	stream.linear.scatter [tilespmem:s1], [sflag:$0x5], $0x2000, $0x38;
	[tilespmem:$0x1B260] =	vst v63  }
0x10a: {  	_ =	swait.ge [sflag:s14], $0x2000  }
0x10b: {  	[sflag:s14] =	ssyncset.done $0x0  }
0x10c: {  	[sflag:s14] =	ssyncadd.s32 $0xFFFFE000  }
0x10d: {  	s18 =	rddreg [dreg:$0x8]  }
0x10e: {  	s17 =	rddreg [dreg:$0x6];
	s18 =	sadd.s32 $0x1, s18  }
0x10f: {  	p1 =	sne.s32 s18, s17  }
.Ltmp3:
0x110: {  	_ = 	snop;
	(pc) =	sbr.rel @p1 .LBB2_1-.Ltmp3, $1  }
0x111: {  	_ =	sdelay $0x3  }
0x112: {  	_ =	sfence.sel $0x180000  }
0x113: {  	[bflag:$0x0] =	sbarrier.arrive $0xFFFF  }
0x114: {  	_ =	strace $0x90000047  }
0x115: {  	[bflag:$0x2] =	sbarrier.arrive $0xFFFF  }
0x116: {  	s0 =	rddreg [dreg:$0x3]  }
0x117: {  	s0 =	sadd.s32 @!p0 $0x100000, s0  }
0x118: {  	[sflag:s0] =	ssyncadd.tile.s32 @!p0 $0x1;
	_ =	shalt  }
.Lfunc_end2:
_tile_overlayer_lowered:
.L_overlay_start_2:
0x119: {  	(tag) =	ssettag $0x2  }
0x11a: {  	s0 =	rddreg [dreg:$0x0];
	s2 =	stileid.u32  }
0x11b: {  	s1 =	rddreg [dreg:$0x1];
	p0 =	sne.s32 s2, $0x0  }
0x11c: {  	s3 =	rddreg [dreg:$0x2];
	[bflag:$0x3] =	sbarrier.arrive $0xFFFF;
	s2 =	simm.s32 @!p0 $0x1C05  }
0x11d: {  	[timem:s3], [sflag:s2] =	dma.local @!p0 [hbm:s0], s1  }
0x11e: {  	s0 =	simm.s32 @!p0 $0x5  }
0x11f: {  	_ =	swait.ge @!p0 [sflag:s0], s1  }
0x120: {  	s1 =	ssub.s32 @!p0 $0x0, s1;
	[sflag:s0] =	ssyncset.done @!p0 $0x0  }
0x121: {  	[sflag:s0] =	ssyncadd.s32 @!p0 s1  }
0x122: {  	[bflag:$0x3] =	sbarrier.arrive $0xFFFF  }
0x123: {  	_ =	shalt  }

</sc_bundles>
